<compile_context>
chip_gen: v7x
topology: tpu7x:2x2x1
jax: 0.10.2.dev20260603
libtpu: 0.0.44.dev20260713+nightly
codegen_flags: <defaults>
</compile_context>

<pallas_src>
import jax
import jax.numpy as jnp
from jax import lax
from jax.experimental import pallas as pl
from jax.experimental.pallas import tpu as pltpu
from jax.experimental.pallas import tpu_sc as plsc

N_NODES = 10000
NFEAT = 128
NHID = 512
NCLASS = 64
N_EDGES = 320000

NC = 2
NS = 16
CHUNK = 128
NCHUNK = 80
EDGE_PAD = NC * NS * NCHUNK * CHUNK
ACC_ROWS = 10240
ROWS_PER_TILE = ACC_ROWS // NS
ROW_BLK = 1280
N_BLOCKS = ACC_ROWS // ROW_BLK


def _sc_mesh():
    return plsc.VectorSubcoreMesh(core_axis_name="c", subcore_axis_name="s")


EDGES_PER_TILE = EDGE_PAD // (NC * NS)


def _deg_body(dst3f, zeros1, degp, didx1, hist):
    c = lax.axis_index("c")
    s = lax.axis_index("s")
    pltpu.sync_copy(zeros1, hist)
    pltpu.sync_copy(dst3f.at[c, s], didx1)
    ones_v = jnp.ones((16,), jnp.float32)

    def body(i, _):
        idx = didx1[pl.ds(i * 16, 16)]
        plsc.addupdate_scatter(hist, [idx], ones_v)
        return ()

    lax.fori_loop(0, EDGES_PER_TILE // 16, body, (), unroll=4)
    pltpu.sync_copy(hist, degp.at[c, s])


def _deg_pass(dst3f, zeros1):
    k = pl.kernel(
        _deg_body,
        out_type=jax.ShapeDtypeStruct((NC, NS, ACC_ROWS), jnp.float32),
        mesh=_sc_mesh(),
        scratch_types=[
            pltpu.VMEM((EDGES_PER_TILE,), jnp.int32),
            pltpu.VMEM((ACC_ROWS,), jnp.float32),
        ],
        compiler_params=pltpu.CompilerParams(needs_layout_passes=False),
    )
    return k(dst3f, zeros1)


W64 = NCLASS

NBUF = 4
N0 = 120
N1 = 40
N0TOT = NS * N0


def _make_agg_body(nslab):
    def body(*args):
        srcf, dstf = args[0], args[1]
        feats = args[2:2 + nslab]
        zerosw = args[2 + nslab]
        outs = args[3 + nslab:3 + 2 * nslab]
        rest = args[3 + 2 * nslab:]
        sidx, didx = rest[0], rest[1]
        bufs = rest[2:2 + NBUF]
        acc = rest[2 + NBUF]
        gsems = rest[3 + NBUF:3 + 2 * NBUF]
        ssems = rest[3 + 2 * NBUF:3 + 3 * NBUF]
        c = lax.axis_index("c")
        s = lax.axis_index("s")
        row0 = s * ROWS_PER_TILE

        @pl.when(c == 0)
        def _():
            pltpu.sync_copy(srcf.at[pl.ds(s * N0, N0)], sidx.at[pl.ds(0, N0)])
            pltpu.sync_copy(dstf.at[pl.ds(s * N0, N0)], didx.at[pl.ds(0, N0)])

        @pl.when(c == 1)
        def _():
            pltpu.sync_copy(srcf.at[pl.ds(N0TOT + s * N1, N1)],
                            sidx.at[pl.ds(0, N1)])
            pltpu.sync_copy(dstf.at[pl.ds(N0TOT + s * N1, N1)],
                            didx.at[pl.ds(0, N1)])

        def wait_gather(feat, buf, sem):
            pltpu.make_async_copy(feat.at[pl.ds(0, CHUNK)], buf, sem).wait()

        def wait_scatter(buf, sem):
            pltpu.make_async_copy(buf, acc.at[pl.ds(0, CHUNK)], sem).wait()

        def pipeline(feat, nchunk):
            for b in range(NBUF):
                pltpu.async_copy(feat.at[sidx.at[b]], bufs[b], gsems[b])

            def body2(j, _):
                for b in range(NBUF):
                    wait_gather(feat, bufs[b], gsems[b])
                    pltpu.async_copy(bufs[b], acc.at[didx.at[j + b]],
                                     ssems[b], add=True)
                for b in range(NBUF):
                    wait_scatter(bufs[b], ssems[b])

                    @pl.when(j + b + NBUF < nchunk)
                    def _():
                        pltpu.async_copy(feat.at[sidx.at[j + b + NBUF]],
                                         bufs[b], gsems[b])

                return ()

            lax.fori_loop(0, nchunk // NBUF,
                          lambda i, cr: body2(i * NBUF, cr), (), unroll=1)

        for feat, outp in zip(feats, outs):
            pltpu.sync_copy(zerosw.at[pl.ds(row0, ROWS_PER_TILE)],
                            acc.at[pl.ds(row0, ROWS_PER_TILE)])
            plsc.subcore_barrier()

            @pl.when(c == 0)
            def _():
                pipeline(feat, N0)

            @pl.when(c == 1)
            def _():
                pipeline(feat, N1)

            plsc.subcore_barrier()
            pltpu.sync_copy(acc.at[pl.ds(row0, ROWS_PER_TILE)],
                            outp.at[c, pl.ds(row0, ROWS_PER_TILE)])
    return body


def _agg_pass(srcf, dstf, feats, zerosw):
    nslab = len(feats)
    k = pl.kernel(
        _make_agg_body(nslab),
        out_type=[jax.ShapeDtypeStruct((NC, ACC_ROWS, W64), jnp.float32)
                  for _ in range(nslab)],
        mesh=_sc_mesh(),
        scratch_types=[
            pltpu.VMEM((max(N0, N1), CHUNK), jnp.int32),
            pltpu.VMEM((max(N0, N1), CHUNK), jnp.int32),
            *[pltpu.VMEM((CHUNK, W64), jnp.float32) for _ in range(NBUF)],
            pltpu.VMEM_SHARED((ACC_ROWS, W64), jnp.float32),
            *[pltpu.SemaphoreType.DMA for _ in range(2 * NBUF)],
        ],
        compiler_params=pltpu.CompilerParams(use_tc_tiling_on_sc=False),
    )
    return k(srcf, dstf, *feats, zerosw)


def _prescale_body(degp_ref, x_ref, xpl_ref, xpr_ref, dinvb_ref):
    dp = degp_ref[...]
    deg = 1.0 + jnp.sum(dp, axis=1, keepdims=True)
    dinv = lax.rsqrt(deg)
    dinvb = jnp.broadcast_to(dinv, (ROW_BLK, NFEAT))
    dinvb_ref[...] = dinvb
    xp = x_ref[...] * dinvb
    xpl_ref[...] = xp[:, :W64]
    xpr_ref[...] = xp[:, W64:]


def _tc_prescale(degp_t, x):
    return pl.pallas_call(
        _prescale_body,
        grid=(N_BLOCKS,),
        in_specs=[
            pl.BlockSpec((ROW_BLK, NC * NS), lambda i: (i, 0)),
            pl.BlockSpec((ROW_BLK, NFEAT), lambda i: (i, 0)),
        ],
        out_specs=[
            pl.BlockSpec((ROW_BLK, W64), lambda i: (i, 0)),
            pl.BlockSpec((ROW_BLK, W64), lambda i: (i, 0)),
            pl.BlockSpec((ROW_BLK, NFEAT), lambda i: (i, 0)),
        ],
        out_shape=[
            jax.ShapeDtypeStruct((ACC_ROWS, W64), jnp.float32),
            jax.ShapeDtypeStruct((ACC_ROWS, W64), jnp.float32),
            jax.ShapeDtypeStruct((ACC_ROWS, NFEAT), jnp.float32),
        ],
    )(degp_t, x)


def _mid_body(aggl_ref, aggr_ref, xpl_ref, xpr_ref, dinvb_ref,
              w1_ref, b1_ref, w2_ref, y_ref):
    al = aggl_ref[...]
    ar = aggr_ref[...]
    zl = al[0] + al[1] + xpl_ref[...]
    zr = ar[0] + ar[1] + xpr_ref[...]
    dinvb = dinvb_ref[...]
    z1 = dinvb * jnp.concatenate([zl, zr], axis=1)
    h = jnp.dot(z1, w1_ref[...], preferred_element_type=jnp.float32)
    h = jnp.maximum(h + b1_ref[...], 0.0)
    y = jnp.dot(h, w2_ref[...], preferred_element_type=jnp.float32)
    y_ref[...] = y * dinvb[:, :NCLASS]


def _tc_mid(aggl, aggr, xpl, xpr, dinvb, W1, b1r, W2):
    return pl.pallas_call(
        _mid_body,
        grid=(N_BLOCKS,),
        in_specs=[
            pl.BlockSpec((NC, ROW_BLK, W64), lambda i: (0, i, 0)),
            pl.BlockSpec((NC, ROW_BLK, W64), lambda i: (0, i, 0)),
            pl.BlockSpec((ROW_BLK, W64), lambda i: (i, 0)),
            pl.BlockSpec((ROW_BLK, W64), lambda i: (i, 0)),
            pl.BlockSpec((ROW_BLK, NFEAT), lambda i: (i, 0)),
            pl.BlockSpec((NFEAT, NHID), lambda i: (0, 0)),
            pl.BlockSpec((1, NHID), lambda i: (0, 0)),
            pl.BlockSpec((NHID, NCLASS), lambda i: (0, 0)),
        ],
        out_specs=pl.BlockSpec((ROW_BLK, NCLASS), lambda i: (i, 0)),
        out_shape=jax.ShapeDtypeStruct((ACC_ROWS, NCLASS), jnp.float32),
    )(aggl, aggr, xpl, xpr, dinvb, W1, b1r, W2)


def _final_body(aggp_ref, y_ref, dinvb_ref, b2_ref, out_ref):
    ap = aggp_ref[...]
    dinv = dinvb_ref[...][:, :NCLASS]
    z = dinv * (ap[0] + ap[1] + y_ref[...]) + b2_ref[...]
    zs = z * 5.0
    m = jnp.max(zs, axis=1, keepdims=True)
    e = jnp.exp(zs - m)
    lse = jnp.log(jnp.sum(e, axis=1, keepdims=True))
    out_ref[...] = (zs - m) - lse


def _tc_final(aggp, y, dinvb, b2r):
    return pl.pallas_call(
        _final_body,
        grid=(N_BLOCKS,),
        in_specs=[
            pl.BlockSpec((NC, ROW_BLK, NCLASS), lambda i: (0, i, 0)),
            pl.BlockSpec((ROW_BLK, NCLASS), lambda i: (i, 0)),
            pl.BlockSpec((ROW_BLK, NFEAT), lambda i: (i, 0)),
            pl.BlockSpec((1, NCLASS), lambda i: (0, 0)),
        ],
        out_specs=pl.BlockSpec((ROW_BLK, NCLASS), lambda i: (i, 0)),
        out_shape=jax.ShapeDtypeStruct((ACC_ROWS, NCLASS), jnp.float32),
    )(aggp, y, dinvb, b2r)


def kernel(x, edge_index, W1, b1, W2, b2):
    src = edge_index[0].astype(jnp.int32)
    dst = edge_index[1].astype(jnp.int32)
    npad = EDGE_PAD - N_EDGES
    srcp = jnp.concatenate([src, jnp.zeros((npad,), jnp.int32)])
    dstp = jnp.concatenate([dst, jnp.full((npad,), N_NODES, jnp.int32)])
    srcf = srcp.reshape(EDGE_PAD // CHUNK, CHUNK)
    dstf = dstp.reshape(EDGE_PAD // CHUNK, CHUNK)
    dst3f = dstp.reshape(NC, NS, EDGES_PER_TILE)

    zeros1 = jnp.zeros((ACC_ROWS,), jnp.float32)
    zeros64 = jnp.zeros((ACC_ROWS, W64), jnp.float32)

    xpad = jnp.zeros((ACC_ROWS, NFEAT), jnp.float32).at[:N_NODES].set(x)

    degp = _deg_pass(dst3f, zeros1)
    degp_t = degp.reshape(NC * NS, ACC_ROWS).T
    xpl, xpr, dinvb = _tc_prescale(degp_t, xpad)
    aggl, aggr = _agg_pass(srcf, dstf, [xpl, xpr], zeros64)
    y = _tc_mid(aggl, aggr, xpl, xpr, dinvb, W1, b1.reshape(1, NHID), W2)
    (agg2,) = _agg_pass(srcf, dstf, [y], zeros64)
    out = _tc_final(agg2, y, dinvb, b2.reshape(1, NCLASS))
    return out[:N_NODES]

# --- scband reference (transcript-rebuilt; emitter-appended) ---
"""Pipeline reference for scband-co-g-17308718202945 (READ-ONLY COPY).

The authoritative reference and input builder live on the scoring server;
editing this copy changes nothing except your own understanding.
"""

import jax, jax.numpy as jnp
import numpy as np

N_NODES = 10000
N_EDGES = 320000
NFEAT = 128
NHID = 512
NCLASS = 64


def setup_inputs(seed: int = 0) -> dict:
    key = jax.random.key(seed)
    k1, k2, k3, k4, k5, k6 = jax.random.split(key, 6)
    x = jax.random.normal(k1, (N_NODES, NFEAT), dtype=jnp.float32)
    edge_index = jax.random.randint(k2, (2, N_EDGES), 0, N_NODES, dtype=jnp.int64)
    W1 = jax.random.normal(k3, (NFEAT, NHID), dtype=jnp.float32) * (1.0 / np.sqrt(NFEAT))
    b1 = jnp.zeros((NHID,), dtype=jnp.float32)
    W2 = jax.random.normal(k4, (NHID, NCLASS), dtype=jnp.float32) * (1.0 / np.sqrt(NHID))
    b2 = jnp.zeros((NCLASS,), dtype=jnp.float32)
    return {"x": x, "edge_index": edge_index, "W1": W1, "b1": b1, "W2": W2, "b2": b2}


def _gcn_conv(x, edge_index, W, b, num_nodes):
    # Faithful PyG GCNConv: add self-loops (weight 1), symmetric deg normalization,
    # linear transform, scatter-add aggregation over dst, bias.
    src = edge_index[0]
    dst = edge_index[1]
    loop = jnp.arange(num_nodes, dtype=src.dtype)
    src = jnp.concatenate([src, loop])
    dst = jnp.concatenate([dst, loop])
    ew = jnp.ones(src.shape[0], dtype=x.dtype)
    deg = jnp.zeros((num_nodes,), dtype=x.dtype).at[dst].add(ew)
    dinv = jnp.where(deg > 0, deg ** -0.5, 0.0)
    norm = dinv[src] * dinv[dst]
    h = x @ W
    msg = h[src] * norm[:, None]
    out = jnp.zeros((num_nodes, W.shape[1]), dtype=x.dtype).at[dst].add(msg)
    return out + b


def reference(x, edge_index, W1, b1, W2, b2):
    # CoG.model_s (GCN) forward: conv1 -> relu -> (dropout=identity in eval) -> conv2 -> log_softmax(x/T)
    num_nodes = x.shape[0]
    h = _gcn_conv(x, edge_index, W1, b1, num_nodes)
    h = jax.nn.relu(h)
    out = _gcn_conv(h, edge_index, W2, b2, num_nodes)
    T = 0.2
    return jax.nn.log_softmax(out / T, axis=1)

if __name__ == "__main__":
    import jax
    _d = setup_inputs()
    print(jax.jit(kernel)(*tuple(_d.values())))

</pallas_src>

<mosaic_0001>
#map = affine_map<(d0, d1) -> (0, 0)>
#map1 = affine_map<(d0, d1) -> (0, 0, 0)>
module attributes {stable_mosaic.version = 14 : i64} {
  func.func @body(%arg0: i32, %arg1: i32, %arg2: memref<2560x128xi32, #tpu.memory_space<hbm>>, %arg3: memref<2560x128xi32, #tpu.memory_space<hbm>>, %arg4: memref<10240x64xf32, #tpu.memory_space<hbm>>, %arg5: memref<10240x64xf32, #tpu.memory_space<hbm>>, %arg6: memref<2x10240x64xf32, #tpu.memory_space<hbm>>, %arg7: memref<120x128xi32, #tpu.memory_space<vmem>>, %arg8: memref<120x128xi32, #tpu.memory_space<vmem>>, %arg9: memref<128x64xf32, #tpu.memory_space<vmem>>, %arg10: memref<128x64xf32, #tpu.memory_space<vmem>>, %arg11: memref<128x64xf32, #tpu.memory_space<vmem>>, %arg12: memref<128x64xf32, #tpu.memory_space<vmem>>, %arg13: memref<10240x64xf32, #tpu.memory_space<vmem_shared>>, %arg14: memref<!tpu.dma_semaphore, #tpu.memory_space<semaphore_mem>>, %arg15: memref<!tpu.dma_semaphore, #tpu.memory_space<semaphore_mem>>, %arg16: memref<!tpu.dma_semaphore, #tpu.memory_space<semaphore_mem>>, %arg17: memref<!tpu.dma_semaphore, #tpu.memory_space<semaphore_mem>>, %arg18: memref<!tpu.dma_semaphore, #tpu.memory_space<semaphore_mem>>, %arg19: memref<!tpu.dma_semaphore, #tpu.memory_space<semaphore_mem>>, %arg20: memref<!tpu.dma_semaphore, #tpu.memory_space<semaphore_mem>>, %arg21: memref<!tpu.dma_semaphore, #tpu.memory_space<semaphore_mem>>) attributes {dimension_semantics = [#tpu.dimension_semantics<core_parallel>, #tpu.dimension_semantics<subcore_parallel>], iteration_bounds = array<i64: 2, 16>, scalar_prefetch = 0 : i64, scratch_operands = 15 : i64, tpu.core_type = #tpu.core_type<sc_vector_subcore>, window_params = [{transform_indices = #map}, {transform_indices = #map}, {transform_indices = #map}, {transform_indices = #map}, {transform_indices = #map1}]} {
    %mul3A = arith.constant 640 : i32
    %mul3A_0 = arith.muli %arg1, %mul3A : i32
    %eq3A = arith.constant 0 : i32
    %eq3A_1 = arith.cmpi eq, %arg0, %eq3A : i32
    %convert_element_type3A = arith.extui %eq3A_1 : i1 to i32
    %cond3A = arith.constant 0 : i32
    %cond3A_2 = arith.cmpi ne, %convert_element_type3A, %cond3A : i32
    scf.if %cond3A_2 {
      %mul3A_19 = arith.constant 120 : i32
      %mul3A_20 = arith.muli %arg1, %mul3A_19 : i32
      "tpu.region"() ({
        %run_scoped3A = tpu.sem_alloc : memref<!tpu.dma_semaphore, #tpu.memory_space<semaphore_mem>>
        %dma_start3A = arith.constant 0 : i32
        %dma_start3A_23 = arith.constant 0 : i32
        %dma_start3A_24 = tpu.memref_slice %arg7[%dma_start3A, %dma_start3A_23] : memref<120x128xi32, #tpu.memory_space<vmem>> -> memref<120x128xi32, #tpu.memory_space<vmem>>
        %dma_start3A_25 = arith.constant 0 : i32
        %dma_start3A_26 = tpu.memref_slice %arg2[%mul3A_20, %dma_start3A_25] : memref<2560x128xi32, #tpu.memory_space<hbm>> -> memref<120x128xi32, #tpu.memory_space<hbm>>
        %dma_start3A_27 = arith.constant 0 : i32
        %dma_start3A_28 = arith.constant 0 : i32
        %dma_start3A_29 = tpu.memref_slice %arg7[%dma_start3A_27, %dma_start3A_28] : memref<120x128xi32, #tpu.memory_space<vmem>> -> memref<120x128xi32, #tpu.memory_space<vmem>>
        %dma_start3A_30 = arith.constant 0 : i32
        %dma_start3A_31 = tpu.memref_slice %arg2[%mul3A_20, %dma_start3A_30] : memref<2560x128xi32, #tpu.memory_space<hbm>> -> memref<120x128xi32, #tpu.memory_space<hbm>>
        tpu.enqueue_dma source(%dma_start3A_31 : memref<120x128xi32, #tpu.memory_space<hbm>>) target(%dma_start3A_29 : memref<120x128xi32, #tpu.memory_space<vmem>>) target_semaphore(%run_scoped3A : memref<!tpu.dma_semaphore, #tpu.memory_space<semaphore_mem>>)
        %dma_wait3A = arith.constant 0 : i32
        %dma_wait3A_32 = arith.constant 0 : i32
        %dma_wait3A_33 = tpu.memref_slice %arg7[%dma_wait3A, %dma_wait3A_32] : memref<120x128xi32, #tpu.memory_space<vmem>> -> memref<120x128xi32, #tpu.memory_space<vmem>>
        %dma_wait3A_34 = arith.constant 0 : i32
        %dma_wait3A_35 = tpu.memref_slice %arg2[%mul3A_20, %dma_wait3A_34] : memref<2560x128xi32, #tpu.memory_space<hbm>> -> memref<120x128xi32, #tpu.memory_space<hbm>>
        %dma_wait3A_36 = arith.constant 0 : i32
        %dma_wait3A_37 = arith.constant 0 : i32
        %dma_wait3A_38 = tpu.memref_slice %arg7[%dma_wait3A_36, %dma_wait3A_37] : memref<120x128xi32, #tpu.memory_space<vmem>> -> memref<120x128xi32, #tpu.memory_space<vmem>>
        %dma_wait3A_39 = arith.constant 0 : i32
        %dma_wait3A_40 = tpu.memref_slice %arg2[%mul3A_20, %dma_wait3A_39] : memref<2560x128xi32, #tpu.memory_space<hbm>> -> memref<120x128xi32, #tpu.memory_space<hbm>>
        tpu.wait_dma2 semaphore(%run_scoped3A : memref<!tpu.dma_semaphore, #tpu.memory_space<semaphore_mem>>) src(%dma_wait3A_40 : memref<120x128xi32, #tpu.memory_space<hbm>>) dst(%dma_wait3A_38 : memref<120x128xi32, #tpu.memory_space<vmem>>)
        tpu.yield
      }) : () -> ()
      %mul3A_21 = arith.constant 120 : i32
      %mul3A_22 = arith.muli %arg1, %mul3A_21 : i32
      "tpu.region"() ({
        %run_scoped3A = tpu.sem_alloc : memref<!tpu.dma_semaphore, #tpu.memory_space<semaphore_mem>>
        %dma_start3A = arith.constant 0 : i32
        %dma_start3A_23 = arith.constant 0 : i32
        %dma_start3A_24 = tpu.memref_slice %arg8[%dma_start3A, %dma_start3A_23] : memref<120x128xi32, #tpu.memory_space<vmem>> -> memref<120x128xi32, #tpu.memory_space<vmem>>
        %dma_start3A_25 = arith.constant 0 : i32
        %dma_start3A_26 = tpu.memref_slice %arg3[%mul3A_22, %dma_start3A_25] : memref<2560x128xi32, #tpu.memory_space<hbm>> -> memref<120x128xi32, #tpu.memory_space<hbm>>
        %dma_start3A_27 = arith.constant 0 : i32
        %dma_start3A_28 = arith.constant 0 : i32
        %dma_start3A_29 = tpu.memref_slice %arg8[%dma_start3A_27, %dma_start3A_28] : memref<120x128xi32, #tpu.memory_space<vmem>> -> memref<120x128xi32, #tpu.memory_space<vmem>>
        %dma_start3A_30 = arith.constant 0 : i32
        %dma_start3A_31 = tpu.memref_slice %arg3[%mul3A_22, %dma_start3A_30] : memref<2560x128xi32, #tpu.memory_space<hbm>> -> memref<120x128xi32, #tpu.memory_space<hbm>>
        tpu.enqueue_dma source(%dma_start3A_31 : memref<120x128xi32, #tpu.memory_space<hbm>>) target(%dma_start3A_29 : memref<120x128xi32, #tpu.memory_space<vmem>>) target_semaphore(%run_scoped3A : memref<!tpu.dma_semaphore, #tpu.memory_space<semaphore_mem>>)
        %dma_wait3A = arith.constant 0 : i32
        %dma_wait3A_32 = arith.constant 0 : i32
        %dma_wait3A_33 = tpu.memref_slice %arg8[%dma_wait3A, %dma_wait3A_32] : memref<120x128xi32, #tpu.memory_space<vmem>> -> memref<120x128xi32, #tpu.memory_space<vmem>>
        %dma_wait3A_34 = arith.constant 0 : i32
        %dma_wait3A_35 = tpu.memref_slice %arg3[%mul3A_22, %dma_wait3A_34] : memref<2560x128xi32, #tpu.memory_space<hbm>> -> memref<120x128xi32, #tpu.memory_space<hbm>>
        %dma_wait3A_36 = arith.constant 0 : i32
        %dma_wait3A_37 = arith.constant 0 : i32
        %dma_wait3A_38 = tpu.memref_slice %arg8[%dma_wait3A_36, %dma_wait3A_37] : memref<120x128xi32, #tpu.memory_space<vmem>> -> memref<120x128xi32, #tpu.memory_space<vmem>>
        %dma_wait3A_39 = arith.constant 0 : i32
        %dma_wait3A_40 = tpu.memref_slice %arg3[%mul3A_22, %dma_wait3A_39] : memref<2560x128xi32, #tpu.memory_space<hbm>> -> memref<120x128xi32, #tpu.memory_space<hbm>>
        tpu.wait_dma2 semaphore(%run_scoped3A : memref<!tpu.dma_semaphore, #tpu.memory_space<semaphore_mem>>) src(%dma_wait3A_40 : memref<120x128xi32, #tpu.memory_space<hbm>>) dst(%dma_wait3A_38 : memref<120x128xi32, #tpu.memory_space<vmem>>)
        tpu.yield
      }) : () -> ()
    } else {
    }
    %eq3A_3 = arith.constant 1 : i32
    %eq3A_4 = arith.cmpi eq, %arg0, %eq3A_3 : i32
    %convert_element_type3A_5 = arith.extui %eq3A_4 : i1 to i32
    %cond3A_6 = arith.constant 0 : i32
    %cond3A_7 = arith.cmpi ne, %convert_element_type3A_5, %cond3A_6 : i32
    scf.if %cond3A_7 {
      %mul3A_19 = arith.constant 40 : i32
      %mul3A_20 = arith.muli %arg1, %mul3A_19 : i32
      %add3A = arith.constant 1920 : i32
      %add3A_21 = arith.addi %add3A, %mul3A_20 : i32
      "tpu.region"() ({
        %run_scoped3A = tpu.sem_alloc : memref<!tpu.dma_semaphore, #tpu.memory_space<semaphore_mem>>
        %dma_start3A = arith.constant 0 : i32
        %dma_start3A_26 = arith.constant 0 : i32
        %dma_start3A_27 = tpu.memref_slice %arg7[%dma_start3A, %dma_start3A_26] : memref<120x128xi32, #tpu.memory_space<vmem>> -> memref<40x128xi32, #tpu.memory_space<vmem>>
        %dma_start3A_28 = arith.constant 0 : i32
        %dma_start3A_29 = tpu.memref_slice %arg2[%add3A_21, %dma_start3A_28] : memref<2560x128xi32, #tpu.memory_space<hbm>> -> memref<40x128xi32, #tpu.memory_space<hbm>>
        %dma_start3A_30 = arith.constant 0 : i32
        %dma_start3A_31 = arith.constant 0 : i32
        %dma_start3A_32 = tpu.memref_slice %arg7[%dma_start3A_30, %dma_start3A_31] : memref<120x128xi32, #tpu.memory_space<vmem>> -> memref<40x128xi32, #tpu.memory_space<vmem>>
        %dma_start3A_33 = arith.constant 0 : i32
        %dma_start3A_34 = tpu.memref_slice %arg2[%add3A_21, %dma_start3A_33] : memref<2560x128xi32, #tpu.memory_space<hbm>> -> memref<40x128xi32, #tpu.memory_space<hbm>>
        tpu.enqueue_dma source(%dma_start3A_34 : memref<40x128xi32, #tpu.memory_space<hbm>>) target(%dma_start3A_32 : memref<40x128xi32, #tpu.memory_space<vmem>>) target_semaphore(%run_scoped3A : memref<!tpu.dma_semaphore, #tpu.memory_space<semaphore_mem>>)
        %dma_wait3A = arith.constant 0 : i32
        %dma_wait3A_35 = arith.constant 0 : i32
        %dma_wait3A_36 = tpu.memref_slice %arg7[%dma_wait3A, %dma_wait3A_35] : memref<120x128xi32, #tpu.memory_space<vmem>> -> memref<40x128xi32, #tpu.memory_space<vmem>>
        %dma_wait3A_37 = arith.constant 0 : i32
        %dma_wait3A_38 = tpu.memref_slice %arg2[%add3A_21, %dma_wait3A_37] : memref<2560x128xi32, #tpu.memory_space<hbm>> -> memref<40x128xi32, #tpu.memory_space<hbm>>
        %dma_wait3A_39 = arith.constant 0 : i32
        %dma_wait3A_40 = arith.constant 0 : i32
        %dma_wait3A_41 = tpu.memref_slice %arg7[%dma_wait3A_39, %dma_wait3A_40] : memref<120x128xi32, #tpu.memory_space<vmem>> -> memref<40x128xi32, #tpu.memory_space<vmem>>
        %dma_wait3A_42 = arith.constant 0 : i32
        %dma_wait3A_43 = tpu.memref_slice %arg2[%add3A_21, %dma_wait3A_42] : memref<2560x128xi32, #tpu.memory_space<hbm>> -> memref<40x128xi32, #tpu.memory_space<hbm>>
        tpu.wait_dma2 semaphore(%run_scoped3A : memref<!tpu.dma_semaphore, #tpu.memory_space<semaphore_mem>>) src(%dma_wait3A_43 : memref<40x128xi32, #tpu.memory_space<hbm>>) dst(%dma_wait3A_41 : memref<40x128xi32, #tpu.memory_space<vmem>>)
        tpu.yield
      }) : () -> ()
      %mul3A_22 = arith.constant 40 : i32
      %mul3A_23 = arith.muli %arg1, %mul3A_22 : i32
      %add3A_24 = arith.constant 1920 : i32
      %add3A_25 = arith.addi %add3A_24, %mul3A_23 : i32
      "tpu.region"() ({
        %run_scoped3A = tpu.sem_alloc : memref<!tpu.dma_semaphore, #tpu.memory_space<semaphore_mem>>
        %dma_start3A = arith.constant 0 : i32
        %dma_start3A_26 = arith.constant 0 : i32
        %dma_start3A_27 = tpu.memref_slice %arg8[%dma_start3A, %dma_start3A_26] : memref<120x128xi32, #tpu.memory_space<vmem>> -> memref<40x128xi32, #tpu.memory_space<vmem>>
        %dma_start3A_28 = arith.constant 0 : i32
        %dma_start3A_29 = tpu.memref_slice %arg3[%add3A_25, %dma_start3A_28] : memref<2560x128xi32, #tpu.memory_space<hbm>> -> memref<40x128xi32, #tpu.memory_space<hbm>>
        %dma_start3A_30 = arith.constant 0 : i32
        %dma_start3A_31 = arith.constant 0 : i32
        %dma_start3A_32 = tpu.memref_slice %arg8[%dma_start3A_30, %dma_start3A_31] : memref<120x128xi32, #tpu.memory_space<vmem>> -> memref<40x128xi32, #tpu.memory_space<vmem>>
        %dma_start3A_33 = arith.constant 0 : i32
        %dma_start3A_34 = tpu.memref_slice %arg3[%add3A_25, %dma_start3A_33] : memref<2560x128xi32, #tpu.memory_space<hbm>> -> memref<40x128xi32, #tpu.memory_space<hbm>>
        tpu.enqueue_dma source(%dma_start3A_34 : memref<40x128xi32, #tpu.memory_space<hbm>>) target(%dma_start3A_32 : memref<40x128xi32, #tpu.memory_space<vmem>>) target_semaphore(%run_scoped3A : memref<!tpu.dma_semaphore, #tpu.memory_space<semaphore_mem>>)
        %dma_wait3A = arith.constant 0 : i32
        %dma_wait3A_35 = arith.constant 0 : i32
        %dma_wait3A_36 = tpu.memref_slice %arg8[%dma_wait3A, %dma_wait3A_35] : memref<120x128xi32, #tpu.memory_space<vmem>> -> memref<40x128xi32, #tpu.memory_space<vmem>>
        %dma_wait3A_37 = arith.constant 0 : i32
        %dma_wait3A_38 = tpu.memref_slice %arg3[%add3A_25, %dma_wait3A_37] : memref<2560x128xi32, #tpu.memory_space<hbm>> -> memref<40x128xi32, #tpu.memory_space<hbm>>
        %dma_wait3A_39 = arith.constant 0 : i32
        %dma_wait3A_40 = arith.constant 0 : i32
        %dma_wait3A_41 = tpu.memref_slice %arg8[%dma_wait3A_39, %dma_wait3A_40] : memref<120x128xi32, #tpu.memory_space<vmem>> -> memref<40x128xi32, #tpu.memory_space<vmem>>
        %dma_wait3A_42 = arith.constant 0 : i32
        %dma_wait3A_43 = tpu.memref_slice %arg3[%add3A_25, %dma_wait3A_42] : memref<2560x128xi32, #tpu.memory_space<hbm>> -> memref<40x128xi32, #tpu.memory_space<hbm>>
        tpu.wait_dma2 semaphore(%run_scoped3A : memref<!tpu.dma_semaphore, #tpu.memory_space<semaphore_mem>>) src(%dma_wait3A_43 : memref<40x128xi32, #tpu.memory_space<hbm>>) dst(%dma_wait3A_41 : memref<40x128xi32, #tpu.memory_space<vmem>>)
        tpu.yield
      }) : () -> ()
    } else {
    }
    "tpu.region"() ({
      %run_scoped3A = tpu.sem_alloc : memref<!tpu.dma_semaphore, #tpu.memory_space<semaphore_mem>>
      %dma_start3A = arith.constant 0 : i32
      %dma_start3A_19 = tpu.memref_slice %arg13[%mul3A_0, %dma_start3A] : memref<10240x64xf32, #tpu.memory_space<vmem_shared>> -> memref<640x64xf32, #tpu.memory_space<vmem_shared>>
      %dma_start3A_20 = arith.constant 0 : i32
      %dma_start3A_21 = tpu.memref_slice %arg5[%mul3A_0, %dma_start3A_20] : memref<10240x64xf32, #tpu.memory_space<hbm>> -> memref<640x64xf32, #tpu.memory_space<hbm>>
      tpu.enqueue_dma source(%dma_start3A_21 : memref<640x64xf32, #tpu.memory_space<hbm>>) target(%dma_start3A_19 : memref<640x64xf32, #tpu.memory_space<vmem_shared>>) target_semaphore(%run_scoped3A : memref<!tpu.dma_semaphore, #tpu.memory_space<semaphore_mem>>)
      %dma_wait3A = arith.constant 0 : i32
      %dma_wait3A_22 = tpu.memref_slice %arg13[%mul3A_0, %dma_wait3A] : memref<10240x64xf32, #tpu.memory_space<vmem_shared>> -> memref<640x64xf32, #tpu.memory_space<vmem_shared>>
      %dma_wait3A_23 = arith.constant 0 : i32
      %dma_wait3A_24 = tpu.memref_slice %arg5[%mul3A_0, %dma_wait3A_23] : memref<10240x64xf32, #tpu.memory_space<hbm>> -> memref<640x64xf32, #tpu.memory_space<hbm>>
      tpu.wait_dma2 semaphore(%run_scoped3A : memref<!tpu.dma_semaphore, #tpu.memory_space<semaphore_mem>>) src(%dma_wait3A_24 : memref<640x64xf32, #tpu.memory_space<hbm>>) dst(%dma_wait3A_22 : memref<640x64xf32, #tpu.memory_space<vmem_shared>>)
      tpu.yield
    }) : () -> ()
    %barrier3A = arith.constant 0 : index
    tpu.barrier barrier_id(%barrier3A)
    %eq3A_8 = arith.constant 0 : i32
    %eq3A_9 = arith.cmpi eq, %arg0, %eq3A_8 : i32
    %convert_element_type3A_10 = arith.extui %eq3A_9 : i1 to i32
    %cond3A_11 = arith.constant 0 : i32
    %cond3A_12 = arith.cmpi ne, %convert_element_type3A_10, %cond3A_11 : i32
    scf.if %cond3A_12 {
      %dma_start3A = arith.constant 0 : i32
      %dma_start3A_19 = arith.constant 0 : i32
      %dma_start3A_20 = tpu.memref_slice %arg7[%dma_start3A, %dma_start3A_19] : memref<120x128xi32, #tpu.memory_space<vmem>> -> memref<1x128xi32, #tpu.memory_space<vmem>>
      %dma_start3A_21 = tpu.memref_squeeze %dma_start3A_20 : memref<1x128xi32, #tpu.memory_space<vmem>> -> memref<128xi32, #tpu.memory_space<vmem>>
      %dma_start3A_22 = arith.constant 0 : i32
      %dma_start3A_23 = arith.constant 0 : i32
      %dma_start3A_24 = tpu.memref_slice %arg4[%dma_start3A_22, %dma_start3A_23] : memref<10240x64xf32, #tpu.memory_space<hbm>> -> memref<10240x64xf32, #tpu.memory_space<hbm>>
      tpu.enqueue_indirect_dma source(%dma_start3A_24 : memref<10240x64xf32, #tpu.memory_space<hbm>>) target(%arg9 : memref<128x64xf32, #tpu.memory_space<vmem>>) offsets(%dma_start3A_21 : memref<128xi32, #tpu.memory_space<vmem>>) semaphore(%arg14 : memref<!tpu.dma_semaphore, #tpu.memory_space<semaphore_mem>>)
      %dma_start3A_25 = arith.constant 1 : i32
      %dma_start3A_26 = arith.constant 0 : i32
      %dma_start3A_27 = tpu.memref_slice %arg7[%dma_start3A_25, %dma_start3A_26] : memref<120x128xi32, #tpu.memory_space<vmem>> -> memref<1x128xi32, #tpu.memory_space<vmem>>
      %dma_start3A_28 = tpu.memref_squeeze %dma_start3A_27 : memref<1x128xi32, #tpu.memory_space<vmem>> -> memref<128xi32, #tpu.memory_space<vmem>>
      %dma_start3A_29 = arith.constant 0 : i32
      %dma_start3A_30 = arith.constant 0 : i32
      %dma_start3A_31 = tpu.memref_slice %arg4[%dma_start3A_29, %dma_start3A_30] : memref<10240x64xf32, #tpu.memory_space<hbm>> -> memref<10240x64xf32, #tpu.memory_space<hbm>>
      tpu.enqueue_indirect_dma source(%dma_start3A_31 : memref<10240x64xf32, #tpu.memory_space<hbm>>) target(%arg10 : memref<128x64xf32, #tpu.memory_space<vmem>>) offsets(%dma_start3A_28 : memref<128xi32, #tpu.memory_space<vmem>>) semaphore(%arg15 : memref<!tpu.dma_semaphore, #tpu.memory_space<semaphore_mem>>)
      %dma_start3A_32 = arith.constant 2 : i32
      %dma_start3A_33 = arith.constant 0 : i32
      %dma_start3A_34 = tpu.memref_slice %arg7[%dma_start3A_32, %dma_start3A_33] : memref<120x128xi32, #tpu.memory_space<vmem>> -> memref<1x128xi32, #tpu.memory_space<vmem>>
      %dma_start3A_35 = tpu.memref_squeeze %dma_start3A_34 : memref<1x128xi32, #tpu.memory_space<vmem>> -> memref<128xi32, #tpu.memory_space<vmem>>
      %dma_start3A_36 = arith.constant 0 : i32
      %dma_start3A_37 = arith.constant 0 : i32
      %dma_start3A_38 = tpu.memref_slice %arg4[%dma_start3A_36, %dma_start3A_37] : memref<10240x64xf32, #tpu.memory_space<hbm>> -> memref<10240x64xf32, #tpu.memory_space<hbm>>
      tpu.enqueue_indirect_dma source(%dma_start3A_38 : memref<10240x64xf32, #tpu.memory_space<hbm>>) target(%arg11 : memref<128x64xf32, #tpu.memory_space<vmem>>) offsets(%dma_start3A_35 : memref<128xi32, #tpu.memory_space<vmem>>) semaphore(%arg16 : memref<!tpu.dma_semaphore, #tpu.memory_space<semaphore_mem>>)
      %dma_start3A_39 = arith.constant 3 : i32
      %dma_start3A_40 = arith.constant 0 : i32
      %dma_start3A_41 = tpu.memref_slice %arg7[%dma_start3A_39, %dma_start3A_40] : memref<120x128xi32, #tpu.memory_space<vmem>> -> memref<1x128xi32, #tpu.memory_space<vmem>>
      %dma_start3A_42 = tpu.memref_squeeze %dma_start3A_41 : memref<1x128xi32, #tpu.memory_space<vmem>> -> memref<128xi32, #tpu.memory_space<vmem>>
      %dma_start3A_43 = arith.constant 0 : i32
      %dma_start3A_44 = arith.constant 0 : i32
      %dma_start3A_45 = tpu.memref_slice %arg4[%dma_start3A_43, %dma_start3A_44] : memref<10240x64xf32, #tpu.memory_space<hbm>> -> memref<10240x64xf32, #tpu.memory_space<hbm>>
      tpu.enqueue_indirect_dma source(%dma_start3A_45 : memref<10240x64xf32, #tpu.memory_space<hbm>>) target(%arg12 : memref<128x64xf32, #tpu.memory_space<vmem>>) offsets(%dma_start3A_42 : memref<128xi32, #tpu.memory_space<vmem>>) semaphore(%arg17 : memref<!tpu.dma_semaphore, #tpu.memory_space<semaphore_mem>>)
      %scan3A = arith.constant 0 : i32
      %scan3A_46 = arith.constant 30 : i32
      %scan3A_47 = arith.addi %scan3A, %scan3A_46 : i32
      %scan3A_48 = arith.constant 1 : i32
      scf.for %scan3A_50 = %scan3A to %scan3A_47 step %scan3A_48  : i32 {
        %mul3A_51 = arith.constant 4 : i32
        %mul3A_52 = arith.muli %scan3A_50, %mul3A_51 : i32
        %dma_wait3A = arith.constant 0 : i32
        %dma_wait3A_53 = arith.constant 0 : i32
        %dma_wait3A_54 = tpu.memref_slice %arg4[%dma_wait3A, %dma_wait3A_53] : memref<10240x64xf32, #tpu.memory_space<hbm>> -> memref<128x64xf32, #tpu.memory_space<hbm>>
        %dma_wait3A_55 = arith.constant 0 : i32
        %dma_wait3A_56 = arith.constant 0 : i32
        %dma_wait3A_57 = tpu.memref_slice %arg4[%dma_wait3A_55, %dma_wait3A_56] : memref<10240x64xf32, #tpu.memory_space<hbm>> -> memref<128x64xf32, #tpu.memory_space<hbm>>
        tpu.wait_dma2 semaphore(%arg14 : memref<!tpu.dma_semaphore, #tpu.memory_space<semaphore_mem>>) src(%dma_wait3A_57 : memref<128x64xf32, #tpu.memory_space<hbm>>) dst(%arg9 : memref<128x64xf32, #tpu.memory_space<vmem>>)
        %add3A = arith.constant 0 : i32
        %add3A_58 = arith.addi %mul3A_52, %add3A : i32
        %dma_start3A_59 = arith.constant 0 : i32
        %dma_start3A_60 = tpu.memref_slice %arg8[%add3A_58, %dma_start3A_59] : memref<120x128xi32, #tpu.memory_space<vmem>> -> memref<1x128xi32, #tpu.memory_space<vmem>>
        %dma_start3A_61 = tpu.memref_squeeze %dma_start3A_60 : memref<1x128xi32, #tpu.memory_space<vmem>> -> memref<128xi32, #tpu.memory_space<vmem>>
        %dma_start3A_62 = arith.constant 0 : i32
        %dma_start3A_63 = arith.constant 0 : i32
        %dma_start3A_64 = tpu.memref_slice %arg13[%dma_start3A_62, %dma_start3A_63] : memref<10240x64xf32, #tpu.memory_space<vmem_shared>> -> memref<10240x64xf32, #tpu.memory_space<vmem_shared>>
        tpu.enqueue_indirect_dma source(%arg9 : memref<128x64xf32, #tpu.memory_space<vmem>>) target(%dma_start3A_64 : memref<10240x64xf32, #tpu.memory_space<vmem_shared>>) offsets(%dma_start3A_61 : memref<128xi32, #tpu.memory_space<vmem>>) semaphore(%arg18 : memref<!tpu.dma_semaphore, #tpu.memory_space<semaphore_mem>>) {add = true}
        %dma_wait3A_65 = arith.constant 0 : i32
        %dma_wait3A_66 = arith.constant 0 : i32
        %dma_wait3A_67 = tpu.memref_slice %arg4[%dma_wait3A_65, %dma_wait3A_66] : memref<10240x64xf32, #tpu.memory_space<hbm>> -> memref<128x64xf32, #tpu.memory_space<hbm>>
        %dma_wait3A_68 = arith.constant 0 : i32
        %dma_wait3A_69 = arith.constant 0 : i32
        %dma_wait3A_70 = tpu.memref_slice %arg4[%dma_wait3A_68, %dma_wait3A_69] : memref<10240x64xf32, #tpu.memory_space<hbm>> -> memref<128x64xf32, #tpu.memory_space<hbm>>
        tpu.wait_dma2 semaphore(%arg15 : memref<!tpu.dma_semaphore, #tpu.memory_space<semaphore_mem>>) src(%dma_wait3A_70 : memref<128x64xf32, #tpu.memory_space<hbm>>) dst(%arg10 : memref<128x64xf32, #tpu.memory_space<vmem>>)
        %add3A_71 = arith.constant 1 : i32
        %add3A_72 = arith.addi %mul3A_52, %add3A_71 : i32
        %dma_start3A_73 = arith.constant 0 : i32
        %dma_start3A_74 = tpu.memref_slice %arg8[%add3A_72, %dma_start3A_73] : memref<120x128xi32, #tpu.memory_space<vmem>> -> memref<1x128xi32, #tpu.memory_space<vmem>>
        %dma_start3A_75 = tpu.memref_squeeze %dma_start3A_74 : memref<1x128xi32, #tpu.memory_space<vmem>> -> memref<128xi32, #tpu.memory_space<vmem>>
        %dma_start3A_76 = arith.constant 0 : i32
        %dma_start3A_77 = arith.constant 0 : i32
        %dma_start3A_78 = tpu.memref_slice %arg13[%dma_start3A_76, %dma_start3A_77] : memref<10240x64xf32, #tpu.memory_space<vmem_shared>> -> memref<10240x64xf32, #tpu.memory_space<vmem_shared>>
        tpu.enqueue_indirect_dma source(%arg10 : memref<128x64xf32, #tpu.memory_space<vmem>>) target(%dma_start3A_78 : memref<10240x64xf32, #tpu.memory_space<vmem_shared>>) offsets(%dma_start3A_75 : memref<128xi32, #tpu.memory_space<vmem>>) semaphore(%arg19 : memref<!tpu.dma_semaphore, #tpu.memory_space<semaphore_mem>>) {add = true}
        %dma_wait3A_79 = arith.constant 0 : i32
        %dma_wait3A_80 = arith.constant 0 : i32
        %dma_wait3A_81 = tpu.memref_slice %arg4[%dma_wait3A_79, %dma_wait3A_80] : memref<10240x64xf32, #tpu.memory_space<hbm>> -> memref<128x64xf32, #tpu.memory_space<hbm>>
        %dma_wait3A_82 = arith.constant 0 : i32
        %dma_wait3A_83 = arith.constant 0 : i32
        %dma_wait3A_84 = tpu.memref_slice %arg4[%dma_wait3A_82, %dma_wait3A_83] : memref<10240x64xf32, #tpu.memory_space<hbm>> -> memref<128x64xf32, #tpu.memory_space<hbm>>
        tpu.wait_dma2 semaphore(%arg16 : memref<!tpu.dma_semaphore, #tpu.memory_space<semaphore_mem>>) src(%dma_wait3A_84 : memref<128x64xf32, #tpu.memory_space<hbm>>) dst(%arg11 : memref<128x64xf32, #tpu.memory_space<vmem>>)
        %add3A_85 = arith.constant 2 : i32
        %add3A_86 = arith.addi %mul3A_52, %add3A_85 : i32
        %dma_start3A_87 = arith.constant 0 : i32
        %dma_start3A_88 = tpu.memref_slice %arg8[%add3A_86, %dma_start3A_87] : memref<120x128xi32, #tpu.memory_space<vmem>> -> memref<1x128xi32, #tpu.memory_space<vmem>>
        %dma_start3A_89 = tpu.memref_squeeze %dma_start3A_88 : memref<1x128xi32, #tpu.memory_space<vmem>> -> memref<128xi32, #tpu.memory_space<vmem>>
        %dma_start3A_90 = arith.constant 0 : i32
        %dma_start3A_91 = arith.constant 0 : i32
        %dma_start3A_92 = tpu.memref_slice %arg13[%dma_start3A_90, %dma_start3A_91] : memref<10240x64xf32, #tpu.memory_space<vmem_shared>> -> memref<10240x64xf32, #tpu.memory_space<vmem_shared>>
        tpu.enqueue_indirect_dma source(%arg11 : memref<128x64xf32, #tpu.memory_space<vmem>>) target(%dma_start3A_92 : memref<10240x64xf32, #tpu.memory_space<vmem_shared>>) offsets(%dma_start3A_89 : memref<128xi32, #tpu.memory_space<vmem>>) semaphore(%arg20 : memref<!tpu.dma_semaphore, #tpu.memory_space<semaphore_mem>>) {add = true}
        %dma_wait3A_93 = arith.constant 0 : i32
        %dma_wait3A_94 = arith.constant 0 : i32
        %dma_wait3A_95 = tpu.memref_slice %arg4[%dma_wait3A_93, %dma_wait3A_94] : memref<10240x64xf32, #tpu.memory_space<hbm>> -> memref<128x64xf32, #tpu.memory_space<hbm>>
        %dma_wait3A_96 = arith.constant 0 : i32
        %dma_wait3A_97 = arith.constant 0 : i32
        %dma_wait3A_98 = tpu.memref_slice %arg4[%dma_wait3A_96, %dma_wait3A_97] : memref<10240x64xf32, #tpu.memory_space<hbm>> -> memref<128x64xf32, #tpu.memory_space<hbm>>
        tpu.wait_dma2 semaphore(%arg17 : memref<!tpu.dma_semaphore, #tpu.memory_space<semaphore_mem>>) src(%dma_wait3A_98 : memref<128x64xf32, #tpu.memory_space<hbm>>) dst(%arg12 : memref<128x64xf32, #tpu.memory_space<vmem>>)
        %add3A_99 = arith.constant 3 : i32
        %add3A_100 = arith.addi %mul3A_52, %add3A_99 : i32
        %dma_start3A_101 = arith.constant 0 : i32
        %dma_start3A_102 = tpu.memref_slice %arg8[%add3A_100, %dma_start3A_101] : memref<120x128xi32, #tpu.memory_space<vmem>> -> memref<1x128xi32, #tpu.memory_space<vmem>>
        %dma_start3A_103 = tpu.memref_squeeze %dma_start3A_102 : memref<1x128xi32, #tpu.memory_space<vmem>> -> memref<128xi32, #tpu.memory_space<vmem>>
        %dma_start3A_104 = arith.constant 0 : i32
        %dma_start3A_105 = arith.constant 0 : i32
        %dma_start3A_106 = tpu.memref_slice %arg13[%dma_start3A_104, %dma_start3A_105] : memref<10240x64xf32, #tpu.memory_space<vmem_shared>> -> memref<10240x64xf32, #tpu.memory_space<vmem_shared>>
        tpu.enqueue_indirect_dma source(%arg12 : memref<128x64xf32, #tpu.memory_space<vmem>>) target(%dma_start3A_106 : memref<10240x64xf32, #tpu.memory_space<vmem_shared>>) offsets(%dma_start3A_103 : memref<128xi32, #tpu.memory_space<vmem>>) semaphore(%arg21 : memref<!tpu.dma_semaphore, #tpu.memory_space<semaphore_mem>>) {add = true}
        %dma_wait3A_107 = arith.constant 0 : i32
        %dma_wait3A_108 = arith.constant 0 : i32
        %dma_wait3A_109 = tpu.memref_slice %arg13[%dma_wait3A_107, %dma_wait3A_108] : memref<10240x64xf32, #tpu.memory_space<vmem_shared>> -> memref<128x64xf32, #tpu.memory_space<vmem_shared>>
        %dma_wait3A_110 = arith.constant 0 : i32
        %dma_wait3A_111 = arith.constant 0 : i32
        %dma_wait3A_112 = tpu.memref_slice %arg13[%dma_wait3A_110, %dma_wait3A_111] : memref<10240x64xf32, #tpu.memory_space<vmem_shared>> -> memref<128x64xf32, #tpu.memory_space<vmem_shared>>
        tpu.wait_dma2 semaphore(%arg18 : memref<!tpu.dma_semaphore, #tpu.memory_space<semaphore_mem>>) src(%arg9 : memref<128x64xf32, #tpu.memory_space<vmem>>) dst(%dma_wait3A_112 : memref<128x64xf32, #tpu.memory_space<vmem_shared>>)
        %add3A_113 = arith.constant 0 : i32
        %add3A_114 = arith.addi %mul3A_52, %add3A_113 : i32
        %add3A_115 = arith.constant 4 : i32
        %add3A_116 = arith.addi %add3A_114, %add3A_115 : i32
        %lt3A = arith.constant 120 : i32
        %lt3A_117 = arith.cmpi slt, %add3A_116, %lt3A : i32
        %convert_element_type3A_118 = arith.extui %lt3A_117 : i1 to i32
        %cond3A_119 = arith.constant 0 : i32
        %cond3A_120 = arith.cmpi ne, %convert_element_type3A_118, %cond3A_119 : i32
        scf.if %cond3A_120 {
          %add3A_166 = arith.constant 0 : i32
          %add3A_167 = arith.addi %mul3A_52, %add3A_166 : i32
          %add3A_168 = arith.constant 4 : i32
          %add3A_169 = arith.addi %add3A_167, %add3A_168 : i32
          %dma_start3A_170 = arith.constant 0 : i32
          %dma_start3A_171 = tpu.memref_slice %arg7[%add3A_169, %dma_start3A_170] : memref<120x128xi32, #tpu.memory_space<vmem>> -> memref<1x128xi32, #tpu.memory_space<vmem>>
          %dma_start3A_172 = tpu.memref_squeeze %dma_start3A_171 : memref<1x128xi32, #tpu.memory_space<vmem>> -> memref<128xi32, #tpu.memory_space<vmem>>
          %dma_start3A_173 = arith.constant 0 : i32
          %dma_start3A_174 = arith.constant 0 : i32
          %dma_start3A_175 = tpu.memref_slice %arg4[%dma_start3A_173, %dma_start3A_174] : memref<10240x64xf32, #tpu.memory_space<hbm>> -> memref<10240x64xf32, #tpu.memory_space<hbm>>
          tpu.enqueue_indirect_dma source(%dma_start3A_175 : memref<10240x64xf32, #tpu.memory_space<hbm>>) target(%arg9 : memref<128x64xf32, #tpu.memory_space<vmem>>) offsets(%dma_start3A_172 : memref<128xi32, #tpu.memory_space<vmem>>) semaphore(%arg14 : memref<!tpu.dma_semaphore, #tpu.memory_space<semaphore_mem>>)
        } else {
        }
        %dma_wait3A_121 = arith.constant 0 : i32
        %dma_wait3A_122 = arith.constant 0 : i32
        %dma_wait3A_123 = tpu.memref_slice %arg13[%dma_wait3A_121, %dma_wait3A_122] : memref<10240x64xf32, #tpu.memory_space<vmem_shared>> -> memref<128x64xf32, #tpu.memory_space<vmem_shared>>
        %dma_wait3A_124 = arith.constant 0 : i32
        %dma_wait3A_125 = arith.constant 0 : i32
        %dma_wait3A_126 = tpu.memref_slice %arg13[%dma_wait3A_124, %dma_wait3A_125] : memref<10240x64xf32, #tpu.memory_space<vmem_shared>> -> memref<128x64xf32, #tpu.memory_space<vmem_shared>>
        tpu.wait_dma2 semaphore(%arg19 : memref<!tpu.dma_semaphore, #tpu.memory_space<semaphore_mem>>) src(%arg10 : memref<128x64xf32, #tpu.memory_space<vmem>>) dst(%dma_wait3A_126 : memref<128x64xf32, #tpu.memory_space<vmem_shared>>)
        %add3A_127 = arith.constant 1 : i32
        %add3A_128 = arith.addi %mul3A_52, %add3A_127 : i32
        %add3A_129 = arith.constant 4 : i32
        %add3A_130 = arith.addi %add3A_128, %add3A_129 : i32
        %lt3A_131 = arith.constant 120 : i32
        %lt3A_132 = arith.cmpi slt, %add3A_130, %lt3A_131 : i32
        %convert_element_type3A_133 = arith.extui %lt3A_132 : i1 to i32
        %cond3A_134 = arith.constant 0 : i32
        %cond3A_135 = arith.cmpi ne, %convert_element_type3A_133, %cond3A_134 : i32
        scf.if %cond3A_135 {
          %add3A_166 = arith.constant 1 : i32
          %add3A_167 = arith.addi %mul3A_52, %add3A_166 : i32
          %add3A_168 = arith.constant 4 : i32
          %add3A_169 = arith.addi %add3A_167, %add3A_168 : i32
          %dma_start3A_170 = arith.constant 0 : i32
          %dma_start3A_171 = tpu.memref_slice %arg7[%add3A_169, %dma_start3A_170] : memref<120x128xi32, #tpu.memory_space<vmem>> -> memref<1x128xi32, #tpu.memory_space<vmem>>
          %dma_start3A_172 = tpu.memref_squeeze %dma_start3A_171 : memref<1x128xi32, #tpu.memory_space<vmem>> -> memref<128xi32, #tpu.memory_space<vmem>>
          %dma_start3A_173 = arith.constant 0 : i32
          %dma_start3A_174 = arith.constant 0 : i32
          %dma_start3A_175 = tpu.memref_slice %arg4[%dma_start3A_173, %dma_start3A_174] : memref<10240x64xf32, #tpu.memory_space<hbm>> -> memref<10240x64xf32, #tpu.memory_space<hbm>>
          tpu.enqueue_indirect_dma source(%dma_start3A_175 : memref<10240x64xf32, #tpu.memory_space<hbm>>) target(%arg10 : memref<128x64xf32, #tpu.memory_space<vmem>>) offsets(%dma_start3A_172 : memref<128xi32, #tpu.memory_space<vmem>>) semaphore(%arg15 : memref<!tpu.dma_semaphore, #tpu.memory_space<semaphore_mem>>)
        } else {
        }
        %dma_wait3A_136 = arith.constant 0 : i32
        %dma_wait3A_137 = arith.constant 0 : i32
        %dma_wait3A_138 = tpu.memref_slice %arg13[%dma_wait3A_136, %dma_wait3A_137] : memref<10240x64xf32, #tpu.memory_space<vmem_shared>> -> memref<128x64xf32, #tpu.memory_space<vmem_shared>>
        %dma_wait3A_139 = arith.constant 0 : i32
        %dma_wait3A_140 = arith.constant 0 : i32
        %dma_wait3A_141 = tpu.memref_slice %arg13[%dma_wait3A_139, %dma_wait3A_140] : memref<10240x64xf32, #tpu.memory_space<vmem_shared>> -> memref<128x64xf32, #tpu.memory_space<vmem_shared>>
        tpu.wait_dma2 semaphore(%arg20 : memref<!tpu.dma_semaphore, #tpu.memory_space<semaphore_mem>>) src(%arg11 : memref<128x64xf32, #tpu.memory_space<vmem>>) dst(%dma_wait3A_141 : memref<128x64xf32, #tpu.memory_space<vmem_shared>>)
        %add3A_142 = arith.constant 2 : i32
        %add3A_143 = arith.addi %mul3A_52, %add3A_142 : i32
        %add3A_144 = arith.constant 4 : i32
        %add3A_145 = arith.addi %add3A_143, %add3A_144 : i32
        %lt3A_146 = arith.constant 120 : i32
        %lt3A_147 = arith.cmpi slt, %add3A_145, %lt3A_146 : i32
        %convert_element_type3A_148 = arith.extui %lt3A_147 : i1 to i32
        %cond3A_149 = arith.constant 0 : i32
        %cond3A_150 = arith.cmpi ne, %convert_element_type3A_148, %cond3A_149 : i32
        scf.if %cond3A_150 {
          %add3A_166 = arith.constant 2 : i32
          %add3A_167 = arith.addi %mul3A_52, %add3A_166 : i32
          %add3A_168 = arith.constant 4 : i32
          %add3A_169 = arith.addi %add3A_167, %add3A_168 : i32
          %dma_start3A_170 = arith.constant 0 : i32
          %dma_start3A_171 = tpu.memref_slice %arg7[%add3A_169, %dma_start3A_170] : memref<120x128xi32, #tpu.memory_space<vmem>> -> memref<1x128xi32, #tpu.memory_space<vmem>>
          %dma_start3A_172 = tpu.memref_squeeze %dma_start3A_171 : memref<1x128xi32, #tpu.memory_space<vmem>> -> memref<128xi32, #tpu.memory_space<vmem>>
          %dma_start3A_173 = arith.constant 0 : i32
          %dma_start3A_174 = arith.constant 0 : i32
          %dma_start3A_175 = tpu.memref_slice %arg4[%dma_start3A_173, %dma_start3A_174] : memref<10240x64xf32, #tpu.memory_space<hbm>> -> memref<10240x64xf32, #tpu.memory_space<hbm>>
          tpu.enqueue_indirect_dma source(%dma_start3A_175 : memref<10240x64xf32, #tpu.memory_space<hbm>>) target(%arg11 : memref<128x64xf32, #tpu.memory_space<vmem>>) offsets(%dma_start3A_172 : memref<128xi32, #tpu.memory_space<vmem>>) semaphore(%arg16 : memref<!tpu.dma_semaphore, #tpu.memory_space<semaphore_mem>>)
        } else {
        }
        %dma_wait3A_151 = arith.constant 0 : i32
        %dma_wait3A_152 = arith.constant 0 : i32
        %dma_wait3A_153 = tpu.memref_slice %arg13[%dma_wait3A_151, %dma_wait3A_152] : memref<10240x64xf32, #tpu.memory_space<vmem_shared>> -> memref<128x64xf32, #tpu.memory_space<vmem_shared>>
        %dma_wait3A_154 = arith.constant 0 : i32
        %dma_wait3A_155 = arith.constant 0 : i32
        %dma_wait3A_156 = tpu.memref_slice %arg13[%dma_wait3A_154, %dma_wait3A_155] : memref<10240x64xf32, #tpu.memory_space<vmem_shared>> -> memref<128x64xf32, #tpu.memory_space<vmem_shared>>
        tpu.wait_dma2 semaphore(%arg21 : memref<!tpu.dma_semaphore, #tpu.memory_space<semaphore_mem>>) src(%arg12 : memref<128x64xf32, #tpu.memory_space<vmem>>) dst(%dma_wait3A_156 : memref<128x64xf32, #tpu.memory_space<vmem_shared>>)
        %add3A_157 = arith.constant 3 : i32
        %add3A_158 = arith.addi %mul3A_52, %add3A_157 : i32
        %add3A_159 = arith.constant 4 : i32
        %add3A_160 = arith.addi %add3A_158, %add3A_159 : i32
        %lt3A_161 = arith.constant 120 : i32
        %lt3A_162 = arith.cmpi slt, %add3A_160, %lt3A_161 : i32
        %convert_element_type3A_163 = arith.extui %lt3A_162 : i1 to i32
        %cond3A_164 = arith.constant 0 : i32
        %cond3A_165 = arith.cmpi ne, %convert_element_type3A_163, %cond3A_164 : i32
        scf.if %cond3A_165 {
          %add3A_166 = arith.constant 3 : i32
          %add3A_167 = arith.addi %mul3A_52, %add3A_166 : i32
          %add3A_168 = arith.constant 4 : i32
          %add3A_169 = arith.addi %add3A_167, %add3A_168 : i32
          %dma_start3A_170 = arith.constant 0 : i32
          %dma_start3A_171 = tpu.memref_slice %arg7[%add3A_169, %dma_start3A_170] : memref<120x128xi32, #tpu.memory_space<vmem>> -> memref<1x128xi32, #tpu.memory_space<vmem>>
          %dma_start3A_172 = tpu.memref_squeeze %dma_start3A_171 : memref<1x128xi32, #tpu.memory_space<vmem>> -> memref<128xi32, #tpu.memory_space<vmem>>
          %dma_start3A_173 = arith.constant 0 : i32
          %dma_start3A_174 = arith.constant 0 : i32
          %dma_start3A_175 = tpu.memref_slice %arg4[%dma_start3A_173, %dma_start3A_174] : memref<10240x64xf32, #tpu.memory_space<hbm>> -> memref<10240x64xf32, #tpu.memory_space<hbm>>
          tpu.enqueue_indirect_dma source(%dma_start3A_175 : memref<10240x64xf32, #tpu.memory_space<hbm>>) target(%arg12 : memref<128x64xf32, #tpu.memory_space<vmem>>) offsets(%dma_start3A_172 : memref<128xi32, #tpu.memory_space<vmem>>) semaphore(%arg17 : memref<!tpu.dma_semaphore, #tpu.memory_space<semaphore_mem>>)
        } else {
        }
      }
      %scan3A_49 = arith.constant 30 : i32
    } else {
    }
    %eq3A_13 = arith.constant 1 : i32
    %eq3A_14 = arith.cmpi eq, %arg0, %eq3A_13 : i32
    %convert_element_type3A_15 = arith.extui %eq3A_14 : i1 to i32
    %cond3A_16 = arith.constant 0 : i32
    %cond3A_17 = arith.cmpi ne, %convert_element_type3A_15, %cond3A_16 : i32
    scf.if %cond3A_17 {
      %dma_start3A = arith.constant 0 : i32
      %dma_start3A_19 = arith.constant 0 : i32
      %dma_start3A_20 = tpu.memref_slice %arg7[%dma_start3A, %dma_start3A_19] : memref<120x128xi32, #tpu.memory_space<vmem>> -> memref<1x128xi32, #tpu.memory_space<vmem>>
      %dma_start3A_21 = tpu.memref_squeeze %dma_start3A_20 : memref<1x128xi32, #tpu.memory_space<vmem>> -> memref<128xi32, #tpu.memory_space<vmem>>
      %dma_start3A_22 = arith.constant 0 : i32
      %dma_start3A_23 = arith.constant 0 : i32
      %dma_start3A_24 = tpu.memref_slice %arg4[%dma_start3A_22, %dma_start3A_23] : memref<10240x64xf32, #tpu.memory_space<hbm>> -> memref<10240x64xf32, #tpu.memory_space<hbm>>
      tpu.enqueue_indirect_dma source(%dma_start3A_24 : memref<10240x64xf32, #tpu.memory_space<hbm>>) target(%arg9 : memref<128x64xf32, #tpu.memory_space<vmem>>) offsets(%dma_start3A_21 : memref<128xi32, #tpu.memory_space<vmem>>) semaphore(%arg14 : memref<!tpu.dma_semaphore, #tpu.memory_space<semaphore_mem>>)
      %dma_start3A_25 = arith.constant 1 : i32
      %dma_start3A_26 = arith.constant 0 : i32
      %dma_start3A_27 = tpu.memref_slice %arg7[%dma_start3A_25, %dma_start3A_26] : memref<120x128xi32, #tpu.memory_space<vmem>> -> memref<1x128xi32, #tpu.memory_space<vmem>>
      %dma_start3A_28 = tpu.memref_squeeze %dma_start3A_27 : memref<1x128xi32, #tpu.memory_space<vmem>> -> memref<128xi32, #tpu.memory_space<vmem>>
      %dma_start3A_29 = arith.constant 0 : i32
      %dma_start3A_30 = arith.constant 0 : i32
      %dma_start3A_31 = tpu.memref_slice %arg4[%dma_start3A_29, %dma_start3A_30] : memref<10240x64xf32, #tpu.memory_space<hbm>> -> memref<10240x64xf32, #tpu.memory_space<hbm>>
      tpu.enqueue_indirect_dma source(%dma_start3A_31 : memref<10240x64xf32, #tpu.memory_space<hbm>>) target(%arg10 : memref<128x64xf32, #tpu.memory_space<vmem>>) offsets(%dma_start3A_28 : memref<128xi32, #tpu.memory_space<vmem>>) semaphore(%arg15 : memref<!tpu.dma_semaphore, #tpu.memory_space<semaphore_mem>>)
      %dma_start3A_32 = arith.constant 2 : i32
      %dma_start3A_33 = arith.constant 0 : i32
      %dma_start3A_34 = tpu.memref_slice %arg7[%dma_start3A_32, %dma_start3A_33] : memref<120x128xi32, #tpu.memory_space<vmem>> -> memref<1x128xi32, #tpu.memory_space<vmem>>
      %dma_start3A_35 = tpu.memref_squeeze %dma_start3A_34 : memref<1x128xi32, #tpu.memory_space<vmem>> -> memref<128xi32, #tpu.memory_space<vmem>>
      %dma_start3A_36 = arith.constant 0 : i32
      %dma_start3A_37 = arith.constant 0 : i32
      %dma_start3A_38 = tpu.memref_slice %arg4[%dma_start3A_36, %dma_start3A_37] : memref<10240x64xf32, #tpu.memory_space<hbm>> -> memref<10240x64xf32, #tpu.memory_space<hbm>>
      tpu.enqueue_indirect_dma source(%dma_start3A_38 : memref<10240x64xf32, #tpu.memory_space<hbm>>) target(%arg11 : memref<128x64xf32, #tpu.memory_space<vmem>>) offsets(%dma_start3A_35 : memref<128xi32, #tpu.memory_space<vmem>>) semaphore(%arg16 : memref<!tpu.dma_semaphore, #tpu.memory_space<semaphore_mem>>)
      %dma_start3A_39 = arith.constant 3 : i32
      %dma_start3A_40 = arith.constant 0 : i32
      %dma_start3A_41 = tpu.memref_slice %arg7[%dma_start3A_39, %dma_start3A_40] : memref<120x128xi32, #tpu.memory_space<vmem>> -> memref<1x128xi32, #tpu.memory_space<vmem>>
      %dma_start3A_42 = tpu.memref_squeeze %dma_start3A_41 : memref<1x128xi32, #tpu.memory_space<vmem>> -> memref<128xi32, #tpu.memory_space<vmem>>
      %dma_start3A_43 = arith.constant 0 : i32
      %dma_start3A_44 = arith.constant 0 : i32
      %dma_start3A_45 = tpu.memref_slice %arg4[%dma_start3A_43, %dma_start3A_44] : memref<10240x64xf32, #tpu.memory_space<hbm>> -> memref<10240x64xf32, #tpu.memory_space<hbm>>
      tpu.enqueue_indirect_dma source(%dma_start3A_45 : memref<10240x64xf32, #tpu.memory_space<hbm>>) target(%arg12 : memref<128x64xf32, #tpu.memory_space<vmem>>) offsets(%dma_start3A_42 : memref<128xi32, #tpu.memory_space<vmem>>) semaphore(%arg17 : memref<!tpu.dma_semaphore, #tpu.memory_space<semaphore_mem>>)
      %scan3A = arith.constant 0 : i32
      %scan3A_46 = arith.constant 10 : i32
      %scan3A_47 = arith.addi %scan3A, %scan3A_46 : i32
      %scan3A_48 = arith.constant 1 : i32
      scf.for %scan3A_50 = %scan3A to %scan3A_47 step %scan3A_48  : i32 {
        %mul3A_51 = arith.constant 4 : i32
        %mul3A_52 = arith.muli %scan3A_50, %mul3A_51 : i32
        %dma_wait3A = arith.constant 0 : i32
        %dma_wait3A_53 = arith.constant 0 : i32
        %dma_wait3A_54 = tpu.memref_slice %arg4[%dma_wait3A, %dma_wait3A_53] : memref<10240x64xf32, #tpu.memory_space<hbm>> -> memref<128x64xf32, #tpu.memory_space<hbm>>
        %dma_wait3A_55 = arith.constant 0 : i32
        %dma_wait3A_56 = arith.constant 0 : i32
        %dma_wait3A_57 = tpu.memref_slice %arg4[%dma_wait3A_55, %dma_wait3A_56] : memref<10240x64xf32, #tpu.memory_space<hbm>> -> memref<128x64xf32, #tpu.memory_space<hbm>>
        tpu.wait_dma2 semaphore(%arg14 : memref<!tpu.dma_semaphore, #tpu.memory_space<semaphore_mem>>) src(%dma_wait3A_57 : memref<128x64xf32, #tpu.memory_space<hbm>>) dst(%arg9 : memref<128x64xf32, #tpu.memory_space<vmem>>)
        %add3A = arith.constant 0 : i32
        %add3A_58 = arith.addi %mul3A_52, %add3A : i32
        %dma_start3A_59 = arith.constant 0 : i32
        %dma_start3A_60 = tpu.memref_slice %arg8[%add3A_58, %dma_start3A_59] : memref<120x128xi32, #tpu.memory_space<vmem>> -> memref<1x128xi32, #tpu.memory_space<vmem>>
        %dma_start3A_61 = tpu.memref_squeeze %dma_start3A_60 : memref<1x128xi32, #tpu.memory_space<vmem>> -> memref<128xi32, #tpu.memory_space<vmem>>
        %dma_start3A_62 = arith.constant 0 : i32
        %dma_start3A_63 = arith.constant 0 : i32
        %dma_start3A_64 = tpu.memref_slice %arg13[%dma_start3A_62, %dma_start3A_63] : memref<10240x64xf32, #tpu.memory_space<vmem_shared>> -> memref<10240x64xf32, #tpu.memory_space<vmem_shared>>
        tpu.enqueue_indirect_dma source(%arg9 : memref<128x64xf32, #tpu.memory_space<vmem>>) target(%dma_start3A_64 : memref<10240x64xf32, #tpu.memory_space<vmem_shared>>) offsets(%dma_start3A_61 : memref<128xi32, #tpu.memory_space<vmem>>) semaphore(%arg18 : memref<!tpu.dma_semaphore, #tpu.memory_space<semaphore_mem>>) {add = true}
        %dma_wait3A_65 = arith.constant 0 : i32
        %dma_wait3A_66 = arith.constant 0 : i32
        %dma_wait3A_67 = tpu.memref_slice %arg4[%dma_wait3A_65, %dma_wait3A_66] : memref<10240x64xf32, #tpu.memory_space<hbm>> -> memref<128x64xf32, #tpu.memory_space<hbm>>
        %dma_wait3A_68 = arith.constant 0 : i32
        %dma_wait3A_69 = arith.constant 0 : i32
        %dma_wait3A_70 = tpu.memref_slice %arg4[%dma_wait3A_68, %dma_wait3A_69] : memref<10240x64xf32, #tpu.memory_space<hbm>> -> memref<128x64xf32, #tpu.memory_space<hbm>>
        tpu.wait_dma2 semaphore(%arg15 : memref<!tpu.dma_semaphore, #tpu.memory_space<semaphore_mem>>) src(%dma_wait3A_70 : memref<128x64xf32, #tpu.memory_space<hbm>>) dst(%arg10 : memref<128x64xf32, #tpu.memory_space<vmem>>)
        %add3A_71 = arith.constant 1 : i32
        %add3A_72 = arith.addi %mul3A_52, %add3A_71 : i32
        %dma_start3A_73 = arith.constant 0 : i32
        %dma_start3A_74 = tpu.memref_slice %arg8[%add3A_72, %dma_start3A_73] : memref<120x128xi32, #tpu.memory_space<vmem>> -> memref<1x128xi32, #tpu.memory_space<vmem>>
        %dma_start3A_75 = tpu.memref_squeeze %dma_start3A_74 : memref<1x128xi32, #tpu.memory_space<vmem>> -> memref<128xi32, #tpu.memory_space<vmem>>
        %dma_start3A_76 = arith.constant 0 : i32
        %dma_start3A_77 = arith.constant 0 : i32
        %dma_start3A_78 = tpu.memref_slice %arg13[%dma_start3A_76, %dma_start3A_77] : memref<10240x64xf32, #tpu.memory_space<vmem_shared>> -> memref<10240x64xf32, #tpu.memory_space<vmem_shared>>
        tpu.enqueue_indirect_dma source(%arg10 : memref<128x64xf32, #tpu.memory_space<vmem>>) target(%dma_start3A_78 : memref<10240x64xf32, #tpu.memory_space<vmem_shared>>) offsets(%dma_start3A_75 : memref<128xi32, #tpu.memory_space<vmem>>) semaphore(%arg19 : memref<!tpu.dma_semaphore, #tpu.memory_space<semaphore_mem>>) {add = true}
        %dma_wait3A_79 = arith.constant 0 : i32
        %dma_wait3A_80 = arith.constant 0 : i32
        %dma_wait3A_81 = tpu.memref_slice %arg4[%dma_wait3A_79, %dma_wait3A_80] : memref<10240x64xf32, #tpu.memory_space<hbm>> -> memref<128x64xf32, #tpu.memory_space<hbm>>
        %dma_wait3A_82 = arith.constant 0 : i32
        %dma_wait3A_83 = arith.constant 0 : i32
        %dma_wait3A_84 = tpu.memref_slice %arg4[%dma_wait3A_82, %dma_wait3A_83] : memref<10240x64xf32, #tpu.memory_space<hbm>> -> memref<128x64xf32, #tpu.memory_space<hbm>>
        tpu.wait_dma2 semaphore(%arg16 : memref<!tpu.dma_semaphore, #tpu.memory_space<semaphore_mem>>) src(%dma_wait3A_84 : memref<128x64xf32, #tpu.memory_space<hbm>>) dst(%arg11 : memref<128x64xf32, #tpu.memory_space<vmem>>)
        %add3A_85 = arith.constant 2 : i32
        %add3A_86 = arith.addi %mul3A_52, %add3A_85 : i32
        %dma_start3A_87 = arith.constant 0 : i32
        %dma_start3A_88 = tpu.memref_slice %arg8[%add3A_86, %dma_start3A_87] : memref<120x128xi32, #tpu.memory_space<vmem>> -> memref<1x128xi32, #tpu.memory_space<vmem>>
        %dma_start3A_89 = tpu.memref_squeeze %dma_start3A_88 : memref<1x128xi32, #tpu.memory_space<vmem>> -> memref<128xi32, #tpu.memory_space<vmem>>
        %dma_start3A_90 = arith.constant 0 : i32
        %dma_start3A_91 = arith.constant 0 : i32
        %dma_start3A_92 = tpu.memref_slice %arg13[%dma_start3A_90, %dma_start3A_91] : memref<10240x64xf32, #tpu.memory_space<vmem_shared>> -> memref<10240x64xf32, #tpu.memory_space<vmem_shared>>
        tpu.enqueue_indirect_dma source(%arg11 : memref<128x64xf32, #tpu.memory_space<vmem>>) target(%dma_start3A_92 : memref<10240x64xf32, #tpu.memory_space<vmem_shared>>) offsets(%dma_start3A_89 : memref<128xi32, #tpu.memory_space<vmem>>) semaphore(%arg20 : memref<!tpu.dma_semaphore, #tpu.memory_space<semaphore_mem>>) {add = true}
        %dma_wait3A_93 = arith.constant 0 : i32
        %dma_wait3A_94 = arith.constant 0 : i32
        %dma_wait3A_95 = tpu.memref_slice %arg4[%dma_wait3A_93, %dma_wait3A_94] : memref<10240x64xf32, #tpu.memory_space<hbm>> -> memref<128x64xf32, #tpu.memory_space<hbm>>
        %dma_wait3A_96 = arith.constant 0 : i32
        %dma_wait3A_97 = arith.constant 0 : i32
        %dma_wait3A_98 = tpu.memref_slice %arg4[%dma_wait3A_96, %dma_wait3A_97] : memref<10240x64xf32, #tpu.memory_space<hbm>> -> memref<128x64xf32, #tpu.memory_space<hbm>>
        tpu.wait_dma2 semaphore(%arg17 : memref<!tpu.dma_semaphore, #tpu.memory_space<semaphore_mem>>) src(%dma_wait3A_98 : memref<128x64xf32, #tpu.memory_space<hbm>>) dst(%arg12 : memref<128x64xf32, #tpu.memory_space<vmem>>)
        %add3A_99 = arith.constant 3 : i32
        %add3A_100 = arith.addi %mul3A_52, %add3A_99 : i32
        %dma_start3A_101 = arith.constant 0 : i32
        %dma_start3A_102 = tpu.memref_slice %arg8[%add3A_100, %dma_start3A_101] : memref<120x128xi32, #tpu.memory_space<vmem>> -> memref<1x128xi32, #tpu.memory_space<vmem>>
        %dma_start3A_103 = tpu.memref_squeeze %dma_start3A_102 : memref<1x128xi32, #tpu.memory_space<vmem>> -> memref<128xi32, #tpu.memory_space<vmem>>
        %dma_start3A_104 = arith.constant 0 : i32
        %dma_start3A_105 = arith.constant 0 : i32
        %dma_start3A_106 = tpu.memref_slice %arg13[%dma_start3A_104, %dma_start3A_105] : memref<10240x64xf32, #tpu.memory_space<vmem_shared>> -> memref<10240x64xf32, #tpu.memory_space<vmem_shared>>
        tpu.enqueue_indirect_dma source(%arg12 : memref<128x64xf32, #tpu.memory_space<vmem>>) target(%dma_start3A_106 : memref<10240x64xf32, #tpu.memory_space<vmem_shared>>) offsets(%dma_start3A_103 : memref<128xi32, #tpu.memory_space<vmem>>) semaphore(%arg21 : memref<!tpu.dma_semaphore, #tpu.memory_space<semaphore_mem>>) {add = true}
        %dma_wait3A_107 = arith.constant 0 : i32
        %dma_wait3A_108 = arith.constant 0 : i32
        %dma_wait3A_109 = tpu.memref_slice %arg13[%dma_wait3A_107, %dma_wait3A_108] : memref<10240x64xf32, #tpu.memory_space<vmem_shared>> -> memref<128x64xf32, #tpu.memory_space<vmem_shared>>
        %dma_wait3A_110 = arith.constant 0 : i32
        %dma_wait3A_111 = arith.constant 0 : i32
        %dma_wait3A_112 = tpu.memref_slice %arg13[%dma_wait3A_110, %dma_wait3A_111] : memref<10240x64xf32, #tpu.memory_space<vmem_shared>> -> memref<128x64xf32, #tpu.memory_space<vmem_shared>>
        tpu.wait_dma2 semaphore(%arg18 : memref<!tpu.dma_semaphore, #tpu.memory_space<semaphore_mem>>) src(%arg9 : memref<128x64xf32, #tpu.memory_space<vmem>>) dst(%dma_wait3A_112 : memref<128x64xf32, #tpu.memory_space<vmem_shared>>)
        %add3A_113 = arith.constant 0 : i32
        %add3A_114 = arith.addi %mul3A_52, %add3A_113 : i32
        %add3A_115 = arith.constant 4 : i32
        %add3A_116 = arith.addi %add3A_114, %add3A_115 : i32
        %lt3A = arith.constant 40 : i32
        %lt3A_117 = arith.cmpi slt, %add3A_116, %lt3A : i32
        %convert_element_type3A_118 = arith.extui %lt3A_117 : i1 to i32
        %cond3A_119 = arith.constant 0 : i32
        %cond3A_120 = arith.cmpi ne, %convert_element_type3A_118, %cond3A_119 : i32
        scf.if %cond3A_120 {
          %add3A_166 = arith.constant 0 : i32
          %add3A_167 = arith.addi %mul3A_52, %add3A_166 : i32
          %add3A_168 = arith.constant 4 : i32
          %add3A_169 = arith.addi %add3A_167, %add3A_168 : i32
          %dma_start3A_170 = arith.constant 0 : i32
          %dma_start3A_171 = tpu.memref_slice %arg7[%add3A_169, %dma_start3A_170] : memref<120x128xi32, #tpu.memory_space<vmem>> -> memref<1x128xi32, #tpu.memory_space<vmem>>
          %dma_start3A_172 = tpu.memref_squeeze %dma_start3A_171 : memref<1x128xi32, #tpu.memory_space<vmem>> -> memref<128xi32, #tpu.memory_space<vmem>>
          %dma_start3A_173 = arith.constant 0 : i32
          %dma_start3A_174 = arith.constant 0 : i32
          %dma_start3A_175 = tpu.memref_slice %arg4[%dma_start3A_173, %dma_start3A_174] : memref<10240x64xf32, #tpu.memory_space<hbm>> -> memref<10240x64xf32, #tpu.memory_space<hbm>>
          tpu.enqueue_indirect_dma source(%dma_start3A_175 : memref<10240x64xf32, #tpu.memory_space<hbm>>) target(%arg9 : memref<128x64xf32, #tpu.memory_space<vmem>>) offsets(%dma_start3A_172 : memref<128xi32, #tpu.memory_space<vmem>>) semaphore(%arg14 : memref<!tpu.dma_semaphore, #tpu.memory_space<semaphore_mem>>)
        } else {
        }
        %dma_wait3A_121 = arith.constant 0 : i32
        %dma_wait3A_122 = arith.constant 0 : i32
        %dma_wait3A_123 = tpu.memref_slice %arg13[%dma_wait3A_121, %dma_wait3A_122] : memref<10240x64xf32, #tpu.memory_space<vmem_shared>> -> memref<128x64xf32, #tpu.memory_space<vmem_shared>>
        %dma_wait3A_124 = arith.constant 0 : i32
        %dma_wait3A_125 = arith.constant 0 : i32
        %dma_wait3A_126 = tpu.memref_slice %arg13[%dma_wait3A_124, %dma_wait3A_125] : memref<10240x64xf32, #tpu.memory_space<vmem_shared>> -> memref<128x64xf32, #tpu.memory_space<vmem_shared>>
        tpu.wait_dma2 semaphore(%arg19 : memref<!tpu.dma_semaphore, #tpu.memory_space<semaphore_mem>>) src(%arg10 : memref<128x64xf32, #tpu.memory_space<vmem>>) dst(%dma_wait3A_126 : memref<128x64xf32, #tpu.memory_space<vmem_shared>>)
        %add3A_127 = arith.constant 1 : i32
        %add3A_128 = arith.addi %mul3A_52, %add3A_127 : i32
        %add3A_129 = arith.constant 4 : i32
        %add3A_130 = arith.addi %add3A_128, %add3A_129 : i32
        %lt3A_131 = arith.constant 40 : i32
        %lt3A_132 = arith.cmpi slt, %add3A_130, %lt3A_131 : i32
        %convert_element_type3A_133 = arith.extui %lt3A_132 : i1 to i32
        %cond3A_134 = arith.constant 0 : i32
        %cond3A_135 = arith.cmpi ne, %convert_element_type3A_133, %cond3A_134 : i32
        scf.if %cond3A_135 {
          %add3A_166 = arith.constant 1 : i32
          %add3A_167 = arith.addi %mul3A_52, %add3A_166 : i32
          %add3A_168 = arith.constant 4 : i32
          %add3A_169 = arith.addi %add3A_167, %add3A_168 : i32
          %dma_start3A_170 = arith.constant 0 : i32
          %dma_start3A_171 = tpu.memref_slice %arg7[%add3A_169, %dma_start3A_170] : memref<120x128xi32, #tpu.memory_space<vmem>> -> memref<1x128xi32, #tpu.memory_space<vmem>>
          %dma_start3A_172 = tpu.memref_squeeze %dma_start3A_171 : memref<1x128xi32, #tpu.memory_space<vmem>> -> memref<128xi32, #tpu.memory_space<vmem>>
          %dma_start3A_173 = arith.constant 0 : i32
          %dma_start3A_174 = arith.constant 0 : i32
          %dma_start3A_175 = tpu.memref_slice %arg4[%dma_start3A_173, %dma_start3A_174] : memref<10240x64xf32, #tpu.memory_space<hbm>> -> memref<10240x64xf32, #tpu.memory_space<hbm>>
          tpu.enqueue_indirect_dma source(%dma_start3A_175 : memref<10240x64xf32, #tpu.memory_space<hbm>>) target(%arg10 : memref<128x64xf32, #tpu.memory_space<vmem>>) offsets(%dma_start3A_172 : memref<128xi32, #tpu.memory_space<vmem>>) semaphore(%arg15 : memref<!tpu.dma_semaphore, #tpu.memory_space<semaphore_mem>>)
        } else {
        }
        %dma_wait3A_136 = arith.constant 0 : i32
        %dma_wait3A_137 = arith.constant 0 : i32
        %dma_wait3A_138 = tpu.memref_slice %arg13[%dma_wait3A_136, %dma_wait3A_137] : memref<10240x64xf32, #tpu.memory_space<vmem_shared>> -> memref<128x64xf32, #tpu.memory_space<vmem_shared>>
        %dma_wait3A_139 = arith.constant 0 : i32
        %dma_wait3A_140 = arith.constant 0 : i32
        %dma_wait3A_141 = tpu.memref_slice %arg13[%dma_wait3A_139, %dma_wait3A_140] : memref<10240x64xf32, #tpu.memory_space<vmem_shared>> -> memref<128x64xf32, #tpu.memory_space<vmem_shared>>
        tpu.wait_dma2 semaphore(%arg20 : memref<!tpu.dma_semaphore, #tpu.memory_space<semaphore_mem>>) src(%arg11 : memref<128x64xf32, #tpu.memory_space<vmem>>) dst(%dma_wait3A_141 : memref<128x64xf32, #tpu.memory_space<vmem_shared>>)
        %add3A_142 = arith.constant 2 : i32
        %add3A_143 = arith.addi %mul3A_52, %add3A_142 : i32
        %add3A_144 = arith.constant 4 : i32
        %add3A_145 = arith.addi %add3A_143, %add3A_144 : i32
        %lt3A_146 = arith.constant 40 : i32
        %lt3A_147 = arith.cmpi slt, %add3A_145, %lt3A_146 : i32
        %convert_element_type3A_148 = arith.extui %lt3A_147 : i1 to i32
        %cond3A_149 = arith.constant 0 : i32
        %cond3A_150 = arith.cmpi ne, %convert_element_type3A_148, %cond3A_149 : i32
        scf.if %cond3A_150 {
          %add3A_166 = arith.constant 2 : i32
          %add3A_167 = arith.addi %mul3A_52, %add3A_166 : i32
          %add3A_168 = arith.constant 4 : i32
          %add3A_169 = arith.addi %add3A_167, %add3A_168 : i32
          %dma_start3A_170 = arith.constant 0 : i32
          %dma_start3A_171 = tpu.memref_slice %arg7[%add3A_169, %dma_start3A_170] : memref<120x128xi32, #tpu.memory_space<vmem>> -> memref<1x128xi32, #tpu.memory_space<vmem>>
          %dma_start3A_172 = tpu.memref_squeeze %dma_start3A_171 : memref<1x128xi32, #tpu.memory_space<vmem>> -> memref<128xi32, #tpu.memory_space<vmem>>
          %dma_start3A_173 = arith.constant 0 : i32
          %dma_start3A_174 = arith.constant 0 : i32
          %dma_start3A_175 = tpu.memref_slice %arg4[%dma_start3A_173, %dma_start3A_174] : memref<10240x64xf32, #tpu.memory_space<hbm>> -> memref<10240x64xf32, #tpu.memory_space<hbm>>
          tpu.enqueue_indirect_dma source(%dma_start3A_175 : memref<10240x64xf32, #tpu.memory_space<hbm>>) target(%arg11 : memref<128x64xf32, #tpu.memory_space<vmem>>) offsets(%dma_start3A_172 : memref<128xi32, #tpu.memory_space<vmem>>) semaphore(%arg16 : memref<!tpu.dma_semaphore, #tpu.memory_space<semaphore_mem>>)
        } else {
        }
        %dma_wait3A_151 = arith.constant 0 : i32
        %dma_wait3A_152 = arith.constant 0 : i32
        %dma_wait3A_153 = tpu.memref_slice %arg13[%dma_wait3A_151, %dma_wait3A_152] : memref<10240x64xf32, #tpu.memory_space<vmem_shared>> -> memref<128x64xf32, #tpu.memory_space<vmem_shared>>
        %dma_wait3A_154 = arith.constant 0 : i32
        %dma_wait3A_155 = arith.constant 0 : i32
        %dma_wait3A_156 = tpu.memref_slice %arg13[%dma_wait3A_154, %dma_wait3A_155] : memref<10240x64xf32, #tpu.memory_space<vmem_shared>> -> memref<128x64xf32, #tpu.memory_space<vmem_shared>>
        tpu.wait_dma2 semaphore(%arg21 : memref<!tpu.dma_semaphore, #tpu.memory_space<semaphore_mem>>) src(%arg12 : memref<128x64xf32, #tpu.memory_space<vmem>>) dst(%dma_wait3A_156 : memref<128x64xf32, #tpu.memory_space<vmem_shared>>)
        %add3A_157 = arith.constant 3 : i32
        %add3A_158 = arith.addi %mul3A_52, %add3A_157 : i32
        %add3A_159 = arith.constant 4 : i32
        %add3A_160 = arith.addi %add3A_158, %add3A_159 : i32
        %lt3A_161 = arith.constant 40 : i32
        %lt3A_162 = arith.cmpi slt, %add3A_160, %lt3A_161 : i32
        %convert_element_type3A_163 = arith.extui %lt3A_162 : i1 to i32
        %cond3A_164 = arith.constant 0 : i32
        %cond3A_165 = arith.cmpi ne, %convert_element_type3A_163, %cond3A_164 : i32
        scf.if %cond3A_165 {
          %add3A_166 = arith.constant 3 : i32
          %add3A_167 = arith.addi %mul3A_52, %add3A_166 : i32
          %add3A_168 = arith.constant 4 : i32
          %add3A_169 = arith.addi %add3A_167, %add3A_168 : i32
          %dma_start3A_170 = arith.constant 0 : i32
          %dma_start3A_171 = tpu.memref_slice %arg7[%add3A_169, %dma_start3A_170] : memref<120x128xi32, #tpu.memory_space<vmem>> -> memref<1x128xi32, #tpu.memory_space<vmem>>
          %dma_start3A_172 = tpu.memref_squeeze %dma_start3A_171 : memref<1x128xi32, #tpu.memory_space<vmem>> -> memref<128xi32, #tpu.memory_space<vmem>>
          %dma_start3A_173 = arith.constant 0 : i32
          %dma_start3A_174 = arith.constant 0 : i32
          %dma_start3A_175 = tpu.memref_slice %arg4[%dma_start3A_173, %dma_start3A_174] : memref<10240x64xf32, #tpu.memory_space<hbm>> -> memref<10240x64xf32, #tpu.memory_space<hbm>>
          tpu.enqueue_indirect_dma source(%dma_start3A_175 : memref<10240x64xf32, #tpu.memory_space<hbm>>) target(%arg12 : memref<128x64xf32, #tpu.memory_space<vmem>>) offsets(%dma_start3A_172 : memref<128xi32, #tpu.memory_space<vmem>>) semaphore(%arg17 : memref<!tpu.dma_semaphore, #tpu.memory_space<semaphore_mem>>)
        } else {
        }
      }
      %scan3A_49 = arith.constant 10 : i32
    } else {
    }
    %barrier3A_18 = arith.constant 0 : index
    tpu.barrier barrier_id(%barrier3A_18)
    "tpu.region"() ({
      %run_scoped3A = tpu.sem_alloc : memref<!tpu.dma_semaphore, #tpu.memory_space<semaphore_mem>>
      %dma_start3A = arith.constant 0 : i32
      %dma_start3A_19 = tpu.memref_slice %arg6[%arg0, %mul3A_0, %dma_start3A] : memref<2x10240x64xf32, #tpu.memory_space<hbm>> -> memref<1x640x64xf32, #tpu.memory_space<hbm>>
      %dma_start3A_20 = tpu.memref_squeeze %dma_start3A_19 : memref<1x640x64xf32, #tpu.memory_space<hbm>> -> memref<640x64xf32, #tpu.memory_space<hbm>>
      %dma_start3A_21 = arith.constant 0 : i32
      %dma_start3A_22 = tpu.memref_slice %arg13[%mul3A_0, %dma_start3A_21] : memref<10240x64xf32, #tpu.memory_space<vmem_shared>> -> memref<640x64xf32, #tpu.memory_space<vmem_shared>>
      tpu.enqueue_dma source(%dma_start3A_22 : memref<640x64xf32, #tpu.memory_space<vmem_shared>>) target(%dma_start3A_20 : memref<640x64xf32, #tpu.memory_space<hbm>>) target_semaphore(%run_scoped3A : memref<!tpu.dma_semaphore, #tpu.memory_space<semaphore_mem>>)
      %dma_wait3A = arith.constant 0 : i32
      %dma_wait3A_23 = tpu.memref_slice %arg6[%arg0, %mul3A_0, %dma_wait3A] : memref<2x10240x64xf32, #tpu.memory_space<hbm>> -> memref<1x640x64xf32, #tpu.memory_space<hbm>>
      %dma_wait3A_24 = tpu.memref_squeeze %dma_wait3A_23 : memref<1x640x64xf32, #tpu.memory_space<hbm>> -> memref<640x64xf32, #tpu.memory_space<hbm>>
      %dma_wait3A_25 = arith.constant 0 : i32
      %dma_wait3A_26 = tpu.memref_slice %arg13[%mul3A_0, %dma_wait3A_25] : memref<10240x64xf32, #tpu.memory_space<vmem_shared>> -> memref<640x64xf32, #tpu.memory_space<vmem_shared>>
      tpu.wait_dma2 semaphore(%run_scoped3A : memref<!tpu.dma_semaphore, #tpu.memory_space<semaphore_mem>>) src(%dma_wait3A_26 : memref<640x64xf32, #tpu.memory_space<vmem_shared>>) dst(%dma_wait3A_24 : memref<640x64xf32, #tpu.memory_space<hbm>>)
      tpu.yield
    }) : () -> ()
    return
  }
}

#map = affine_map<(d0, d1) -> (0, 0, 0)>
#map1 = affine_map<(d0, d1) -> (0)>
module attributes {stable_mosaic.version = 14 : i64} {
  func.func @_deg_body(%arg0: i32, %arg1: i32, %arg2: memref<2x16x10240xi32, #tpu.memory_space<hbm>>, %arg3: memref<10240xf32, #tpu.memory_space<hbm>>, %arg4: memref<2x16x10240xf32, #tpu.memory_space<hbm>>, %arg5: memref<10240xi32, #tpu.memory_space<vmem>>, %arg6: memref<10240xf32, #tpu.memory_space<vmem>>) attributes {dimension_semantics = [#tpu.dimension_semantics<core_parallel>, #tpu.dimension_semantics<subcore_parallel>], iteration_bounds = array<i64: 2, 16>, scalar_prefetch = 0 : i64, scratch_operands = 2 : i64, tpu.core_type = #tpu.core_type<sc_vector_subcore>, window_params = [{transform_indices = #map}, {transform_indices = #map1}, {transform_indices = #map}]} {
    "tpu.region"() ({
      %run_scoped3A = tpu.sem_alloc : memref<!tpu.dma_semaphore, #tpu.memory_space<semaphore_mem>>
      tpu.enqueue_dma source(%arg3 : memref<10240xf32, #tpu.memory_space<hbm>>) target(%arg6 : memref<10240xf32, #tpu.memory_space<vmem>>) target_semaphore(%run_scoped3A : memref<!tpu.dma_semaphore, #tpu.memory_space<semaphore_mem>>)
      tpu.wait_dma2 semaphore(%run_scoped3A : memref<!tpu.dma_semaphore, #tpu.memory_space<semaphore_mem>>) src(%arg3 : memref<10240xf32, #tpu.memory_space<hbm>>) dst(%arg6 : memref<10240xf32, #tpu.memory_space<vmem>>)
      tpu.yield
    }) : () -> ()
    "tpu.region"() ({
      %run_scoped3A = tpu.sem_alloc : memref<!tpu.dma_semaphore, #tpu.memory_space<semaphore_mem>>
      %dma_start3A = arith.constant 0 : i32
      %dma_start3A_5 = tpu.memref_slice %arg2[%arg0, %arg1, %dma_start3A] : memref<2x16x10240xi32, #tpu.memory_space<hbm>> -> memref<1x1x10240xi32, #tpu.memory_space<hbm>>
      %dma_start3A_6 = tpu.memref_squeeze %dma_start3A_5 : memref<1x1x10240xi32, #tpu.memory_space<hbm>> -> memref<10240xi32, #tpu.memory_space<hbm>>
      %dma_start3A_7 = arith.constant 0 : i32
      %dma_start3A_8 = tpu.memref_slice %arg2[%arg0, %arg1, %dma_start3A_7] : memref<2x16x10240xi32, #tpu.memory_space<hbm>> -> memref<1x1x10240xi32, #tpu.memory_space<hbm>>
      %dma_start3A_9 = tpu.memref_squeeze %dma_start3A_8 : memref<1x1x10240xi32, #tpu.memory_space<hbm>> -> memref<10240xi32, #tpu.memory_space<hbm>>
      tpu.enqueue_dma source(%dma_start3A_9 : memref<10240xi32, #tpu.memory_space<hbm>>) target(%arg5 : memref<10240xi32, #tpu.memory_space<vmem>>) target_semaphore(%run_scoped3A : memref<!tpu.dma_semaphore, #tpu.memory_space<semaphore_mem>>)
      %dma_wait3A = arith.constant 0 : i32
      %dma_wait3A_10 = tpu.memref_slice %arg2[%arg0, %arg1, %dma_wait3A] : memref<2x16x10240xi32, #tpu.memory_space<hbm>> -> memref<1x1x10240xi32, #tpu.memory_space<hbm>>
      %dma_wait3A_11 = tpu.memref_squeeze %dma_wait3A_10 : memref<1x1x10240xi32, #tpu.memory_space<hbm>> -> memref<10240xi32, #tpu.memory_space<hbm>>
      %dma_wait3A_12 = arith.constant 0 : i32
      %dma_wait3A_13 = tpu.memref_slice %arg2[%arg0, %arg1, %dma_wait3A_12] : memref<2x16x10240xi32, #tpu.memory_space<hbm>> -> memref<1x1x10240xi32, #tpu.memory_space<hbm>>
      %dma_wait3A_14 = tpu.memref_squeeze %dma_wait3A_13 : memref<1x1x10240xi32, #tpu.memory_space<hbm>> -> memref<10240xi32, #tpu.memory_space<hbm>>
      tpu.wait_dma2 semaphore(%run_scoped3A : memref<!tpu.dma_semaphore, #tpu.memory_space<semaphore_mem>>) src(%dma_wait3A_14 : memref<10240xi32, #tpu.memory_space<hbm>>) dst(%arg5 : memref<10240xi32, #tpu.memory_space<vmem>>)
      tpu.yield
    }) : () -> ()
    %broadcast_in_dim3A = arith.constant 1.000000e+00 : f32
    %broadcast_in_dim3A_0 = vector.broadcast %broadcast_in_dim3A : f32 to vector<16xf32>
    %scan3A = arith.constant 0 : i32
    %scan3A_1 = arith.constant 640 : i32
    %scan3A_2 = arith.addi %scan3A, %scan3A_1 : i32
    %scan3A_3 = arith.constant 4 : i32
    scf.for %scan3A_5 = %scan3A to %scan3A_2 step %scan3A_3  : i32 {
      %mul3A = arith.constant 16 : i32
      %mul3A_6 = arith.muli %scan3A_5, %mul3A : i32
      %get3A = arith.index_cast %mul3A_6 : i32 to index
      %get3A_7 = tpu.vector_load %arg5[%get3A] {strides = array<i32>} : memref<10240xi32, #tpu.memory_space<vmem>>, vector<16xi32>,
      tpu.vector_store_idx %arg6[%get3A_7], %broadcast_in_dim3A_0 {add = true} : memref<10240xf32, #tpu.memory_space<vmem>>[vector<16xi32>], vector<16xf32>,
      %scan3A_8 = arith.constant 1 : i32
      %scan3A_9 = arith.addi %scan3A_5, %scan3A_8 : i32
      %mul3A_10 = arith.constant 16 : i32
      %mul3A_11 = arith.muli %scan3A_9, %mul3A_10 : i32
      %get3A_12 = arith.index_cast %mul3A_11 : i32 to index
      %get3A_13 = tpu.vector_load %arg5[%get3A_12] {strides = array<i32>} : memref<10240xi32, #tpu.memory_space<vmem>>, vector<16xi32>,
      tpu.vector_store_idx %arg6[%get3A_13], %broadcast_in_dim3A_0 {add = true} : memref<10240xf32, #tpu.memory_space<vmem>>[vector<16xi32>], vector<16xf32>,
      %scan3A_14 = arith.constant 2 : i32
      %scan3A_15 = arith.addi %scan3A_5, %scan3A_14 : i32
      %mul3A_16 = arith.constant 16 : i32
      %mul3A_17 = arith.muli %scan3A_15, %mul3A_16 : i32
      %get3A_18 = arith.index_cast %mul3A_17 : i32 to index
      %get3A_19 = tpu.vector_load %arg5[%get3A_18] {strides = array<i32>} : memref<10240xi32, #tpu.memory_space<vmem>>, vector<16xi32>,
      tpu.vector_store_idx %arg6[%get3A_19], %broadcast_in_dim3A_0 {add = true} : memref<10240xf32, #tpu.memory_space<vmem>>[vector<16xi32>], vector<16xf32>,
      %scan3A_20 = arith.constant 3 : i32
      %scan3A_21 = arith.addi %scan3A_5, %scan3A_20 : i32
      %mul3A_22 = arith.constant 16 : i32
      %mul3A_23 = arith.muli %scan3A_21, %mul3A_22 : i32
      %get3A_24 = arith.index_cast %mul3A_23 : i32 to index
      %get3A_25 = tpu.vector_load %arg5[%get3A_24] {strides = array<i32>} : memref<10240xi32, #tpu.memory_space<vmem>>, vector<16xi32>,
      tpu.vector_store_idx %arg6[%get3A_25], %broadcast_in_dim3A_0 {add = true} : memref<10240xf32, #tpu.memory_space<vmem>>[vector<16xi32>], vector<16xf32>,
    }
    %scan3A_4 = arith.constant 640 : i32
    "tpu.region"() ({
      %run_scoped3A = tpu.sem_alloc : memref<!tpu.dma_semaphore, #tpu.memory_space<semaphore_mem>>
      %dma_start3A = arith.constant 0 : i32
      %dma_start3A_5 = tpu.memref_slice %arg4[%arg0, %arg1, %dma_start3A] : memref<2x16x10240xf32, #tpu.memory_space<hbm>> -> memref<1x1x10240xf32, #tpu.memory_space<hbm>>
      %dma_start3A_6 = tpu.memref_squeeze %dma_start3A_5 : memref<1x1x10240xf32, #tpu.memory_space<hbm>> -> memref<10240xf32, #tpu.memory_space<hbm>>
      %dma_start3A_7 = arith.constant 0 : i32
      %dma_start3A_8 = tpu.memref_slice %arg4[%arg0, %arg1, %dma_start3A_7] : memref<2x16x10240xf32, #tpu.memory_space<hbm>> -> memref<1x1x10240xf32, #tpu.memory_space<hbm>>
      %dma_start3A_9 = tpu.memref_squeeze %dma_start3A_8 : memref<1x1x10240xf32, #tpu.memory_space<hbm>> -> memref<10240xf32, #tpu.memory_space<hbm>>
      tpu.enqueue_dma source(%arg6 : memref<10240xf32, #tpu.memory_space<vmem>>) target(%dma_start3A_9 : memref<10240xf32, #tpu.memory_space<hbm>>) target_semaphore(%run_scoped3A : memref<!tpu.dma_semaphore, #tpu.memory_space<semaphore_mem>>)
      %dma_wait3A = arith.constant 0 : i32
      %dma_wait3A_10 = tpu.memref_slice %arg4[%arg0, %arg1, %dma_wait3A] : memref<2x16x10240xf32, #tpu.memory_space<hbm>> -> memref<1x1x10240xf32, #tpu.memory_space<hbm>>
      %dma_wait3A_11 = tpu.memref_squeeze %dma_wait3A_10 : memref<1x1x10240xf32, #tpu.memory_space<hbm>> -> memref<10240xf32, #tpu.memory_space<hbm>>
      %dma_wait3A_12 = arith.constant 0 : i32
      %dma_wait3A_13 = tpu.memref_slice %arg4[%arg0, %arg1, %dma_wait3A_12] : memref<2x16x10240xf32, #tpu.memory_space<hbm>> -> memref<1x1x10240xf32, #tpu.memory_space<hbm>>
      %dma_wait3A_14 = tpu.memref_squeeze %dma_wait3A_13 : memref<1x1x10240xf32, #tpu.memory_space<hbm>> -> memref<10240xf32, #tpu.memory_space<hbm>>
      tpu.wait_dma2 semaphore(%run_scoped3A : memref<!tpu.dma_semaphore, #tpu.memory_space<semaphore_mem>>) src(%arg6 : memref<10240xf32, #tpu.memory_space<vmem>>) dst(%dma_wait3A_14 : memref<10240xf32, #tpu.memory_space<hbm>>)
      tpu.yield
    }) : () -> ()
    return
  }
}

#map = affine_map<(d0, d1) -> (0, 0)>
#map1 = affine_map<(d0, d1) -> (0, 0, 0)>
module attributes {stable_mosaic.version = 14 : i64} {
  func.func @body(%arg0: i32, %arg1: i32, %arg2: memref<2560x128xi32, #tpu.memory_space<hbm>>, %arg3: memref<2560x128xi32, #tpu.memory_space<hbm>>, %arg4: memref<10240x64xf32, #tpu.memory_space<hbm>>, %arg5: memref<10240x64xf32, #tpu.memory_space<hbm>>, %arg6: memref<10240x64xf32, #tpu.memory_space<hbm>>, %arg7: memref<2x10240x64xf32, #tpu.memory_space<hbm>>, %arg8: memref<2x10240x64xf32, #tpu.memory_space<hbm>>, %arg9: memref<120x128xi32, #tpu.memory_space<vmem>>, %arg10: memref<120x128xi32, #tpu.memory_space<vmem>>, %arg11: memref<128x64xf32, #tpu.memory_space<vmem>>, %arg12: memref<128x64xf32, #tpu.memory_space<vmem>>, %arg13: memref<128x64xf32, #tpu.memory_space<vmem>>, %arg14: memref<128x64xf32, #tpu.memory_space<vmem>>, %arg15: memref<10240x64xf32, #tpu.memory_space<vmem_shared>>, %arg16: memref<!tpu.dma_semaphore, #tpu.memory_space<semaphore_mem>>, %arg17: memref<!tpu.dma_semaphore, #tpu.memory_space<semaphore_mem>>, %arg18: memref<!tpu.dma_semaphore, #tpu.memory_space<semaphore_mem>>, %arg19: memref<!tpu.dma_semaphore, #tpu.memory_space<semaphore_mem>>, %arg20: memref<!tpu.dma_semaphore, #tpu.memory_space<semaphore_mem>>, %arg21: memref<!tpu.dma_semaphore, #tpu.memory_space<semaphore_mem>>, %arg22: memref<!tpu.dma_semaphore, #tpu.memory_space<semaphore_mem>>, %arg23: memref<!tpu.dma_semaphore, #tpu.memory_space<semaphore_mem>>) attributes {dimension_semantics = [#tpu.dimension_semantics<core_parallel>, #tpu.dimension_semantics<subcore_parallel>], iteration_bounds = array<i64: 2, 16>, scalar_prefetch = 0 : i64, scratch_operands = 15 : i64, tpu.core_type = #tpu.core_type<sc_vector_subcore>, window_params = [{transform_indices = #map}, {transform_indices = #map}, {transform_indices = #map}, {transform_indices = #map}, {transform_indices = #map}, {transform_indices = #map1}, {transform_indices = #map1}]} {
    %mul3A = arith.constant 640 : i32
    %mul3A_0 = arith.muli %arg1, %mul3A : i32
    %eq3A = arith.constant 0 : i32
    %eq3A_1 = arith.cmpi eq, %arg0, %eq3A : i32
    %convert_element_type3A = arith.extui %eq3A_1 : i1 to i32
    %cond3A = arith.constant 0 : i32
    %cond3A_2 = arith.cmpi ne, %convert_element_type3A, %cond3A : i32
    scf.if %cond3A_2 {
      %mul3A_31 = arith.constant 120 : i32
      %mul3A_32 = arith.muli %arg1, %mul3A_31 : i32
      "tpu.region"() ({
        %run_scoped3A = tpu.sem_alloc : memref<!tpu.dma_semaphore, #tpu.memory_space<semaphore_mem>>
        %dma_start3A = arith.constant 0 : i32
        %dma_start3A_35 = arith.constant 0 : i32
        %dma_start3A_36 = tpu.memref_slice %arg9[%dma_start3A, %dma_start3A_35] : memref<120x128xi32, #tpu.memory_space<vmem>> -> memref<120x128xi32, #tpu.memory_space<vmem>>
        %dma_start3A_37 = arith.constant 0 : i32
        %dma_start3A_38 = tpu.memref_slice %arg2[%mul3A_32, %dma_start3A_37] : memref<2560x128xi32, #tpu.memory_space<hbm>> -> memref<120x128xi32, #tpu.memory_space<hbm>>
        %dma_start3A_39 = arith.constant 0 : i32
        %dma_start3A_40 = arith.constant 0 : i32
        %dma_start3A_41 = tpu.memref_slice %arg9[%dma_start3A_39, %dma_start3A_40] : memref<120x128xi32, #tpu.memory_space<vmem>> -> memref<120x128xi32, #tpu.memory_space<vmem>>
        %dma_start3A_42 = arith.constant 0 : i32
        %dma_start3A_43 = tpu.memref_slice %arg2[%mul3A_32, %dma_start3A_42] : memref<2560x128xi32, #tpu.memory_space<hbm>> -> memref<120x128xi32, #tpu.memory_space<hbm>>
        tpu.enqueue_dma source(%dma_start3A_43 : memref<120x128xi32, #tpu.memory_space<hbm>>) target(%dma_start3A_41 : memref<120x128xi32, #tpu.memory_space<vmem>>) target_semaphore(%run_scoped3A : memref<!tpu.dma_semaphore, #tpu.memory_space<semaphore_mem>>)
        %dma_wait3A = arith.constant 0 : i32
        %dma_wait3A_44 = arith.constant 0 : i32
        %dma_wait3A_45 = tpu.memref_slice %arg9[%dma_wait3A, %dma_wait3A_44] : memref<120x128xi32, #tpu.memory_space<vmem>> -> memref<120x128xi32, #tpu.memory_space<vmem>>
        %dma_wait3A_46 = arith.constant 0 : i32
        %dma_wait3A_47 = tpu.memref_slice %arg2[%mul3A_32, %dma_wait3A_46] : memref<2560x128xi32, #tpu.memory_space<hbm>> -> memref<120x128xi32, #tpu.memory_space<hbm>>
        %dma_wait3A_48 = arith.constant 0 : i32
        %dma_wait3A_49 = arith.constant 0 : i32
        %dma_wait3A_50 = tpu.memref_slice %arg9[%dma_wait3A_48, %dma_wait3A_49] : memref<120x128xi32, #tpu.memory_space<vmem>> -> memref<120x128xi32, #tpu.memory_space<vmem>>
        %dma_wait3A_51 = arith.constant 0 : i32
        %dma_wait3A_52 = tpu.memref_slice %arg2[%mul3A_32, %dma_wait3A_51] : memref<2560x128xi32, #tpu.memory_space<hbm>> -> memref<120x128xi32, #tpu.memory_space<hbm>>
        tpu.wait_dma2 semaphore(%run_scoped3A : memref<!tpu.dma_semaphore, #tpu.memory_space<semaphore_mem>>) src(%dma_wait3A_52 : memref<120x128xi32, #tpu.memory_space<hbm>>) dst(%dma_wait3A_50 : memref<120x128xi32, #tpu.memory_space<vmem>>)
        tpu.yield
      }) : () -> ()
      %mul3A_33 = arith.constant 120 : i32
      %mul3A_34 = arith.muli %arg1, %mul3A_33 : i32
      "tpu.region"() ({
        %run_scoped3A = tpu.sem_alloc : memref<!tpu.dma_semaphore, #tpu.memory_space<semaphore_mem>>
        %dma_start3A = arith.constant 0 : i32
        %dma_start3A_35 = arith.constant 0 : i32
        %dma_start3A_36 = tpu.memref_slice %arg10[%dma_start3A, %dma_start3A_35] : memref<120x128xi32, #tpu.memory_space<vmem>> -> memref<120x128xi32, #tpu.memory_space<vmem>>
        %dma_start3A_37 = arith.constant 0 : i32
        %dma_start3A_38 = tpu.memref_slice %arg3[%mul3A_34, %dma_start3A_37] : memref<2560x128xi32, #tpu.memory_space<hbm>> -> memref<120x128xi32, #tpu.memory_space<hbm>>
        %dma_start3A_39 = arith.constant 0 : i32
        %dma_start3A_40 = arith.constant 0 : i32
        %dma_start3A_41 = tpu.memref_slice %arg10[%dma_start3A_39, %dma_start3A_40] : memref<120x128xi32, #tpu.memory_space<vmem>> -> memref<120x128xi32, #tpu.memory_space<vmem>>
        %dma_start3A_42 = arith.constant 0 : i32
        %dma_start3A_43 = tpu.memref_slice %arg3[%mul3A_34, %dma_start3A_42] : memref<2560x128xi32, #tpu.memory_space<hbm>> -> memref<120x128xi32, #tpu.memory_space<hbm>>
        tpu.enqueue_dma source(%dma_start3A_43 : memref<120x128xi32, #tpu.memory_space<hbm>>) target(%dma_start3A_41 : memref<120x128xi32, #tpu.memory_space<vmem>>) target_semaphore(%run_scoped3A : memref<!tpu.dma_semaphore, #tpu.memory_space<semaphore_mem>>)
        %dma_wait3A = arith.constant 0 : i32
        %dma_wait3A_44 = arith.constant 0 : i32
        %dma_wait3A_45 = tpu.memref_slice %arg10[%dma_wait3A, %dma_wait3A_44] : memref<120x128xi32, #tpu.memory_space<vmem>> -> memref<120x128xi32, #tpu.memory_space<vmem>>
        %dma_wait3A_46 = arith.constant 0 : i32
        %dma_wait3A_47 = tpu.memref_slice %arg3[%mul3A_34, %dma_wait3A_46] : memref<2560x128xi32, #tpu.memory_space<hbm>> -> memref<120x128xi32, #tpu.memory_space<hbm>>
        %dma_wait3A_48 = arith.constant 0 : i32
        %dma_wait3A_49 = arith.constant 0 : i32
        %dma_wait3A_50 = tpu.memref_slice %arg10[%dma_wait3A_48, %dma_wait3A_49] : memref<120x128xi32, #tpu.memory_space<vmem>> -> memref<120x128xi32, #tpu.memory_space<vmem>>
        %dma_wait3A_51 = arith.constant 0 : i32
        %dma_wait3A_52 = tpu.memref_slice %arg3[%mul3A_34, %dma_wait3A_51] : memref<2560x128xi32, #tpu.memory_space<hbm>> -> memref<120x128xi32, #tpu.memory_space<hbm>>
        tpu.wait_dma2 semaphore(%run_scoped3A : memref<!tpu.dma_semaphore, #tpu.memory_space<semaphore_mem>>) src(%dma_wait3A_52 : memref<120x128xi32, #tpu.memory_space<hbm>>) dst(%dma_wait3A_50 : memref<120x128xi32, #tpu.memory_space<vmem>>)
        tpu.yield
      }) : () -> ()
    } else {
    }
    %eq3A_3 = arith.constant 1 : i32
    %eq3A_4 = arith.cmpi eq, %arg0, %eq3A_3 : i32
    %convert_element_type3A_5 = arith.extui %eq3A_4 : i1 to i32
    %cond3A_6 = arith.constant 0 : i32
    %cond3A_7 = arith.cmpi ne, %convert_element_type3A_5, %cond3A_6 : i32
    scf.if %cond3A_7 {
      %mul3A_31 = arith.constant 40 : i32
      %mul3A_32 = arith.muli %arg1, %mul3A_31 : i32
      %add3A = arith.constant 1920 : i32
      %add3A_33 = arith.addi %add3A, %mul3A_32 : i32
      "tpu.region"() ({
        %run_scoped3A = tpu.sem_alloc : memref<!tpu.dma_semaphore, #tpu.memory_space<semaphore_mem>>
        %dma_start3A = arith.constant 0 : i32
        %dma_start3A_38 = arith.constant 0 : i32
        %dma_start3A_39 = tpu.memref_slice %arg9[%dma_start3A, %dma_start3A_38] : memref<120x128xi32, #tpu.memory_space<vmem>> -> memref<40x128xi32, #tpu.memory_space<vmem>>
        %dma_start3A_40 = arith.constant 0 : i32
        %dma_start3A_41 = tpu.memref_slice %arg2[%add3A_33, %dma_start3A_40] : memref<2560x128xi32, #tpu.memory_space<hbm>> -> memref<40x128xi32, #tpu.memory_space<hbm>>
        %dma_start3A_42 = arith.constant 0 : i32
        %dma_start3A_43 = arith.constant 0 : i32
        %dma_start3A_44 = tpu.memref_slice %arg9[%dma_start3A_42, %dma_start3A_43] : memref<120x128xi32, #tpu.memory_space<vmem>> -> memref<40x128xi32, #tpu.memory_space<vmem>>
        %dma_start3A_45 = arith.constant 0 : i32
        %dma_start3A_46 = tpu.memref_slice %arg2[%add3A_33, %dma_start3A_45] : memref<2560x128xi32, #tpu.memory_space<hbm>> -> memref<40x128xi32, #tpu.memory_space<hbm>>
        tpu.enqueue_dma source(%dma_start3A_46 : memref<40x128xi32, #tpu.memory_space<hbm>>) target(%dma_start3A_44 : memref<40x128xi32, #tpu.memory_space<vmem>>) target_semaphore(%run_scoped3A : memref<!tpu.dma_semaphore, #tpu.memory_space<semaphore_mem>>)
        %dma_wait3A = arith.constant 0 : i32
        %dma_wait3A_47 = arith.constant 0 : i32
        %dma_wait3A_48 = tpu.memref_slice %arg9[%dma_wait3A, %dma_wait3A_47] : memref<120x128xi32, #tpu.memory_space<vmem>> -> memref<40x128xi32, #tpu.memory_space<vmem>>
        %dma_wait3A_49 = arith.constant 0 : i32
        %dma_wait3A_50 = tpu.memref_slice %arg2[%add3A_33, %dma_wait3A_49] : memref<2560x128xi32, #tpu.memory_space<hbm>> -> memref<40x128xi32, #tpu.memory_space<hbm>>
        %dma_wait3A_51 = arith.constant 0 : i32
        %dma_wait3A_52 = arith.constant 0 : i32
        %dma_wait3A_53 = tpu.memref_slice %arg9[%dma_wait3A_51, %dma_wait3A_52] : memref<120x128xi32, #tpu.memory_space<vmem>> -> memref<40x128xi32, #tpu.memory_space<vmem>>
        %dma_wait3A_54 = arith.constant 0 : i32
        %dma_wait3A_55 = tpu.memref_slice %arg2[%add3A_33, %dma_wait3A_54] : memref<2560x128xi32, #tpu.memory_space<hbm>> -> memref<40x128xi32, #tpu.memory_space<hbm>>
        tpu.wait_dma2 semaphore(%run_scoped3A : memref<!tpu.dma_semaphore, #tpu.memory_space<semaphore_mem>>) src(%dma_wait3A_55 : memref<40x128xi32, #tpu.memory_space<hbm>>) dst(%dma_wait3A_53 : memref<40x128xi32, #tpu.memory_space<vmem>>)
        tpu.yield
      }) : () -> ()
      %mul3A_34 = arith.constant 40 : i32
      %mul3A_35 = arith.muli %arg1, %mul3A_34 : i32
      %add3A_36 = arith.constant 1920 : i32
      %add3A_37 = arith.addi %add3A_36, %mul3A_35 : i32
      "tpu.region"() ({
        %run_scoped3A = tpu.sem_alloc : memref<!tpu.dma_semaphore, #tpu.memory_space<semaphore_mem>>
        %dma_start3A = arith.constant 0 : i32
        %dma_start3A_38 = arith.constant 0 : i32
        %dma_start3A_39 = tpu.memref_slice %arg10[%dma_start3A, %dma_start3A_38] : memref<120x128xi32, #tpu.memory_space<vmem>> -> memref<40x128xi32, #tpu.memory_space<vmem>>
        %dma_start3A_40 = arith.constant 0 : i32
        %dma_start3A_41 = tpu.memref_slice %arg3[%add3A_37, %dma_start3A_40] : memref<2560x128xi32, #tpu.memory_space<hbm>> -> memref<40x128xi32, #tpu.memory_space<hbm>>
        %dma_start3A_42 = arith.constant 0 : i32
        %dma_start3A_43 = arith.constant 0 : i32
        %dma_start3A_44 = tpu.memref_slice %arg10[%dma_start3A_42, %dma_start3A_43] : memref<120x128xi32, #tpu.memory_space<vmem>> -> memref<40x128xi32, #tpu.memory_space<vmem>>
        %dma_start3A_45 = arith.constant 0 : i32
        %dma_start3A_46 = tpu.memref_slice %arg3[%add3A_37, %dma_start3A_45] : memref<2560x128xi32, #tpu.memory_space<hbm>> -> memref<40x128xi32, #tpu.memory_space<hbm>>
        tpu.enqueue_dma source(%dma_start3A_46 : memref<40x128xi32, #tpu.memory_space<hbm>>) target(%dma_start3A_44 : memref<40x128xi32, #tpu.memory_space<vmem>>) target_semaphore(%run_scoped3A : memref<!tpu.dma_semaphore, #tpu.memory_space<semaphore_mem>>)
        %dma_wait3A = arith.constant 0 : i32
        %dma_wait3A_47 = arith.constant 0 : i32
        %dma_wait3A_48 = tpu.memref_slice %arg10[%dma_wait3A, %dma_wait3A_47] : memref<120x128xi32, #tpu.memory_space<vmem>> -> memref<40x128xi32, #tpu.memory_space<vmem>>
        %dma_wait3A_49 = arith.constant 0 : i32
        %dma_wait3A_50 = tpu.memref_slice %arg3[%add3A_37, %dma_wait3A_49] : memref<2560x128xi32, #tpu.memory_space<hbm>> -> memref<40x128xi32, #tpu.memory_space<hbm>>
        %dma_wait3A_51 = arith.constant 0 : i32
        %dma_wait3A_52 = arith.constant 0 : i32
        %dma_wait3A_53 = tpu.memref_slice %arg10[%dma_wait3A_51, %dma_wait3A_52] : memref<120x128xi32, #tpu.memory_space<vmem>> -> memref<40x128xi32, #tpu.memory_space<vmem>>
        %dma_wait3A_54 = arith.constant 0 : i32
        %dma_wait3A_55 = tpu.memref_slice %arg3[%add3A_37, %dma_wait3A_54] : memref<2560x128xi32, #tpu.memory_space<hbm>> -> memref<40x128xi32, #tpu.memory_space<hbm>>
        tpu.wait_dma2 semaphore(%run_scoped3A : memref<!tpu.dma_semaphore, #tpu.memory_space<semaphore_mem>>) src(%dma_wait3A_55 : memref<40x128xi32, #tpu.memory_space<hbm>>) dst(%dma_wait3A_53 : memref<40x128xi32, #tpu.memory_space<vmem>>)
        tpu.yield
      }) : () -> ()
    } else {
    }
    "tpu.region"() ({
      %run_scoped3A = tpu.sem_alloc : memref<!tpu.dma_semaphore, #tpu.memory_space<semaphore_mem>>
      %dma_start3A = arith.constant 0 : i32
      %dma_start3A_31 = tpu.memref_slice %arg15[%mul3A_0, %dma_start3A] : memref<10240x64xf32, #tpu.memory_space<vmem_shared>> -> memref<640x64xf32, #tpu.memory_space<vmem_shared>>
      %dma_start3A_32 = arith.constant 0 : i32
      %dma_start3A_33 = tpu.memref_slice %arg6[%mul3A_0, %dma_start3A_32] : memref<10240x64xf32, #tpu.memory_space<hbm>> -> memref<640x64xf32, #tpu.memory_space<hbm>>
      tpu.enqueue_dma source(%dma_start3A_33 : memref<640x64xf32, #tpu.memory_space<hbm>>) target(%dma_start3A_31 : memref<640x64xf32, #tpu.memory_space<vmem_shared>>) target_semaphore(%run_scoped3A : memref<!tpu.dma_semaphore, #tpu.memory_space<semaphore_mem>>)
      %dma_wait3A = arith.constant 0 : i32
      %dma_wait3A_34 = tpu.memref_slice %arg15[%mul3A_0, %dma_wait3A] : memref<10240x64xf32, #tpu.memory_space<vmem_shared>> -> memref<640x64xf32, #tpu.memory_space<vmem_shared>>
      %dma_wait3A_35 = arith.constant 0 : i32
      %dma_wait3A_36 = tpu.memref_slice %arg6[%mul3A_0, %dma_wait3A_35] : memref<10240x64xf32, #tpu.memory_space<hbm>> -> memref<640x64xf32, #tpu.memory_space<hbm>>
      tpu.wait_dma2 semaphore(%run_scoped3A : memref<!tpu.dma_semaphore, #tpu.memory_space<semaphore_mem>>) src(%dma_wait3A_36 : memref<640x64xf32, #tpu.memory_space<hbm>>) dst(%dma_wait3A_34 : memref<640x64xf32, #tpu.memory_space<vmem_shared>>)
      tpu.yield
    }) : () -> ()
    %barrier3A = arith.constant 0 : index
    tpu.barrier barrier_id(%barrier3A)
    %eq3A_8 = arith.constant 0 : i32
    %eq3A_9 = arith.cmpi eq, %arg0, %eq3A_8 : i32
    %convert_element_type3A_10 = arith.extui %eq3A_9 : i1 to i32
    %cond3A_11 = arith.constant 0 : i32
    %cond3A_12 = arith.cmpi ne, %convert_element_type3A_10, %cond3A_11 : i32
    scf.if %cond3A_12 {
      %dma_start3A = arith.constant 0 : i32
      %dma_start3A_31 = arith.constant 0 : i32
      %dma_start3A_32 = tpu.memref_slice %arg9[%dma_start3A, %dma_start3A_31] : memref<120x128xi32, #tpu.memory_space<vmem>> -> memref<1x128xi32, #tpu.memory_space<vmem>>
      %dma_start3A_33 = tpu.memref_squeeze %dma_start3A_32 : memref<1x128xi32, #tpu.memory_space<vmem>> -> memref<128xi32, #tpu.memory_space<vmem>>
      %dma_start3A_34 = arith.constant 0 : i32
      %dma_start3A_35 = arith.constant 0 : i32
      %dma_start3A_36 = tpu.memref_slice %arg4[%dma_start3A_34, %dma_start3A_35] : memref<10240x64xf32, #tpu.memory_space<hbm>> -> memref<10240x64xf32, #tpu.memory_space<hbm>>
      tpu.enqueue_indirect_dma source(%dma_start3A_36 : memref<10240x64xf32, #tpu.memory_space<hbm>>) target(%arg11 : memref<128x64xf32, #tpu.memory_space<vmem>>) offsets(%dma_start3A_33 : memref<128xi32, #tpu.memory_space<vmem>>) semaphore(%arg16 : memref<!tpu.dma_semaphore, #tpu.memory_space<semaphore_mem>>)
      %dma_start3A_37 = arith.constant 1 : i32
      %dma_start3A_38 = arith.constant 0 : i32
      %dma_start3A_39 = tpu.memref_slice %arg9[%dma_start3A_37, %dma_start3A_38] : memref<120x128xi32, #tpu.memory_space<vmem>> -> memref<1x128xi32, #tpu.memory_space<vmem>>
      %dma_start3A_40 = tpu.memref_squeeze %dma_start3A_39 : memref<1x128xi32, #tpu.memory_space<vmem>> -> memref<128xi32, #tpu.memory_space<vmem>>
      %dma_start3A_41 = arith.constant 0 : i32
      %dma_start3A_42 = arith.constant 0 : i32
      %dma_start3A_43 = tpu.memref_slice %arg4[%dma_start3A_41, %dma_start3A_42] : memref<10240x64xf32, #tpu.memory_space<hbm>> -> memref<10240x64xf32, #tpu.memory_space<hbm>>
      tpu.enqueue_indirect_dma source(%dma_start3A_43 : memref<10240x64xf32, #tpu.memory_space<hbm>>) target(%arg12 : memref<128x64xf32, #tpu.memory_space<vmem>>) offsets(%dma_start3A_40 : memref<128xi32, #tpu.memory_space<vmem>>) semaphore(%arg17 : memref<!tpu.dma_semaphore, #tpu.memory_space<semaphore_mem>>)
      %dma_start3A_44 = arith.constant 2 : i32
      %dma_start3A_45 = arith.constant 0 : i32
      %dma_start3A_46 = tpu.memref_slice %arg9[%dma_start3A_44, %dma_start3A_45] : memref<120x128xi32, #tpu.memory_space<vmem>> -> memref<1x128xi32, #tpu.memory_space<vmem>>
      %dma_start3A_47 = tpu.memref_squeeze %dma_start3A_46 : memref<1x128xi32, #tpu.memory_space<vmem>> -> memref<128xi32, #tpu.memory_space<vmem>>
      %dma_start3A_48 = arith.constant 0 : i32
      %dma_start3A_49 = arith.constant 0 : i32
      %dma_start3A_50 = tpu.memref_slice %arg4[%dma_start3A_48, %dma_start3A_49] : memref<10240x64xf32, #tpu.memory_space<hbm>> -> memref<10240x64xf32, #tpu.memory_space<hbm>>
      tpu.enqueue_indirect_dma source(%dma_start3A_50 : memref<10240x64xf32, #tpu.memory_space<hbm>>) target(%arg13 : memref<128x64xf32, #tpu.memory_space<vmem>>) offsets(%dma_start3A_47 : memref<128xi32, #tpu.memory_space<vmem>>) semaphore(%arg18 : memref<!tpu.dma_semaphore, #tpu.memory_space<semaphore_mem>>)
      %dma_start3A_51 = arith.constant 3 : i32
      %dma_start3A_52 = arith.constant 0 : i32
      %dma_start3A_53 = tpu.memref_slice %arg9[%dma_start3A_51, %dma_start3A_52] : memref<120x128xi32, #tpu.memory_space<vmem>> -> memref<1x128xi32, #tpu.memory_space<vmem>>
      %dma_start3A_54 = tpu.memref_squeeze %dma_start3A_53 : memref<1x128xi32, #tpu.memory_space<vmem>> -> memref<128xi32, #tpu.memory_space<vmem>>
      %dma_start3A_55 = arith.constant 0 : i32
      %dma_start3A_56 = arith.constant 0 : i32
      %dma_start3A_57 = tpu.memref_slice %arg4[%dma_start3A_55, %dma_start3A_56] : memref<10240x64xf32, #tpu.memory_space<hbm>> -> memref<10240x64xf32, #tpu.memory_space<hbm>>
      tpu.enqueue_indirect_dma source(%dma_start3A_57 : memref<10240x64xf32, #tpu.memory_space<hbm>>) target(%arg14 : memref<128x64xf32, #tpu.memory_space<vmem>>) offsets(%dma_start3A_54 : memref<128xi32, #tpu.memory_space<vmem>>) semaphore(%arg19 : memref<!tpu.dma_semaphore, #tpu.memory_space<semaphore_mem>>)
      %scan3A = arith.constant 0 : i32
      %scan3A_58 = arith.constant 30 : i32
      %scan3A_59 = arith.addi %scan3A, %scan3A_58 : i32
      %scan3A_60 = arith.constant 1 : i32
      scf.for %scan3A_62 = %scan3A to %scan3A_59 step %scan3A_60  : i32 {
        %mul3A_63 = arith.constant 4 : i32
        %mul3A_64 = arith.muli %scan3A_62, %mul3A_63 : i32
        %dma_wait3A = arith.constant 0 : i32
        %dma_wait3A_65 = arith.constant 0 : i32
        %dma_wait3A_66 = tpu.memref_slice %arg4[%dma_wait3A, %dma_wait3A_65] : memref<10240x64xf32, #tpu.memory_space<hbm>> -> memref<128x64xf32, #tpu.memory_space<hbm>>
        %dma_wait3A_67 = arith.constant 0 : i32
        %dma_wait3A_68 = arith.constant 0 : i32
        %dma_wait3A_69 = tpu.memref_slice %arg4[%dma_wait3A_67, %dma_wait3A_68] : memref<10240x64xf32, #tpu.memory_space<hbm>> -> memref<128x64xf32, #tpu.memory_space<hbm>>
        tpu.wait_dma2 semaphore(%arg16 : memref<!tpu.dma_semaphore, #tpu.memory_space<semaphore_mem>>) src(%dma_wait3A_69 : memref<128x64xf32, #tpu.memory_space<hbm>>) dst(%arg11 : memref<128x64xf32, #tpu.memory_space<vmem>>)
        %add3A = arith.constant 0 : i32
        %add3A_70 = arith.addi %mul3A_64, %add3A : i32
        %dma_start3A_71 = arith.constant 0 : i32
        %dma_start3A_72 = tpu.memref_slice %arg10[%add3A_70, %dma_start3A_71] : memref<120x128xi32, #tpu.memory_space<vmem>> -> memref<1x128xi32, #tpu.memory_space<vmem>>
        %dma_start3A_73 = tpu.memref_squeeze %dma_start3A_72 : memref<1x128xi32, #tpu.memory_space<vmem>> -> memref<128xi32, #tpu.memory_space<vmem>>
        %dma_start3A_74 = arith.constant 0 : i32
        %dma_start3A_75 = arith.constant 0 : i32
        %dma_start3A_76 = tpu.memref_slice %arg15[%dma_start3A_74, %dma_start3A_75] : memref<10240x64xf32, #tpu.memory_space<vmem_shared>> -> memref<10240x64xf32, #tpu.memory_space<vmem_shared>>
        tpu.enqueue_indirect_dma source(%arg11 : memref<128x64xf32, #tpu.memory_space<vmem>>) target(%dma_start3A_76 : memref<10240x64xf32, #tpu.memory_space<vmem_shared>>) offsets(%dma_start3A_73 : memref<128xi32, #tpu.memory_space<vmem>>) semaphore(%arg20 : memref<!tpu.dma_semaphore, #tpu.memory_space<semaphore_mem>>) {add = true}
        %dma_wait3A_77 = arith.constant 0 : i32
        %dma_wait3A_78 = arith.constant 0 : i32
        %dma_wait3A_79 = tpu.memref_slice %arg4[%dma_wait3A_77, %dma_wait3A_78] : memref<10240x64xf32, #tpu.memory_space<hbm>> -> memref<128x64xf32, #tpu.memory_space<hbm>>
        %dma_wait3A_80 = arith.constant 0 : i32
        %dma_wait3A_81 = arith.constant 0 : i32
        %dma_wait3A_82 = tpu.memref_slice %arg4[%dma_wait3A_80, %dma_wait3A_81] : memref<10240x64xf32, #tpu.memory_space<hbm>> -> memref<128x64xf32, #tpu.memory_space<hbm>>
        tpu.wait_dma2 semaphore(%arg17 : memref<!tpu.dma_semaphore, #tpu.memory_space<semaphore_mem>>) src(%dma_wait3A_82 : memref<128x64xf32, #tpu.memory_space<hbm>>) dst(%arg12 : memref<128x64xf32, #tpu.memory_space<vmem>>)
        %add3A_83 = arith.constant 1 : i32
        %add3A_84 = arith.addi %mul3A_64, %add3A_83 : i32
        %dma_start3A_85 = arith.constant 0 : i32
        %dma_start3A_86 = tpu.memref_slice %arg10[%add3A_84, %dma_start3A_85] : memref<120x128xi32, #tpu.memory_space<vmem>> -> memref<1x128xi32, #tpu.memory_space<vmem>>
        %dma_start3A_87 = tpu.memref_squeeze %dma_start3A_86 : memref<1x128xi32, #tpu.memory_space<vmem>> -> memref<128xi32, #tpu.memory_space<vmem>>
        %dma_start3A_88 = arith.constant 0 : i32
        %dma_start3A_89 = arith.constant 0 : i32
        %dma_start3A_90 = tpu.memref_slice %arg15[%dma_start3A_88, %dma_start3A_89] : memref<10240x64xf32, #tpu.memory_space<vmem_shared>> -> memref<10240x64xf32, #tpu.memory_space<vmem_shared>>
        tpu.enqueue_indirect_dma source(%arg12 : memref<128x64xf32, #tpu.memory_space<vmem>>) target(%dma_start3A_90 : memref<10240x64xf32, #tpu.memory_space<vmem_shared>>) offsets(%dma_start3A_87 : memref<128xi32, #tpu.memory_space<vmem>>) semaphore(%arg21 : memref<!tpu.dma_semaphore, #tpu.memory_space<semaphore_mem>>) {add = true}
        %dma_wait3A_91 = arith.constant 0 : i32
        %dma_wait3A_92 = arith.constant 0 : i32
        %dma_wait3A_93 = tpu.memref_slice %arg4[%dma_wait3A_91, %dma_wait3A_92] : memref<10240x64xf32, #tpu.memory_space<hbm>> -> memref<128x64xf32, #tpu.memory_space<hbm>>
        %dma_wait3A_94 = arith.constant 0 : i32
        %dma_wait3A_95 = arith.constant 0 : i32
        %dma_wait3A_96 = tpu.memref_slice %arg4[%dma_wait3A_94, %dma_wait3A_95] : memref<10240x64xf32, #tpu.memory_space<hbm>> -> memref<128x64xf32, #tpu.memory_space<hbm>>
        tpu.wait_dma2 semaphore(%arg18 : memref<!tpu.dma_semaphore, #tpu.memory_space<semaphore_mem>>) src(%dma_wait3A_96 : memref<128x64xf32, #tpu.memory_space<hbm>>) dst(%arg13 : memref<128x64xf32, #tpu.memory_space<vmem>>)
        %add3A_97 = arith.constant 2 : i32
        %add3A_98 = arith.addi %mul3A_64, %add3A_97 : i32
        %dma_start3A_99 = arith.constant 0 : i32
        %dma_start3A_100 = tpu.memref_slice %arg10[%add3A_98, %dma_start3A_99] : memref<120x128xi32, #tpu.memory_space<vmem>> -> memref<1x128xi32, #tpu.memory_space<vmem>>
        %dma_start3A_101 = tpu.memref_squeeze %dma_start3A_100 : memref<1x128xi32, #tpu.memory_space<vmem>> -> memref<128xi32, #tpu.memory_space<vmem>>
        %dma_start3A_102 = arith.constant 0 : i32
        %dma_start3A_103 = arith.constant 0 : i32
        %dma_start3A_104 = tpu.memref_slice %arg15[%dma_start3A_102, %dma_start3A_103] : memref<10240x64xf32, #tpu.memory_space<vmem_shared>> -> memref<10240x64xf32, #tpu.memory_space<vmem_shared>>
        tpu.enqueue_indirect_dma source(%arg13 : memref<128x64xf32, #tpu.memory_space<vmem>>) target(%dma_start3A_104 : memref<10240x64xf32, #tpu.memory_space<vmem_shared>>) offsets(%dma_start3A_101 : memref<128xi32, #tpu.memory_space<vmem>>) semaphore(%arg22 : memref<!tpu.dma_semaphore, #tpu.memory_space<semaphore_mem>>) {add = true}
        %dma_wait3A_105 = arith.constant 0 : i32
        %dma_wait3A_106 = arith.constant 0 : i32
        %dma_wait3A_107 = tpu.memref_slice %arg4[%dma_wait3A_105, %dma_wait3A_106] : memref<10240x64xf32, #tpu.memory_space<hbm>> -> memref<128x64xf32, #tpu.memory_space<hbm>>
        %dma_wait3A_108 = arith.constant 0 : i32
        %dma_wait3A_109 = arith.constant 0 : i32
        %dma_wait3A_110 = tpu.memref_slice %arg4[%dma_wait3A_108, %dma_wait3A_109] : memref<10240x64xf32, #tpu.memory_space<hbm>> -> memref<128x64xf32, #tpu.memory_space<hbm>>
        tpu.wait_dma2 semaphore(%arg19 : memref<!tpu.dma_semaphore, #tpu.memory_space<semaphore_mem>>) src(%dma_wait3A_110 : memref<128x64xf32, #tpu.memory_space<hbm>>) dst(%arg14 : memref<128x64xf32, #tpu.memory_space<vmem>>)
        %add3A_111 = arith.constant 3 : i32
        %add3A_112 = arith.addi %mul3A_64, %add3A_111 : i32
        %dma_start3A_113 = arith.constant 0 : i32
        %dma_start3A_114 = tpu.memref_slice %arg10[%add3A_112, %dma_start3A_113] : memref<120x128xi32, #tpu.memory_space<vmem>> -> memref<1x128xi32, #tpu.memory_space<vmem>>
        %dma_start3A_115 = tpu.memref_squeeze %dma_start3A_114 : memref<1x128xi32, #tpu.memory_space<vmem>> -> memref<128xi32, #tpu.memory_space<vmem>>
        %dma_start3A_116 = arith.constant 0 : i32
        %dma_start3A_117 = arith.constant 0 : i32
        %dma_start3A_118 = tpu.memref_slice %arg15[%dma_start3A_116, %dma_start3A_117] : memref<10240x64xf32, #tpu.memory_space<vmem_shared>> -> memref<10240x64xf32, #tpu.memory_space<vmem_shared>>
        tpu.enqueue_indirect_dma source(%arg14 : memref<128x64xf32, #tpu.memory_space<vmem>>) target(%dma_start3A_118 : memref<10240x64xf32, #tpu.memory_space<vmem_shared>>) offsets(%dma_start3A_115 : memref<128xi32, #tpu.memory_space<vmem>>) semaphore(%arg23 : memref<!tpu.dma_semaphore, #tpu.memory_space<semaphore_mem>>) {add = true}
        %dma_wait3A_119 = arith.constant 0 : i32
        %dma_wait3A_120 = arith.constant 0 : i32
        %dma_wait3A_121 = tpu.memref_slice %arg15[%dma_wait3A_119, %dma_wait3A_120] : memref<10240x64xf32, #tpu.memory_space<vmem_shared>> -> memref<128x64xf32, #tpu.memory_space<vmem_shared>>
        %dma_wait3A_122 = arith.constant 0 : i32
        %dma_wait3A_123 = arith.constant 0 : i32
        %dma_wait3A_124 = tpu.memref_slice %arg15[%dma_wait3A_122, %dma_wait3A_123] : memref<10240x64xf32, #tpu.memory_space<vmem_shared>> -> memref<128x64xf32, #tpu.memory_space<vmem_shared>>
        tpu.wait_dma2 semaphore(%arg20 : memref<!tpu.dma_semaphore, #tpu.memory_space<semaphore_mem>>) src(%arg11 : memref<128x64xf32, #tpu.memory_space<vmem>>) dst(%dma_wait3A_124 : memref<128x64xf32, #tpu.memory_space<vmem_shared>>)
        %add3A_125 = arith.constant 0 : i32
        %add3A_126 = arith.addi %mul3A_64, %add3A_125 : i32
        %add3A_127 = arith.constant 4 : i32
        %add3A_128 = arith.addi %add3A_126, %add3A_127 : i32
        %lt3A = arith.constant 120 : i32
        %lt3A_129 = arith.cmpi slt, %add3A_128, %lt3A : i32
        %convert_element_type3A_130 = arith.extui %lt3A_129 : i1 to i32
        %cond3A_131 = arith.constant 0 : i32
        %cond3A_132 = arith.cmpi ne, %convert_element_type3A_130, %cond3A_131 : i32
        scf.if %cond3A_132 {
          %add3A_178 = arith.constant 0 : i32
          %add3A_179 = arith.addi %mul3A_64, %add3A_178 : i32
          %add3A_180 = arith.constant 4 : i32
          %add3A_181 = arith.addi %add3A_179, %add3A_180 : i32
          %dma_start3A_182 = arith.constant 0 : i32
          %dma_start3A_183 = tpu.memref_slice %arg9[%add3A_181, %dma_start3A_182] : memref<120x128xi32, #tpu.memory_space<vmem>> -> memref<1x128xi32, #tpu.memory_space<vmem>>
          %dma_start3A_184 = tpu.memref_squeeze %dma_start3A_183 : memref<1x128xi32, #tpu.memory_space<vmem>> -> memref<128xi32, #tpu.memory_space<vmem>>
          %dma_start3A_185 = arith.constant 0 : i32
          %dma_start3A_186 = arith.constant 0 : i32
          %dma_start3A_187 = tpu.memref_slice %arg4[%dma_start3A_185, %dma_start3A_186] : memref<10240x64xf32, #tpu.memory_space<hbm>> -> memref<10240x64xf32, #tpu.memory_space<hbm>>
          tpu.enqueue_indirect_dma source(%dma_start3A_187 : memref<10240x64xf32, #tpu.memory_space<hbm>>) target(%arg11 : memref<128x64xf32, #tpu.memory_space<vmem>>) offsets(%dma_start3A_184 : memref<128xi32, #tpu.memory_space<vmem>>) semaphore(%arg16 : memref<!tpu.dma_semaphore, #tpu.memory_space<semaphore_mem>>)
        } else {
        }
        %dma_wait3A_133 = arith.constant 0 : i32
        %dma_wait3A_134 = arith.constant 0 : i32
        %dma_wait3A_135 = tpu.memref_slice %arg15[%dma_wait3A_133, %dma_wait3A_134] : memref<10240x64xf32, #tpu.memory_space<vmem_shared>> -> memref<128x64xf32, #tpu.memory_space<vmem_shared>>
        %dma_wait3A_136 = arith.constant 0 : i32
        %dma_wait3A_137 = arith.constant 0 : i32
        %dma_wait3A_138 = tpu.memref_slice %arg15[%dma_wait3A_136, %dma_wait3A_137] : memref<10240x64xf32, #tpu.memory_space<vmem_shared>> -> memref<128x64xf32, #tpu.memory_space<vmem_shared>>
        tpu.wait_dma2 semaphore(%arg21 : memref<!tpu.dma_semaphore, #tpu.memory_space<semaphore_mem>>) src(%arg12 : memref<128x64xf32, #tpu.memory_space<vmem>>) dst(%dma_wait3A_138 : memref<128x64xf32, #tpu.memory_space<vmem_shared>>)
        %add3A_139 = arith.constant 1 : i32
        %add3A_140 = arith.addi %mul3A_64, %add3A_139 : i32
        %add3A_141 = arith.constant 4 : i32
        %add3A_142 = arith.addi %add3A_140, %add3A_141 : i32
        %lt3A_143 = arith.constant 120 : i32
        %lt3A_144 = arith.cmpi slt, %add3A_142, %lt3A_143 : i32
        %convert_element_type3A_145 = arith.extui %lt3A_144 : i1 to i32
        %cond3A_146 = arith.constant 0 : i32
        %cond3A_147 = arith.cmpi ne, %convert_element_type3A_145, %cond3A_146 : i32
        scf.if %cond3A_147 {
          %add3A_178 = arith.constant 1 : i32
          %add3A_179 = arith.addi %mul3A_64, %add3A_178 : i32
          %add3A_180 = arith.constant 4 : i32
          %add3A_181 = arith.addi %add3A_179, %add3A_180 : i32
          %dma_start3A_182 = arith.constant 0 : i32
          %dma_start3A_183 = tpu.memref_slice %arg9[%add3A_181, %dma_start3A_182] : memref<120x128xi32, #tpu.memory_space<vmem>> -> memref<1x128xi32, #tpu.memory_space<vmem>>
          %dma_start3A_184 = tpu.memref_squeeze %dma_start3A_183 : memref<1x128xi32, #tpu.memory_space<vmem>> -> memref<128xi32, #tpu.memory_space<vmem>>
          %dma_start3A_185 = arith.constant 0 : i32
          %dma_start3A_186 = arith.constant 0 : i32
          %dma_start3A_187 = tpu.memref_slice %arg4[%dma_start3A_185, %dma_start3A_186] : memref<10240x64xf32, #tpu.memory_space<hbm>> -> memref<10240x64xf32, #tpu.memory_space<hbm>>
          tpu.enqueue_indirect_dma source(%dma_start3A_187 : memref<10240x64xf32, #tpu.memory_space<hbm>>) target(%arg12 : memref<128x64xf32, #tpu.memory_space<vmem>>) offsets(%dma_start3A_184 : memref<128xi32, #tpu.memory_space<vmem>>) semaphore(%arg17 : memref<!tpu.dma_semaphore, #tpu.memory_space<semaphore_mem>>)
        } else {
        }
        %dma_wait3A_148 = arith.constant 0 : i32
        %dma_wait3A_149 = arith.constant 0 : i32
        %dma_wait3A_150 = tpu.memref_slice %arg15[%dma_wait3A_148, %dma_wait3A_149] : memref<10240x64xf32, #tpu.memory_space<vmem_shared>> -> memref<128x64xf32, #tpu.memory_space<vmem_shared>>
        %dma_wait3A_151 = arith.constant 0 : i32
        %dma_wait3A_152 = arith.constant 0 : i32
        %dma_wait3A_153 = tpu.memref_slice %arg15[%dma_wait3A_151, %dma_wait3A_152] : memref<10240x64xf32, #tpu.memory_space<vmem_shared>> -> memref<128x64xf32, #tpu.memory_space<vmem_shared>>
        tpu.wait_dma2 semaphore(%arg22 : memref<!tpu.dma_semaphore, #tpu.memory_space<semaphore_mem>>) src(%arg13 : memref<128x64xf32, #tpu.memory_space<vmem>>) dst(%dma_wait3A_153 : memref<128x64xf32, #tpu.memory_space<vmem_shared>>)
        %add3A_154 = arith.constant 2 : i32
        %add3A_155 = arith.addi %mul3A_64, %add3A_154 : i32
        %add3A_156 = arith.constant 4 : i32
        %add3A_157 = arith.addi %add3A_155, %add3A_156 : i32
        %lt3A_158 = arith.constant 120 : i32
        %lt3A_159 = arith.cmpi slt, %add3A_157, %lt3A_158 : i32
        %convert_element_type3A_160 = arith.extui %lt3A_159 : i1 to i32
        %cond3A_161 = arith.constant 0 : i32
        %cond3A_162 = arith.cmpi ne, %convert_element_type3A_160, %cond3A_161 : i32
        scf.if %cond3A_162 {
          %add3A_178 = arith.constant 2 : i32
          %add3A_179 = arith.addi %mul3A_64, %add3A_178 : i32
          %add3A_180 = arith.constant 4 : i32
          %add3A_181 = arith.addi %add3A_179, %add3A_180 : i32
          %dma_start3A_182 = arith.constant 0 : i32
          %dma_start3A_183 = tpu.memref_slice %arg9[%add3A_181, %dma_start3A_182] : memref<120x128xi32, #tpu.memory_space<vmem>> -> memref<1x128xi32, #tpu.memory_space<vmem>>
          %dma_start3A_184 = tpu.memref_squeeze %dma_start3A_183 : memref<1x128xi32, #tpu.memory_space<vmem>> -> memref<128xi32, #tpu.memory_space<vmem>>
          %dma_start3A_185 = arith.constant 0 : i32
          %dma_start3A_186 = arith.constant 0 : i32
          %dma_start3A_187 = tpu.memref_slice %arg4[%dma_start3A_185, %dma_start3A_186] : memref<10240x64xf32, #tpu.memory_space<hbm>> -> memref<10240x64xf32, #tpu.memory_space<hbm>>
          tpu.enqueue_indirect_dma source(%dma_start3A_187 : memref<10240x64xf32, #tpu.memory_space<hbm>>) target(%arg13 : memref<128x64xf32, #tpu.memory_space<vmem>>) offsets(%dma_start3A_184 : memref<128xi32, #tpu.memory_space<vmem>>) semaphore(%arg18 : memref<!tpu.dma_semaphore, #tpu.memory_space<semaphore_mem>>)
        } else {
        }
        %dma_wait3A_163 = arith.constant 0 : i32
        %dma_wait3A_164 = arith.constant 0 : i32
        %dma_wait3A_165 = tpu.memref_slice %arg15[%dma_wait3A_163, %dma_wait3A_164] : memref<10240x64xf32, #tpu.memory_space<vmem_shared>> -> memref<128x64xf32, #tpu.memory_space<vmem_shared>>
        %dma_wait3A_166 = arith.constant 0 : i32
        %dma_wait3A_167 = arith.constant 0 : i32
        %dma_wait3A_168 = tpu.memref_slice %arg15[%dma_wait3A_166, %dma_wait3A_167] : memref<10240x64xf32, #tpu.memory_space<vmem_shared>> -> memref<128x64xf32, #tpu.memory_space<vmem_shared>>
        tpu.wait_dma2 semaphore(%arg23 : memref<!tpu.dma_semaphore, #tpu.memory_space<semaphore_mem>>) src(%arg14 : memref<128x64xf32, #tpu.memory_space<vmem>>) dst(%dma_wait3A_168 : memref<128x64xf32, #tpu.memory_space<vmem_shared>>)
        %add3A_169 = arith.constant 3 : i32
        %add3A_170 = arith.addi %mul3A_64, %add3A_169 : i32
        %add3A_171 = arith.constant 4 : i32
        %add3A_172 = arith.addi %add3A_170, %add3A_171 : i32
        %lt3A_173 = arith.constant 120 : i32
        %lt3A_174 = arith.cmpi slt, %add3A_172, %lt3A_173 : i32
        %convert_element_type3A_175 = arith.extui %lt3A_174 : i1 to i32
        %cond3A_176 = arith.constant 0 : i32
        %cond3A_177 = arith.cmpi ne, %convert_element_type3A_175, %cond3A_176 : i32
        scf.if %cond3A_177 {
          %add3A_178 = arith.constant 3 : i32
          %add3A_179 = arith.addi %mul3A_64, %add3A_178 : i32
          %add3A_180 = arith.constant 4 : i32
          %add3A_181 = arith.addi %add3A_179, %add3A_180 : i32
          %dma_start3A_182 = arith.constant 0 : i32
          %dma_start3A_183 = tpu.memref_slice %arg9[%add3A_181, %dma_start3A_182] : memref<120x128xi32, #tpu.memory_space<vmem>> -> memref<1x128xi32, #tpu.memory_space<vmem>>
          %dma_start3A_184 = tpu.memref_squeeze %dma_start3A_183 : memref<1x128xi32, #tpu.memory_space<vmem>> -> memref<128xi32, #tpu.memory_space<vmem>>
          %dma_start3A_185 = arith.constant 0 : i32
          %dma_start3A_186 = arith.constant 0 : i32
          %dma_start3A_187 = tpu.memref_slice %arg4[%dma_start3A_185, %dma_start3A_186] : memref<10240x64xf32, #tpu.memory_space<hbm>> -> memref<10240x64xf32, #tpu.memory_space<hbm>>
          tpu.enqueue_indirect_dma source(%dma_start3A_187 : memref<10240x64xf32, #tpu.memory_space<hbm>>) target(%arg14 : memref<128x64xf32, #tpu.memory_space<vmem>>) offsets(%dma_start3A_184 : memref<128xi32, #tpu.memory_space<vmem>>) semaphore(%arg19 : memref<!tpu.dma_semaphore, #tpu.memory_space<semaphore_mem>>)
        } else {
        }
      }
      %scan3A_61 = arith.constant 30 : i32
    } else {
    }
    %eq3A_13 = arith.constant 1 : i32
    %eq3A_14 = arith.cmpi eq, %arg0, %eq3A_13 : i32
    %convert_element_type3A_15 = arith.extui %eq3A_14 : i1 to i32
    %cond3A_16 = arith.constant 0 : i32
    %cond3A_17 = arith.cmpi ne, %convert_element_type3A_15, %cond3A_16 : i32
    scf.if %cond3A_17 {
      %dma_start3A = arith.constant 0 : i32
      %dma_start3A_31 = arith.constant 0 : i32
      %dma_start3A_32 = tpu.memref_slice %arg9[%dma_start3A, %dma_start3A_31] : memref<120x128xi32, #tpu.memory_space<vmem>> -> memref<1x128xi32, #tpu.memory_space<vmem>>
      %dma_start3A_33 = tpu.memref_squeeze %dma_start3A_32 : memref<1x128xi32, #tpu.memory_space<vmem>> -> memref<128xi32, #tpu.memory_space<vmem>>
      %dma_start3A_34 = arith.constant 0 : i32
      %dma_start3A_35 = arith.constant 0 : i32
      %dma_start3A_36 = tpu.memref_slice %arg4[%dma_start3A_34, %dma_start3A_35] : memref<10240x64xf32, #tpu.memory_space<hbm>> -> memref<10240x64xf32, #tpu.memory_space<hbm>>
      tpu.enqueue_indirect_dma source(%dma_start3A_36 : memref<10240x64xf32, #tpu.memory_space<hbm>>) target(%arg11 : memref<128x64xf32, #tpu.memory_space<vmem>>) offsets(%dma_start3A_33 : memref<128xi32, #tpu.memory_space<vmem>>) semaphore(%arg16 : memref<!tpu.dma_semaphore, #tpu.memory_space<semaphore_mem>>)
      %dma_start3A_37 = arith.constant 1 : i32
      %dma_start3A_38 = arith.constant 0 : i32
      %dma_start3A_39 = tpu.memref_slice %arg9[%dma_start3A_37, %dma_start3A_38] : memref<120x128xi32, #tpu.memory_space<vmem>> -> memref<1x128xi32, #tpu.memory_space<vmem>>
      %dma_start3A_40 = tpu.memref_squeeze %dma_start3A_39 : memref<1x128xi32, #tpu.memory_space<vmem>> -> memref<128xi32, #tpu.memory_space<vmem>>
      %dma_start3A_41 = arith.constant 0 : i32
      %dma_start3A_42 = arith.constant 0 : i32
      %dma_start3A_43 = tpu.memref_slice %arg4[%dma_start3A_41, %dma_start3A_42] : memref<10240x64xf32, #tpu.memory_space<hbm>> -> memref<10240x64xf32, #tpu.memory_space<hbm>>
      tpu.enqueue_indirect_dma source(%dma_start3A_43 : memref<10240x64xf32, #tpu.memory_space<hbm>>) target(%arg12 : memref<128x64xf32, #tpu.memory_space<vmem>>) offsets(%dma_start3A_40 : memref<128xi32, #tpu.memory_space<vmem>>) semaphore(%arg17 : memref<!tpu.dma_semaphore, #tpu.memory_space<semaphore_mem>>)
      %dma_start3A_44 = arith.constant 2 : i32
      %dma_start3A_45 = arith.constant 0 : i32
      %dma_start3A_46 = tpu.memref_slice %arg9[%dma_start3A_44, %dma_start3A_45] : memref<120x128xi32, #tpu.memory_space<vmem>> -> memref<1x128xi32, #tpu.memory_space<vmem>>
      %dma_start3A_47 = tpu.memref_squeeze %dma_start3A_46 : memref<1x128xi32, #tpu.memory_space<vmem>> -> memref<128xi32, #tpu.memory_space<vmem>>
      %dma_start3A_48 = arith.constant 0 : i32
      %dma_start3A_49 = arith.constant 0 : i32
      %dma_start3A_50 = tpu.memref_slice %arg4[%dma_start3A_48, %dma_start3A_49] : memref<10240x64xf32, #tpu.memory_space<hbm>> -> memref<10240x64xf32, #tpu.memory_space<hbm>>
      tpu.enqueue_indirect_dma source(%dma_start3A_50 : memref<10240x64xf32, #tpu.memory_space<hbm>>) target(%arg13 : memref<128x64xf32, #tpu.memory_space<vmem>>) offsets(%dma_start3A_47 : memref<128xi32, #tpu.memory_space<vmem>>) semaphore(%arg18 : memref<!tpu.dma_semaphore, #tpu.memory_space<semaphore_mem>>)
      %dma_start3A_51 = arith.constant 3 : i32
      %dma_start3A_52 = arith.constant 0 : i32
      %dma_start3A_53 = tpu.memref_slice %arg9[%dma_start3A_51, %dma_start3A_52] : memref<120x128xi32, #tpu.memory_space<vmem>> -> memref<1x128xi32, #tpu.memory_space<vmem>>
      %dma_start3A_54 = tpu.memref_squeeze %dma_start3A_53 : memref<1x128xi32, #tpu.memory_space<vmem>> -> memref<128xi32, #tpu.memory_space<vmem>>
      %dma_start3A_55 = arith.constant 0 : i32
      %dma_start3A_56 = arith.constant 0 : i32
      %dma_start3A_57 = tpu.memref_slice %arg4[%dma_start3A_55, %dma_start3A_56] : memref<10240x64xf32, #tpu.memory_space<hbm>> -> memref<10240x64xf32, #tpu.memory_space<hbm>>
      tpu.enqueue_indirect_dma source(%dma_start3A_57 : memref<10240x64xf32, #tpu.memory_space<hbm>>) target(%arg14 : memref<128x64xf32, #tpu.memory_space<vmem>>) offsets(%dma_start3A_54 : memref<128xi32, #tpu.memory_space<vmem>>) semaphore(%arg19 : memref<!tpu.dma_semaphore, #tpu.memory_space<semaphore_mem>>)
      %scan3A = arith.constant 0 : i32
      %scan3A_58 = arith.constant 10 : i32
      %scan3A_59 = arith.addi %scan3A, %scan3A_58 : i32
      %scan3A_60 = arith.constant 1 : i32
      scf.for %scan3A_62 = %scan3A to %scan3A_59 step %scan3A_60  : i32 {
        %mul3A_63 = arith.constant 4 : i32
        %mul3A_64 = arith.muli %scan3A_62, %mul3A_63 : i32
        %dma_wait3A = arith.constant 0 : i32
        %dma_wait3A_65 = arith.constant 0 : i32
        %dma_wait3A_66 = tpu.memref_slice %arg4[%dma_wait3A, %dma_wait3A_65] : memref<10240x64xf32, #tpu.memory_space<hbm>> -> memref<128x64xf32, #tpu.memory_space<hbm>>
        %dma_wait3A_67 = arith.constant 0 : i32
        %dma_wait3A_68 = arith.constant 0 : i32
        %dma_wait3A_69 = tpu.memref_slice %arg4[%dma_wait3A_67, %dma_wait3A_68] : memref<10240x64xf32, #tpu.memory_space<hbm>> -> memref<128x64xf32, #tpu.memory_space<hbm>>
        tpu.wait_dma2 semaphore(%arg16 : memref<!tpu.dma_semaphore, #tpu.memory_space<semaphore_mem>>) src(%dma_wait3A_69 : memref<128x64xf32, #tpu.memory_space<hbm>>) dst(%arg11 : memref<128x64xf32, #tpu.memory_space<vmem>>)
        %add3A = arith.constant 0 : i32
        %add3A_70 = arith.addi %mul3A_64, %add3A : i32
        %dma_start3A_71 = arith.constant 0 : i32
        %dma_start3A_72 = tpu.memref_slice %arg10[%add3A_70, %dma_start3A_71] : memref<120x128xi32, #tpu.memory_space<vmem>> -> memref<1x128xi32, #tpu.memory_space<vmem>>
        %dma_start3A_73 = tpu.memref_squeeze %dma_start3A_72 : memref<1x128xi32, #tpu.memory_space<vmem>> -> memref<128xi32, #tpu.memory_space<vmem>>
        %dma_start3A_74 = arith.constant 0 : i32
        %dma_start3A_75 = arith.constant 0 : i32
        %dma_start3A_76 = tpu.memref_slice %arg15[%dma_start3A_74, %dma_start3A_75] : memref<10240x64xf32, #tpu.memory_space<vmem_shared>> -> memref<10240x64xf32, #tpu.memory_space<vmem_shared>>
        tpu.enqueue_indirect_dma source(%arg11 : memref<128x64xf32, #tpu.memory_space<vmem>>) target(%dma_start3A_76 : memref<10240x64xf32, #tpu.memory_space<vmem_shared>>) offsets(%dma_start3A_73 : memref<128xi32, #tpu.memory_space<vmem>>) semaphore(%arg20 : memref<!tpu.dma_semaphore, #tpu.memory_space<semaphore_mem>>) {add = true}
        %dma_wait3A_77 = arith.constant 0 : i32
        %dma_wait3A_78 = arith.constant 0 : i32
        %dma_wait3A_79 = tpu.memref_slice %arg4[%dma_wait3A_77, %dma_wait3A_78] : memref<10240x64xf32, #tpu.memory_space<hbm>> -> memref<128x64xf32, #tpu.memory_space<hbm>>
        %dma_wait3A_80 = arith.constant 0 : i32
        %dma_wait3A_81 = arith.constant 0 : i32
        %dma_wait3A_82 = tpu.memref_slice %arg4[%dma_wait3A_80, %dma_wait3A_81] : memref<10240x64xf32, #tpu.memory_space<hbm>> -> memref<128x64xf32, #tpu.memory_space<hbm>>
        tpu.wait_dma2 semaphore(%arg17 : memref<!tpu.dma_semaphore, #tpu.memory_space<semaphore_mem>>) src(%dma_wait3A_82 : memref<128x64xf32, #tpu.memory_space<hbm>>) dst(%arg12 : memref<128x64xf32, #tpu.memory_space<vmem>>)
        %add3A_83 = arith.constant 1 : i32
        %add3A_84 = arith.addi %mul3A_64, %add3A_83 : i32
        %dma_start3A_85 = arith.constant 0 : i32
        %dma_start3A_86 = tpu.memref_slice %arg10[%add3A_84, %dma_start3A_85] : memref<120x128xi32, #tpu.memory_space<vmem>> -> memref<1x128xi32, #tpu.memory_space<vmem>>
        %dma_start3A_87 = tpu.memref_squeeze %dma_start3A_86 : memref<1x128xi32, #tpu.memory_space<vmem>> -> memref<128xi32, #tpu.memory_space<vmem>>
        %dma_start3A_88 = arith.constant 0 : i32
        %dma_start3A_89 = arith.constant 0 : i32
        %dma_start3A_90 = tpu.memref_slice %arg15[%dma_start3A_88, %dma_start3A_89] : memref<10240x64xf32, #tpu.memory_space<vmem_shared>> -> memref<10240x64xf32, #tpu.memory_space<vmem_shared>>
        tpu.enqueue_indirect_dma source(%arg12 : memref<128x64xf32, #tpu.memory_space<vmem>>) target(%dma_start3A_90 : memref<10240x64xf32, #tpu.memory_space<vmem_shared>>) offsets(%dma_start3A_87 : memref<128xi32, #tpu.memory_space<vmem>>) semaphore(%arg21 : memref<!tpu.dma_semaphore, #tpu.memory_space<semaphore_mem>>) {add = true}
        %dma_wait3A_91 = arith.constant 0 : i32
        %dma_wait3A_92 = arith.constant 0 : i32
        %dma_wait3A_93 = tpu.memref_slice %arg4[%dma_wait3A_91, %dma_wait3A_92] : memref<10240x64xf32, #tpu.memory_space<hbm>> -> memref<128x64xf32, #tpu.memory_space<hbm>>
        %dma_wait3A_94 = arith.constant 0 : i32
        %dma_wait3A_95 = arith.constant 0 : i32
        %dma_wait3A_96 = tpu.memref_slice %arg4[%dma_wait3A_94, %dma_wait3A_95] : memref<10240x64xf32, #tpu.memory_space<hbm>> -> memref<128x64xf32, #tpu.memory_space<hbm>>
        tpu.wait_dma2 semaphore(%arg18 : memref<!tpu.dma_semaphore, #tpu.memory_space<semaphore_mem>>) src(%dma_wait3A_96 : memref<128x64xf32, #tpu.memory_space<hbm>>) dst(%arg13 : memref<128x64xf32, #tpu.memory_space<vmem>>)
        %add3A_97 = arith.constant 2 : i32
        %add3A_98 = arith.addi %mul3A_64, %add3A_97 : i32
        %dma_start3A_99 = arith.constant 0 : i32
        %dma_start3A_100 = tpu.memref_slice %arg10[%add3A_98, %dma_start3A_99] : memref<120x128xi32, #tpu.memory_space<vmem>> -> memref<1x128xi32, #tpu.memory_space<vmem>>
        %dma_start3A_101 = tpu.memref_squeeze %dma_start3A_100 : memref<1x128xi32, #tpu.memory_space<vmem>> -> memref<128xi32, #tpu.memory_space<vmem>>
        %dma_start3A_102 = arith.constant 0 : i32
        %dma_start3A_103 = arith.constant 0 : i32
        %dma_start3A_104 = tpu.memref_slice %arg15[%dma_start3A_102, %dma_start3A_103] : memref<10240x64xf32, #tpu.memory_space<vmem_shared>> -> memref<10240x64xf32, #tpu.memory_space<vmem_shared>>
        tpu.enqueue_indirect_dma source(%arg13 : memref<128x64xf32, #tpu.memory_space<vmem>>) target(%dma_start3A_104 : memref<10240x64xf32, #tpu.memory_space<vmem_shared>>) offsets(%dma_start3A_101 : memref<128xi32, #tpu.memory_space<vmem>>) semaphore(%arg22 : memref<!tpu.dma_semaphore, #tpu.memory_space<semaphore_mem>>) {add = true}
        %dma_wait3A_105 = arith.constant 0 : i32
        %dma_wait3A_106 = arith.constant 0 : i32
        %dma_wait3A_107 = tpu.memref_slice %arg4[%dma_wait3A_105, %dma_wait3A_106] : memref<10240x64xf32, #tpu.memory_space<hbm>> -> memref<128x64xf32, #tpu.memory_space<hbm>>
        %dma_wait3A_108 = arith.constant 0 : i32
        %dma_wait3A_109 = arith.constant 0 : i32
        %dma_wait3A_110 = tpu.memref_slice %arg4[%dma_wait3A_108, %dma_wait3A_109] : memref<10240x64xf32, #tpu.memory_space<hbm>> -> memref<128x64xf32, #tpu.memory_space<hbm>>
        tpu.wait_dma2 semaphore(%arg19 : memref<!tpu.dma_semaphore, #tpu.memory_space<semaphore_mem>>) src(%dma_wait3A_110 : memref<128x64xf32, #tpu.memory_space<hbm>>) dst(%arg14 : memref<128x64xf32, #tpu.memory_space<vmem>>)
        %add3A_111 = arith.constant 3 : i32
        %add3A_112 = arith.addi %mul3A_64, %add3A_111 : i32
        %dma_start3A_113 = arith.constant 0 : i32
        %dma_start3A_114 = tpu.memref_slice %arg10[%add3A_112, %dma_start3A_113] : memref<120x128xi32, #tpu.memory_space<vmem>> -> memref<1x128xi32, #tpu.memory_space<vmem>>
        %dma_start3A_115 = tpu.memref_squeeze %dma_start3A_114 : memref<1x128xi32, #tpu.memory_space<vmem>> -> memref<128xi32, #tpu.memory_space<vmem>>
        %dma_start3A_116 = arith.constant 0 : i32
        %dma_start3A_117 = arith.constant 0 : i32
        %dma_start3A_118 = tpu.memref_slice %arg15[%dma_start3A_116, %dma_start3A_117] : memref<10240x64xf32, #tpu.memory_space<vmem_shared>> -> memref<10240x64xf32, #tpu.memory_space<vmem_shared>>
        tpu.enqueue_indirect_dma source(%arg14 : memref<128x64xf32, #tpu.memory_space<vmem>>) target(%dma_start3A_118 : memref<10240x64xf32, #tpu.memory_space<vmem_shared>>) offsets(%dma_start3A_115 : memref<128xi32, #tpu.memory_space<vmem>>) semaphore(%arg23 : memref<!tpu.dma_semaphore, #tpu.memory_space<semaphore_mem>>) {add = true}
        %dma_wait3A_119 = arith.constant 0 : i32
        %dma_wait3A_120 = arith.constant 0 : i32
        %dma_wait3A_121 = tpu.memref_slice %arg15[%dma_wait3A_119, %dma_wait3A_120] : memref<10240x64xf32, #tpu.memory_space<vmem_shared>> -> memref<128x64xf32, #tpu.memory_space<vmem_shared>>
        %dma_wait3A_122 = arith.constant 0 : i32
        %dma_wait3A_123 = arith.constant 0 : i32
        %dma_wait3A_124 = tpu.memref_slice %arg15[%dma_wait3A_122, %dma_wait3A_123] : memref<10240x64xf32, #tpu.memory_space<vmem_shared>> -> memref<128x64xf32, #tpu.memory_space<vmem_shared>>
        tpu.wait_dma2 semaphore(%arg20 : memref<!tpu.dma_semaphore, #tpu.memory_space<semaphore_mem>>) src(%arg11 : memref<128x64xf32, #tpu.memory_space<vmem>>) dst(%dma_wait3A_124 : memref<128x64xf32, #tpu.memory_space<vmem_shared>>)
        %add3A_125 = arith.constant 0 : i32
        %add3A_126 = arith.addi %mul3A_64, %add3A_125 : i32
        %add3A_127 = arith.constant 4 : i32
        %add3A_128 = arith.addi %add3A_126, %add3A_127 : i32
        %lt3A = arith.constant 40 : i32
        %lt3A_129 = arith.cmpi slt, %add3A_128, %lt3A : i32
        %convert_element_type3A_130 = arith.extui %lt3A_129 : i1 to i32
        %cond3A_131 = arith.constant 0 : i32
        %cond3A_132 = arith.cmpi ne, %convert_element_type3A_130, %cond3A_131 : i32
        scf.if %cond3A_132 {
          %add3A_178 = arith.constant 0 : i32
          %add3A_179 = arith.addi %mul3A_64, %add3A_178 : i32
          %add3A_180 = arith.constant 4 : i32
          %add3A_181 = arith.addi %add3A_179, %add3A_180 : i32
          %dma_start3A_182 = arith.constant 0 : i32
          %dma_start3A_183 = tpu.memref_slice %arg9[%add3A_181, %dma_start3A_182] : memref<120x128xi32, #tpu.memory_space<vmem>> -> memref<1x128xi32, #tpu.memory_space<vmem>>
          %dma_start3A_184 = tpu.memref_squeeze %dma_start3A_183 : memref<1x128xi32, #tpu.memory_space<vmem>> -> memref<128xi32, #tpu.memory_space<vmem>>
          %dma_start3A_185 = arith.constant 0 : i32
          %dma_start3A_186 = arith.constant 0 : i32
          %dma_start3A_187 = tpu.memref_slice %arg4[%dma_start3A_185, %dma_start3A_186] : memref<10240x64xf32, #tpu.memory_space<hbm>> -> memref<10240x64xf32, #tpu.memory_space<hbm>>
          tpu.enqueue_indirect_dma source(%dma_start3A_187 : memref<10240x64xf32, #tpu.memory_space<hbm>>) target(%arg11 : memref<128x64xf32, #tpu.memory_space<vmem>>) offsets(%dma_start3A_184 : memref<128xi32, #tpu.memory_space<vmem>>) semaphore(%arg16 : memref<!tpu.dma_semaphore, #tpu.memory_space<semaphore_mem>>)
        } else {
        }
        %dma_wait3A_133 = arith.constant 0 : i32
        %dma_wait3A_134 = arith.constant 0 : i32
        %dma_wait3A_135 = tpu.memref_slice %arg15[%dma_wait3A_133, %dma_wait3A_134] : memref<10240x64xf32, #tpu.memory_space<vmem_shared>> -> memref<128x64xf32, #tpu.memory_space<vmem_shared>>
        %dma_wait3A_136 = arith.constant 0 : i32
        %dma_wait3A_137 = arith.constant 0 : i32
        %dma_wait3A_138 = tpu.memref_slice %arg15[%dma_wait3A_136, %dma_wait3A_137] : memref<10240x64xf32, #tpu.memory_space<vmem_shared>> -> memref<128x64xf32, #tpu.memory_space<vmem_shared>>
        tpu.wait_dma2 semaphore(%arg21 : memref<!tpu.dma_semaphore, #tpu.memory_space<semaphore_mem>>) src(%arg12 : memref<128x64xf32, #tpu.memory_space<vmem>>) dst(%dma_wait3A_138 : memref<128x64xf32, #tpu.memory_space<vmem_shared>>)
        %add3A_139 = arith.constant 1 : i32
        %add3A_140 = arith.addi %mul3A_64, %add3A_139 : i32
        %add3A_141 = arith.constant 4 : i32
        %add3A_142 = arith.addi %add3A_140, %add3A_141 : i32
        %lt3A_143 = arith.constant 40 : i32
        %lt3A_144 = arith.cmpi slt, %add3A_142, %lt3A_143 : i32
        %convert_element_type3A_145 = arith.extui %lt3A_144 : i1 to i32
        %cond3A_146 = arith.constant 0 : i32
        %cond3A_147 = arith.cmpi ne, %convert_element_type3A_145, %cond3A_146 : i32
        scf.if %cond3A_147 {
          %add3A_178 = arith.constant 1 : i32
          %add3A_179 = arith.addi %mul3A_64, %add3A_178 : i32
          %add3A_180 = arith.constant 4 : i32
          %add3A_181 = arith.addi %add3A_179, %add3A_180 : i32
          %dma_start3A_182 = arith.constant 0 : i32
          %dma_start3A_183 = tpu.memref_slice %arg9[%add3A_181, %dma_start3A_182] : memref<120x128xi32, #tpu.memory_space<vmem>> -> memref<1x128xi32, #tpu.memory_space<vmem>>
          %dma_start3A_184 = tpu.memref_squeeze %dma_start3A_183 : memref<1x128xi32, #tpu.memory_space<vmem>> -> memref<128xi32, #tpu.memory_space<vmem>>
          %dma_start3A_185 = arith.constant 0 : i32
          %dma_start3A_186 = arith.constant 0 : i32
          %dma_start3A_187 = tpu.memref_slice %arg4[%dma_start3A_185, %dma_start3A_186] : memref<10240x64xf32, #tpu.memory_space<hbm>> -> memref<10240x64xf32, #tpu.memory_space<hbm>>
          tpu.enqueue_indirect_dma source(%dma_start3A_187 : memref<10240x64xf32, #tpu.memory_space<hbm>>) target(%arg12 : memref<128x64xf32, #tpu.memory_space<vmem>>) offsets(%dma_start3A_184 : memref<128xi32, #tpu.memory_space<vmem>>) semaphore(%arg17 : memref<!tpu.dma_semaphore, #tpu.memory_space<semaphore_mem>>)
        } else {
        }
        %dma_wait3A_148 = arith.constant 0 : i32
        %dma_wait3A_149 = arith.constant 0 : i32
        %dma_wait3A_150 = tpu.memref_slice %arg15[%dma_wait3A_148, %dma_wait3A_149] : memref<10240x64xf32, #tpu.memory_space<vmem_shared>> -> memref<128x64xf32, #tpu.memory_space<vmem_shared>>
        %dma_wait3A_151 = arith.constant 0 : i32
        %dma_wait3A_152 = arith.constant 0 : i32
        %dma_wait3A_153 = tpu.memref_slice %arg15[%dma_wait3A_151, %dma_wait3A_152] : memref<10240x64xf32, #tpu.memory_space<vmem_shared>> -> memref<128x64xf32, #tpu.memory_space<vmem_shared>>
        tpu.wait_dma2 semaphore(%arg22 : memref<!tpu.dma_semaphore, #tpu.memory_space<semaphore_mem>>) src(%arg13 : memref<128x64xf32, #tpu.memory_space<vmem>>) dst(%dma_wait3A_153 : memref<128x64xf32, #tpu.memory_space<vmem_shared>>)
        %add3A_154 = arith.constant 2 : i32
        %add3A_155 = arith.addi %mul3A_64, %add3A_154 : i32
        %add3A_156 = arith.constant 4 : i32
        %add3A_157 = arith.addi %add3A_155, %add3A_156 : i32
        %lt3A_158 = arith.constant 40 : i32
        %lt3A_159 = arith.cmpi slt, %add3A_157, %lt3A_158 : i32
        %convert_element_type3A_160 = arith.extui %lt3A_159 : i1 to i32
        %cond3A_161 = arith.constant 0 : i32
        %cond3A_162 = arith.cmpi ne, %convert_element_type3A_160, %cond3A_161 : i32
        scf.if %cond3A_162 {
          %add3A_178 = arith.constant 2 : i32
          %add3A_179 = arith.addi %mul3A_64, %add3A_178 : i32
          %add3A_180 = arith.constant 4 : i32
          %add3A_181 = arith.addi %add3A_179, %add3A_180 : i32
          %dma_start3A_182 = arith.constant 0 : i32
          %dma_start3A_183 = tpu.memref_slice %arg9[%add3A_181, %dma_start3A_182] : memref<120x128xi32, #tpu.memory_space<vmem>> -> memref<1x128xi32, #tpu.memory_space<vmem>>
          %dma_start3A_184 = tpu.memref_squeeze %dma_start3A_183 : memref<1x128xi32, #tpu.memory_space<vmem>> -> memref<128xi32, #tpu.memory_space<vmem>>
          %dma_start3A_185 = arith.constant 0 : i32
          %dma_start3A_186 = arith.constant 0 : i32
          %dma_start3A_187 = tpu.memref_slice %arg4[%dma_start3A_185, %dma_start3A_186] : memref<10240x64xf32, #tpu.memory_space<hbm>> -> memref<10240x64xf32, #tpu.memory_space<hbm>>
          tpu.enqueue_indirect_dma source(%dma_start3A_187 : memref<10240x64xf32, #tpu.memory_space<hbm>>) target(%arg13 : memref<128x64xf32, #tpu.memory_space<vmem>>) offsets(%dma_start3A_184 : memref<128xi32, #tpu.memory_space<vmem>>) semaphore(%arg18 : memref<!tpu.dma_semaphore, #tpu.memory_space<semaphore_mem>>)
        } else {
        }
        %dma_wait3A_163 = arith.constant 0 : i32
        %dma_wait3A_164 = arith.constant 0 : i32
        %dma_wait3A_165 = tpu.memref_slice %arg15[%dma_wait3A_163, %dma_wait3A_164] : memref<10240x64xf32, #tpu.memory_space<vmem_shared>> -> memref<128x64xf32, #tpu.memory_space<vmem_shared>>
        %dma_wait3A_166 = arith.constant 0 : i32
        %dma_wait3A_167 = arith.constant 0 : i32
        %dma_wait3A_168 = tpu.memref_slice %arg15[%dma_wait3A_166, %dma_wait3A_167] : memref<10240x64xf32, #tpu.memory_space<vmem_shared>> -> memref<128x64xf32, #tpu.memory_space<vmem_shared>>
        tpu.wait_dma2 semaphore(%arg23 : memref<!tpu.dma_semaphore, #tpu.memory_space<semaphore_mem>>) src(%arg14 : memref<128x64xf32, #tpu.memory_space<vmem>>) dst(%dma_wait3A_168 : memref<128x64xf32, #tpu.memory_space<vmem_shared>>)
        %add3A_169 = arith.constant 3 : i32
        %add3A_170 = arith.addi %mul3A_64, %add3A_169 : i32
        %add3A_171 = arith.constant 4 : i32
        %add3A_172 = arith.addi %add3A_170, %add3A_171 : i32
        %lt3A_173 = arith.constant 40 : i32
        %lt3A_174 = arith.cmpi slt, %add3A_172, %lt3A_173 : i32
        %convert_element_type3A_175 = arith.extui %lt3A_174 : i1 to i32
        %cond3A_176 = arith.constant 0 : i32
        %cond3A_177 = arith.cmpi ne, %convert_element_type3A_175, %cond3A_176 : i32
        scf.if %cond3A_177 {
          %add3A_178 = arith.constant 3 : i32
          %add3A_179 = arith.addi %mul3A_64, %add3A_178 : i32
          %add3A_180 = arith.constant 4 : i32
          %add3A_181 = arith.addi %add3A_179, %add3A_180 : i32
          %dma_start3A_182 = arith.constant 0 : i32
          %dma_start3A_183 = tpu.memref_slice %arg9[%add3A_181, %dma_start3A_182] : memref<120x128xi32, #tpu.memory_space<vmem>> -> memref<1x128xi32, #tpu.memory_space<vmem>>
          %dma_start3A_184 = tpu.memref_squeeze %dma_start3A_183 : memref<1x128xi32, #tpu.memory_space<vmem>> -> memref<128xi32, #tpu.memory_space<vmem>>
          %dma_start3A_185 = arith.constant 0 : i32
          %dma_start3A_186 = arith.constant 0 : i32
          %dma_start3A_187 = tpu.memref_slice %arg4[%dma_start3A_185, %dma_start3A_186] : memref<10240x64xf32, #tpu.memory_space<hbm>> -> memref<10240x64xf32, #tpu.memory_space<hbm>>
          tpu.enqueue_indirect_dma source(%dma_start3A_187 : memref<10240x64xf32, #tpu.memory_space<hbm>>) target(%arg14 : memref<128x64xf32, #tpu.memory_space<vmem>>) offsets(%dma_start3A_184 : memref<128xi32, #tpu.memory_space<vmem>>) semaphore(%arg19 : memref<!tpu.dma_semaphore, #tpu.memory_space<semaphore_mem>>)
        } else {
        }
      }
      %scan3A_61 = arith.constant 10 : i32
    } else {
    }
    %barrier3A_18 = arith.constant 0 : index
    tpu.barrier barrier_id(%barrier3A_18)
    "tpu.region"() ({
      %run_scoped3A = tpu.sem_alloc : memref<!tpu.dma_semaphore, #tpu.memory_space<semaphore_mem>>
      %dma_start3A = arith.constant 0 : i32
      %dma_start3A_31 = tpu.memref_slice %arg7[%arg0, %mul3A_0, %dma_start3A] : memref<2x10240x64xf32, #tpu.memory_space<hbm>> -> memref<1x640x64xf32, #tpu.memory_space<hbm>>
      %dma_start3A_32 = tpu.memref_squeeze %dma_start3A_31 : memref<1x640x64xf32, #tpu.memory_space<hbm>> -> memref<640x64xf32, #tpu.memory_space<hbm>>
      %dma_start3A_33 = arith.constant 0 : i32
      %dma_start3A_34 = tpu.memref_slice %arg15[%mul3A_0, %dma_start3A_33] : memref<10240x64xf32, #tpu.memory_space<vmem_shared>> -> memref<640x64xf32, #tpu.memory_space<vmem_shared>>
      tpu.enqueue_dma source(%dma_start3A_34 : memref<640x64xf32, #tpu.memory_space<vmem_shared>>) target(%dma_start3A_32 : memref<640x64xf32, #tpu.memory_space<hbm>>) target_semaphore(%run_scoped3A : memref<!tpu.dma_semaphore, #tpu.memory_space<semaphore_mem>>)
      %dma_wait3A = arith.constant 0 : i32
      %dma_wait3A_35 = tpu.memref_slice %arg7[%arg0, %mul3A_0, %dma_wait3A] : memref<2x10240x64xf32, #tpu.memory_space<hbm>> -> memref<1x640x64xf32, #tpu.memory_space<hbm>>
      %dma_wait3A_36 = tpu.memref_squeeze %dma_wait3A_35 : memref<1x640x64xf32, #tpu.memory_space<hbm>> -> memref<640x64xf32, #tpu.memory_space<hbm>>
      %dma_wait3A_37 = arith.constant 0 : i32
      %dma_wait3A_38 = tpu.memref_slice %arg15[%mul3A_0, %dma_wait3A_37] : memref<10240x64xf32, #tpu.memory_space<vmem_shared>> -> memref<640x64xf32, #tpu.memory_space<vmem_shared>>
      tpu.wait_dma2 semaphore(%run_scoped3A : memref<!tpu.dma_semaphore, #tpu.memory_space<semaphore_mem>>) src(%dma_wait3A_38 : memref<640x64xf32, #tpu.memory_space<vmem_shared>>) dst(%dma_wait3A_36 : memref<640x64xf32, #tpu.memory_space<hbm>>)
      tpu.yield
    }) : () -> ()
    "tpu.region"() ({
      %run_scoped3A = tpu.sem_alloc : memref<!tpu.dma_semaphore, #tpu.memory_space<semaphore_mem>>
      %dma_start3A = arith.constant 0 : i32
      %dma_start3A_31 = tpu.memref_slice %arg15[%mul3A_0, %dma_start3A] : memref<10240x64xf32, #tpu.memory_space<vmem_shared>> -> memref<640x64xf32, #tpu.memory_space<vmem_shared>>
      %dma_start3A_32 = arith.constant 0 : i32
      %dma_start3A_33 = tpu.memref_slice %arg6[%mul3A_0, %dma_start3A_32] : memref<10240x64xf32, #tpu.memory_space<hbm>> -> memref<640x64xf32, #tpu.memory_space<hbm>>
      tpu.enqueue_dma source(%dma_start3A_33 : memref<640x64xf32, #tpu.memory_space<hbm>>) target(%dma_start3A_31 : memref<640x64xf32, #tpu.memory_space<vmem_shared>>) target_semaphore(%run_scoped3A : memref<!tpu.dma_semaphore, #tpu.memory_space<semaphore_mem>>)
      %dma_wait3A = arith.constant 0 : i32
      %dma_wait3A_34 = tpu.memref_slice %arg15[%mul3A_0, %dma_wait3A] : memref<10240x64xf32, #tpu.memory_space<vmem_shared>> -> memref<640x64xf32, #tpu.memory_space<vmem_shared>>
      %dma_wait3A_35 = arith.constant 0 : i32
      %dma_wait3A_36 = tpu.memref_slice %arg6[%mul3A_0, %dma_wait3A_35] : memref<10240x64xf32, #tpu.memory_space<hbm>> -> memref<640x64xf32, #tpu.memory_space<hbm>>
      tpu.wait_dma2 semaphore(%run_scoped3A : memref<!tpu.dma_semaphore, #tpu.memory_space<semaphore_mem>>) src(%dma_wait3A_36 : memref<640x64xf32, #tpu.memory_space<hbm>>) dst(%dma_wait3A_34 : memref<640x64xf32, #tpu.memory_space<vmem_shared>>)
      tpu.yield
    }) : () -> ()
    %barrier3A_19 = arith.constant 0 : index
    tpu.barrier barrier_id(%barrier3A_19)
    %eq3A_20 = arith.constant 0 : i32
    %eq3A_21 = arith.cmpi eq, %arg0, %eq3A_20 : i32
    %convert_element_type3A_22 = arith.extui %eq3A_21 : i1 to i32
    %cond3A_23 = arith.constant 0 : i32
    %cond3A_24 = arith.cmpi ne, %convert_element_type3A_22, %cond3A_23 : i32
    scf.if %cond3A_24 {
      %dma_start3A = arith.constant 0 : i32
      %dma_start3A_31 = arith.constant 0 : i32
      %dma_start3A_32 = tpu.memref_slice %arg9[%dma_start3A, %dma_start3A_31] : memref<120x128xi32, #tpu.memory_space<vmem>> -> memref<1x128xi32, #tpu.memory_space<vmem>>
      %dma_start3A_33 = tpu.memref_squeeze %dma_start3A_32 : memref<1x128xi32, #tpu.memory_space<vmem>> -> memref<128xi32, #tpu.memory_space<vmem>>
      %dma_start3A_34 = arith.constant 0 : i32
      %dma_start3A_35 = arith.constant 0 : i32
      %dma_start3A_36 = tpu.memref_slice %arg5[%dma_start3A_34, %dma_start3A_35] : memref<10240x64xf32, #tpu.memory_space<hbm>> -> memref<10240x64xf32, #tpu.memory_space<hbm>>
      tpu.enqueue_indirect_dma source(%dma_start3A_36 : memref<10240x64xf32, #tpu.memory_space<hbm>>) target(%arg11 : memref<128x64xf32, #tpu.memory_space<vmem>>) offsets(%dma_start3A_33 : memref<128xi32, #tpu.memory_space<vmem>>) semaphore(%arg16 : memref<!tpu.dma_semaphore, #tpu.memory_space<semaphore_mem>>)
      %dma_start3A_37 = arith.constant 1 : i32
      %dma_start3A_38 = arith.constant 0 : i32
      %dma_start3A_39 = tpu.memref_slice %arg9[%dma_start3A_37, %dma_start3A_38] : memref<120x128xi32, #tpu.memory_space<vmem>> -> memref<1x128xi32, #tpu.memory_space<vmem>>
      %dma_start3A_40 = tpu.memref_squeeze %dma_start3A_39 : memref<1x128xi32, #tpu.memory_space<vmem>> -> memref<128xi32, #tpu.memory_space<vmem>>
      %dma_start3A_41 = arith.constant 0 : i32
      %dma_start3A_42 = arith.constant 0 : i32
      %dma_start3A_43 = tpu.memref_slice %arg5[%dma_start3A_41, %dma_start3A_42] : memref<10240x64xf32, #tpu.memory_space<hbm>> -> memref<10240x64xf32, #tpu.memory_space<hbm>>
      tpu.enqueue_indirect_dma source(%dma_start3A_43 : memref<10240x64xf32, #tpu.memory_space<hbm>>) target(%arg12 : memref<128x64xf32, #tpu.memory_space<vmem>>) offsets(%dma_start3A_40 : memref<128xi32, #tpu.memory_space<vmem>>) semaphore(%arg17 : memref<!tpu.dma_semaphore, #tpu.memory_space<semaphore_mem>>)
      %dma_start3A_44 = arith.constant 2 : i32
      %dma_start3A_45 = arith.constant 0 : i32
      %dma_start3A_46 = tpu.memref_slice %arg9[%dma_start3A_44, %dma_start3A_45] : memref<120x128xi32, #tpu.memory_space<vmem>> -> memref<1x128xi32, #tpu.memory_space<vmem>>
      %dma_start3A_47 = tpu.memref_squeeze %dma_start3A_46 : memref<1x128xi32, #tpu.memory_space<vmem>> -> memref<128xi32, #tpu.memory_space<vmem>>
      %dma_start3A_48 = arith.constant 0 : i32
      %dma_start3A_49 = arith.constant 0 : i32
      %dma_start3A_50 = tpu.memref_slice %arg5[%dma_start3A_48, %dma_start3A_49] : memref<10240x64xf32, #tpu.memory_space<hbm>> -> memref<10240x64xf32, #tpu.memory_space<hbm>>
      tpu.enqueue_indirect_dma source(%dma_start3A_50 : memref<10240x64xf32, #tpu.memory_space<hbm>>) target(%arg13 : memref<128x64xf32, #tpu.memory_space<vmem>>) offsets(%dma_start3A_47 : memref<128xi32, #tpu.memory_space<vmem>>) semaphore(%arg18 : memref<!tpu.dma_semaphore, #tpu.memory_space<semaphore_mem>>)
      %dma_start3A_51 = arith.constant 3 : i32
      %dma_start3A_52 = arith.constant 0 : i32
      %dma_start3A_53 = tpu.memref_slice %arg9[%dma_start3A_51, %dma_start3A_52] : memref<120x128xi32, #tpu.memory_space<vmem>> -> memref<1x128xi32, #tpu.memory_space<vmem>>
      %dma_start3A_54 = tpu.memref_squeeze %dma_start3A_53 : memref<1x128xi32, #tpu.memory_space<vmem>> -> memref<128xi32, #tpu.memory_space<vmem>>
      %dma_start3A_55 = arith.constant 0 : i32
      %dma_start3A_56 = arith.constant 0 : i32
      %dma_start3A_57 = tpu.memref_slice %arg5[%dma_start3A_55, %dma_start3A_56] : memref<10240x64xf32, #tpu.memory_space<hbm>> -> memref<10240x64xf32, #tpu.memory_space<hbm>>
      tpu.enqueue_indirect_dma source(%dma_start3A_57 : memref<10240x64xf32, #tpu.memory_space<hbm>>) target(%arg14 : memref<128x64xf32, #tpu.memory_space<vmem>>) offsets(%dma_start3A_54 : memref<128xi32, #tpu.memory_space<vmem>>) semaphore(%arg19 : memref<!tpu.dma_semaphore, #tpu.memory_space<semaphore_mem>>)
      %scan3A = arith.constant 0 : i32
      %scan3A_58 = arith.constant 30 : i32
      %scan3A_59 = arith.addi %scan3A, %scan3A_58 : i32
      %scan3A_60 = arith.constant 1 : i32
      scf.for %scan3A_62 = %scan3A to %scan3A_59 step %scan3A_60  : i32 {
        %mul3A_63 = arith.constant 4 : i32
        %mul3A_64 = arith.muli %scan3A_62, %mul3A_63 : i32
        %dma_wait3A = arith.constant 0 : i32
        %dma_wait3A_65 = arith.constant 0 : i32
        %dma_wait3A_66 = tpu.memref_slice %arg5[%dma_wait3A, %dma_wait3A_65] : memref<10240x64xf32, #tpu.memory_space<hbm>> -> memref<128x64xf32, #tpu.memory_space<hbm>>
        %dma_wait3A_67 = arith.constant 0 : i32
        %dma_wait3A_68 = arith.constant 0 : i32
        %dma_wait3A_69 = tpu.memref_slice %arg5[%dma_wait3A_67, %dma_wait3A_68] : memref<10240x64xf32, #tpu.memory_space<hbm>> -> memref<128x64xf32, #tpu.memory_space<hbm>>
        tpu.wait_dma2 semaphore(%arg16 : memref<!tpu.dma_semaphore, #tpu.memory_space<semaphore_mem>>) src(%dma_wait3A_69 : memref<128x64xf32, #tpu.memory_space<hbm>>) dst(%arg11 : memref<128x64xf32, #tpu.memory_space<vmem>>)
        %add3A = arith.constant 0 : i32
        %add3A_70 = arith.addi %mul3A_64, %add3A : i32
        %dma_start3A_71 = arith.constant 0 : i32
        %dma_start3A_72 = tpu.memref_slice %arg10[%add3A_70, %dma_start3A_71] : memref<120x128xi32, #tpu.memory_space<vmem>> -> memref<1x128xi32, #tpu.memory_space<vmem>>
        %dma_start3A_73 = tpu.memref_squeeze %dma_start3A_72 : memref<1x128xi32, #tpu.memory_space<vmem>> -> memref<128xi32, #tpu.memory_space<vmem>>
        %dma_start3A_74 = arith.constant 0 : i32
        %dma_start3A_75 = arith.constant 0 : i32
        %dma_start3A_76 = tpu.memref_slice %arg15[%dma_start3A_74, %dma_start3A_75] : memref<10240x64xf32, #tpu.memory_space<vmem_shared>> -> memref<10240x64xf32, #tpu.memory_space<vmem_shared>>
        tpu.enqueue_indirect_dma source(%arg11 : memref<128x64xf32, #tpu.memory_space<vmem>>) target(%dma_start3A_76 : memref<10240x64xf32, #tpu.memory_space<vmem_shared>>) offsets(%dma_start3A_73 : memref<128xi32, #tpu.memory_space<vmem>>) semaphore(%arg20 : memref<!tpu.dma_semaphore, #tpu.memory_space<semaphore_mem>>) {add = true}
        %dma_wait3A_77 = arith.constant 0 : i32
        %dma_wait3A_78 = arith.constant 0 : i32
        %dma_wait3A_79 = tpu.memref_slice %arg5[%dma_wait3A_77, %dma_wait3A_78] : memref<10240x64xf32, #tpu.memory_space<hbm>> -> memref<128x64xf32, #tpu.memory_space<hbm>>
        %dma_wait3A_80 = arith.constant 0 : i32
        %dma_wait3A_81 = arith.constant 0 : i32
        %dma_wait3A_82 = tpu.memref_slice %arg5[%dma_wait3A_80, %dma_wait3A_81] : memref<10240x64xf32, #tpu.memory_space<hbm>> -> memref<128x64xf32, #tpu.memory_space<hbm>>
        tpu.wait_dma2 semaphore(%arg17 : memref<!tpu.dma_semaphore, #tpu.memory_space<semaphore_mem>>) src(%dma_wait3A_82 : memref<128x64xf32, #tpu.memory_space<hbm>>) dst(%arg12 : memref<128x64xf32, #tpu.memory_space<vmem>>)
        %add3A_83 = arith.constant 1 : i32
        %add3A_84 = arith.addi %mul3A_64, %add3A_83 : i32
        %dma_start3A_85 = arith.constant 0 : i32
        %dma_start3A_86 = tpu.memref_slice %arg10[%add3A_84, %dma_start3A_85] : memref<120x128xi32, #tpu.memory_space<vmem>> -> memref<1x128xi32, #tpu.memory_space<vmem>>
        %dma_start3A_87 = tpu.memref_squeeze %dma_start3A_86 : memref<1x128xi32, #tpu.memory_space<vmem>> -> memref<128xi32, #tpu.memory_space<vmem>>
        %dma_start3A_88 = arith.constant 0 : i32
        %dma_start3A_89 = arith.constant 0 : i32
        %dma_start3A_90 = tpu.memref_slice %arg15[%dma_start3A_88, %dma_start3A_89] : memref<10240x64xf32, #tpu.memory_space<vmem_shared>> -> memref<10240x64xf32, #tpu.memory_space<vmem_shared>>
        tpu.enqueue_indirect_dma source(%arg12 : memref<128x64xf32, #tpu.memory_space<vmem>>) target(%dma_start3A_90 : memref<10240x64xf32, #tpu.memory_space<vmem_shared>>) offsets(%dma_start3A_87 : memref<128xi32, #tpu.memory_space<vmem>>) semaphore(%arg21 : memref<!tpu.dma_semaphore, #tpu.memory_space<semaphore_mem>>) {add = true}
        %dma_wait3A_91 = arith.constant 0 : i32
        %dma_wait3A_92 = arith.constant 0 : i32
        %dma_wait3A_93 = tpu.memref_slice %arg5[%dma_wait3A_91, %dma_wait3A_92] : memref<10240x64xf32, #tpu.memory_space<hbm>> -> memref<128x64xf32, #tpu.memory_space<hbm>>
        %dma_wait3A_94 = arith.constant 0 : i32
        %dma_wait3A_95 = arith.constant 0 : i32
        %dma_wait3A_96 = tpu.memref_slice %arg5[%dma_wait3A_94, %dma_wait3A_95] : memref<10240x64xf32, #tpu.memory_space<hbm>> -> memref<128x64xf32, #tpu.memory_space<hbm>>
        tpu.wait_dma2 semaphore(%arg18 : memref<!tpu.dma_semaphore, #tpu.memory_space<semaphore_mem>>) src(%dma_wait3A_96 : memref<128x64xf32, #tpu.memory_space<hbm>>) dst(%arg13 : memref<128x64xf32, #tpu.memory_space<vmem>>)
        %add3A_97 = arith.constant 2 : i32
        %add3A_98 = arith.addi %mul3A_64, %add3A_97 : i32
        %dma_start3A_99 = arith.constant 0 : i32
        %dma_start3A_100 = tpu.memref_slice %arg10[%add3A_98, %dma_start3A_99] : memref<120x128xi32, #tpu.memory_space<vmem>> -> memref<1x128xi32, #tpu.memory_space<vmem>>
        %dma_start3A_101 = tpu.memref_squeeze %dma_start3A_100 : memref<1x128xi32, #tpu.memory_space<vmem>> -> memref<128xi32, #tpu.memory_space<vmem>>
        %dma_start3A_102 = arith.constant 0 : i32
        %dma_start3A_103 = arith.constant 0 : i32
        %dma_start3A_104 = tpu.memref_slice %arg15[%dma_start3A_102, %dma_start3A_103] : memref<10240x64xf32, #tpu.memory_space<vmem_shared>> -> memref<10240x64xf32, #tpu.memory_space<vmem_shared>>
        tpu.enqueue_indirect_dma source(%arg13 : memref<128x64xf32, #tpu.memory_space<vmem>>) target(%dma_start3A_104 : memref<10240x64xf32, #tpu.memory_space<vmem_shared>>) offsets(%dma_start3A_101 : memref<128xi32, #tpu.memory_space<vmem>>) semaphore(%arg22 : memref<!tpu.dma_semaphore, #tpu.memory_space<semaphore_mem>>) {add = true}
        %dma_wait3A_105 = arith.constant 0 : i32
        %dma_wait3A_106 = arith.constant 0 : i32
        %dma_wait3A_107 = tpu.memref_slice %arg5[%dma_wait3A_105, %dma_wait3A_106] : memref<10240x64xf32, #tpu.memory_space<hbm>> -> memref<128x64xf32, #tpu.memory_space<hbm>>
        %dma_wait3A_108 = arith.constant 0 : i32
        %dma_wait3A_109 = arith.constant 0 : i32
        %dma_wait3A_110 = tpu.memref_slice %arg5[%dma_wait3A_108, %dma_wait3A_109] : memref<10240x64xf32, #tpu.memory_space<hbm>> -> memref<128x64xf32, #tpu.memory_space<hbm>>
        tpu.wait_dma2 semaphore(%arg19 : memref<!tpu.dma_semaphore, #tpu.memory_space<semaphore_mem>>) src(%dma_wait3A_110 : memref<128x64xf32, #tpu.memory_space<hbm>>) dst(%arg14 : memref<128x64xf32, #tpu.memory_space<vmem>>)
        %add3A_111 = arith.constant 3 : i32
        %add3A_112 = arith.addi %mul3A_64, %add3A_111 : i32
        %dma_start3A_113 = arith.constant 0 : i32
        %dma_start3A_114 = tpu.memref_slice %arg10[%add3A_112, %dma_start3A_113] : memref<120x128xi32, #tpu.memory_space<vmem>> -> memref<1x128xi32, #tpu.memory_space<vmem>>
        %dma_start3A_115 = tpu.memref_squeeze %dma_start3A_114 : memref<1x128xi32, #tpu.memory_space<vmem>> -> memref<128xi32, #tpu.memory_space<vmem>>
        %dma_start3A_116 = arith.constant 0 : i32
        %dma_start3A_117 = arith.constant 0 : i32
        %dma_start3A_118 = tpu.memref_slice %arg15[%dma_start3A_116, %dma_start3A_117] : memref<10240x64xf32, #tpu.memory_space<vmem_shared>> -> memref<10240x64xf32, #tpu.memory_space<vmem_shared>>
        tpu.enqueue_indirect_dma source(%arg14 : memref<128x64xf32, #tpu.memory_space<vmem>>) target(%dma_start3A_118 : memref<10240x64xf32, #tpu.memory_space<vmem_shared>>) offsets(%dma_start3A_115 : memref<128xi32, #tpu.memory_space<vmem>>) semaphore(%arg23 : memref<!tpu.dma_semaphore, #tpu.memory_space<semaphore_mem>>) {add = true}
        %dma_wait3A_119 = arith.constant 0 : i32
        %dma_wait3A_120 = arith.constant 0 : i32
        %dma_wait3A_121 = tpu.memref_slice %arg15[%dma_wait3A_119, %dma_wait3A_120] : memref<10240x64xf32, #tpu.memory_space<vmem_shared>> -> memref<128x64xf32, #tpu.memory_space<vmem_shared>>
        %dma_wait3A_122 = arith.constant 0 : i32
        %dma_wait3A_123 = arith.constant 0 : i32
        %dma_wait3A_124 = tpu.memref_slice %arg15[%dma_wait3A_122, %dma_wait3A_123] : memref<10240x64xf32, #tpu.memory_space<vmem_shared>> -> memref<128x64xf32, #tpu.memory_space<vmem_shared>>
        tpu.wait_dma2 semaphore(%arg20 : memref<!tpu.dma_semaphore, #tpu.memory_space<semaphore_mem>>) src(%arg11 : memref<128x64xf32, #tpu.memory_space<vmem>>) dst(%dma_wait3A_124 : memref<128x64xf32, #tpu.memory_space<vmem_shared>>)
        %add3A_125 = arith.constant 0 : i32
        %add3A_126 = arith.addi %mul3A_64, %add3A_125 : i32
        %add3A_127 = arith.constant 4 : i32
        %add3A_128 = arith.addi %add3A_126, %add3A_127 : i32
        %lt3A = arith.constant 120 : i32
        %lt3A_129 = arith.cmpi slt, %add3A_128, %lt3A : i32
        %convert_element_type3A_130 = arith.extui %lt3A_129 : i1 to i32
        %cond3A_131 = arith.constant 0 : i32
        %cond3A_132 = arith.cmpi ne, %convert_element_type3A_130, %cond3A_131 : i32
        scf.if %cond3A_132 {
          %add3A_178 = arith.constant 0 : i32
          %add3A_179 = arith.addi %mul3A_64, %add3A_178 : i32
          %add3A_180 = arith.constant 4 : i32
          %add3A_181 = arith.addi %add3A_179, %add3A_180 : i32
          %dma_start3A_182 = arith.constant 0 : i32
          %dma_start3A_183 = tpu.memref_slice %arg9[%add3A_181, %dma_start3A_182] : memref<120x128xi32, #tpu.memory_space<vmem>> -> memref<1x128xi32, #tpu.memory_space<vmem>>
          %dma_start3A_184 = tpu.memref_squeeze %dma_start3A_183 : memref<1x128xi32, #tpu.memory_space<vmem>> -> memref<128xi32, #tpu.memory_space<vmem>>
          %dma_start3A_185 = arith.constant 0 : i32
          %dma_start3A_186 = arith.constant 0 : i32
          %dma_start3A_187 = tpu.memref_slice %arg5[%dma_start3A_185, %dma_start3A_186] : memref<10240x64xf32, #tpu.memory_space<hbm>> -> memref<10240x64xf32, #tpu.memory_space<hbm>>
          tpu.enqueue_indirect_dma source(%dma_start3A_187 : memref<10240x64xf32, #tpu.memory_space<hbm>>) target(%arg11 : memref<128x64xf32, #tpu.memory_space<vmem>>) offsets(%dma_start3A_184 : memref<128xi32, #tpu.memory_space<vmem>>) semaphore(%arg16 : memref<!tpu.dma_semaphore, #tpu.memory_space<semaphore_mem>>)
        } else {
        }
        %dma_wait3A_133 = arith.constant 0 : i32
        %dma_wait3A_134 = arith.constant 0 : i32
        %dma_wait3A_135 = tpu.memref_slice %arg15[%dma_wait3A_133, %dma_wait3A_134] : memref<10240x64xf32, #tpu.memory_space<vmem_shared>> -> memref<128x64xf32, #tpu.memory_space<vmem_shared>>
        %dma_wait3A_136 = arith.constant 0 : i32
        %dma_wait3A_137 = arith.constant 0 : i32
        %dma_wait3A_138 = tpu.memref_slice %arg15[%dma_wait3A_136, %dma_wait3A_137] : memref<10240x64xf32, #tpu.memory_space<vmem_shared>> -> memref<128x64xf32, #tpu.memory_space<vmem_shared>>
        tpu.wait_dma2 semaphore(%arg21 : memref<!tpu.dma_semaphore, #tpu.memory_space<semaphore_mem>>) src(%arg12 : memref<128x64xf32, #tpu.memory_space<vmem>>) dst(%dma_wait3A_138 : memref<128x64xf32, #tpu.memory_space<vmem_shared>>)
        %add3A_139 = arith.constant 1 : i32
        %add3A_140 = arith.addi %mul3A_64, %add3A_139 : i32
        %add3A_141 = arith.constant 4 : i32
        %add3A_142 = arith.addi %add3A_140, %add3A_141 : i32
        %lt3A_143 = arith.constant 120 : i32
        %lt3A_144 = arith.cmpi slt, %add3A_142, %lt3A_143 : i32
        %convert_element_type3A_145 = arith.extui %lt3A_144 : i1 to i32
        %cond3A_146 = arith.constant 0 : i32
        %cond3A_147 = arith.cmpi ne, %convert_element_type3A_145, %cond3A_146 : i32
        scf.if %cond3A_147 {
          %add3A_178 = arith.constant 1 : i32
          %add3A_179 = arith.addi %mul3A_64, %add3A_178 : i32
          %add3A_180 = arith.constant 4 : i32
          %add3A_181 = arith.addi %add3A_179, %add3A_180 : i32
          %dma_start3A_182 = arith.constant 0 : i32
          %dma_start3A_183 = tpu.memref_slice %arg9[%add3A_181, %dma_start3A_182] : memref<120x128xi32, #tpu.memory_space<vmem>> -> memref<1x128xi32, #tpu.memory_space<vmem>>
          %dma_start3A_184 = tpu.memref_squeeze %dma_start3A_183 : memref<1x128xi32, #tpu.memory_space<vmem>> -> memref<128xi32, #tpu.memory_space<vmem>>
          %dma_start3A_185 = arith.constant 0 : i32
          %dma_start3A_186 = arith.constant 0 : i32
          %dma_start3A_187 = tpu.memref_slice %arg5[%dma_start3A_185, %dma_start3A_186] : memref<10240x64xf32, #tpu.memory_space<hbm>> -> memref<10240x64xf32, #tpu.memory_space<hbm>>
          tpu.enqueue_indirect_dma source(%dma_start3A_187 : memref<10240x64xf32, #tpu.memory_space<hbm>>) target(%arg12 : memref<128x64xf32, #tpu.memory_space<vmem>>) offsets(%dma_start3A_184 : memref<128xi32, #tpu.memory_space<vmem>>) semaphore(%arg17 : memref<!tpu.dma_semaphore, #tpu.memory_space<semaphore_mem>>)
        } else {
        }
        %dma_wait3A_148 = arith.constant 0 : i32
        %dma_wait3A_149 = arith.constant 0 : i32
        %dma_wait3A_150 = tpu.memref_slice %arg15[%dma_wait3A_148, %dma_wait3A_149] : memref<10240x64xf32, #tpu.memory_space<vmem_shared>> -> memref<128x64xf32, #tpu.memory_space<vmem_shared>>
        %dma_wait3A_151 = arith.constant 0 : i32
        %dma_wait3A_152 = arith.constant 0 : i32
        %dma_wait3A_153 = tpu.memref_slice %arg15[%dma_wait3A_151, %dma_wait3A_152] : memref<10240x64xf32, #tpu.memory_space<vmem_shared>> -> memref<128x64xf32, #tpu.memory_space<vmem_shared>>
        tpu.wait_dma2 semaphore(%arg22 : memref<!tpu.dma_semaphore, #tpu.memory_space<semaphore_mem>>) src(%arg13 : memref<128x64xf32, #tpu.memory_space<vmem>>) dst(%dma_wait3A_153 : memref<128x64xf32, #tpu.memory_space<vmem_shared>>)
        %add3A_154 = arith.constant 2 : i32
        %add3A_155 = arith.addi %mul3A_64, %add3A_154 : i32
        %add3A_156 = arith.constant 4 : i32
        %add3A_157 = arith.addi %add3A_155, %add3A_156 : i32
        %lt3A_158 = arith.constant 120 : i32
        %lt3A_159 = arith.cmpi slt, %add3A_157, %lt3A_158 : i32
        %convert_element_type3A_160 = arith.extui %lt3A_159 : i1 to i32
        %cond3A_161 = arith.constant 0 : i32
        %cond3A_162 = arith.cmpi ne, %convert_element_type3A_160, %cond3A_161 : i32
        scf.if %cond3A_162 {
          %add3A_178 = arith.constant 2 : i32
          %add3A_179 = arith.addi %mul3A_64, %add3A_178 : i32
          %add3A_180 = arith.constant 4 : i32
          %add3A_181 = arith.addi %add3A_179, %add3A_180 : i32
          %dma_start3A_182 = arith.constant 0 : i32
          %dma_start3A_183 = tpu.memref_slice %arg9[%add3A_181, %dma_start3A_182] : memref<120x128xi32, #tpu.memory_space<vmem>> -> memref<1x128xi32, #tpu.memory_space<vmem>>
          %dma_start3A_184 = tpu.memref_squeeze %dma_start3A_183 : memref<1x128xi32, #tpu.memory_space<vmem>> -> memref<128xi32, #tpu.memory_space<vmem>>
          %dma_start3A_185 = arith.constant 0 : i32
          %dma_start3A_186 = arith.constant 0 : i32
          %dma_start3A_187 = tpu.memref_slice %arg5[%dma_start3A_185, %dma_start3A_186] : memref<10240x64xf32, #tpu.memory_space<hbm>> -> memref<10240x64xf32, #tpu.memory_space<hbm>>
          tpu.enqueue_indirect_dma source(%dma_start3A_187 : memref<10240x64xf32, #tpu.memory_space<hbm>>) target(%arg13 : memref<128x64xf32, #tpu.memory_space<vmem>>) offsets(%dma_start3A_184 : memref<128xi32, #tpu.memory_space<vmem>>) semaphore(%arg18 : memref<!tpu.dma_semaphore, #tpu.memory_space<semaphore_mem>>)
        } else {
        }
        %dma_wait3A_163 = arith.constant 0 : i32
        %dma_wait3A_164 = arith.constant 0 : i32
        %dma_wait3A_165 = tpu.memref_slice %arg15[%dma_wait3A_163, %dma_wait3A_164] : memref<10240x64xf32, #tpu.memory_space<vmem_shared>> -> memref<128x64xf32, #tpu.memory_space<vmem_shared>>
        %dma_wait3A_166 = arith.constant 0 : i32
        %dma_wait3A_167 = arith.constant 0 : i32
        %dma_wait3A_168 = tpu.memref_slice %arg15[%dma_wait3A_166, %dma_wait3A_167] : memref<10240x64xf32, #tpu.memory_space<vmem_shared>> -> memref<128x64xf32, #tpu.memory_space<vmem_shared>>
        tpu.wait_dma2 semaphore(%arg23 : memref<!tpu.dma_semaphore, #tpu.memory_space<semaphore_mem>>) src(%arg14 : memref<128x64xf32, #tpu.memory_space<vmem>>) dst(%dma_wait3A_168 : memref<128x64xf32, #tpu.memory_space<vmem_shared>>)
        %add3A_169 = arith.constant 3 : i32
        %add3A_170 = arith.addi %mul3A_64, %add3A_169 : i32
        %add3A_171 = arith.constant 4 : i32
        %add3A_172 = arith.addi %add3A_170, %add3A_171 : i32
        %lt3A_173 = arith.constant 120 : i32
        %lt3A_174 = arith.cmpi slt, %add3A_172, %lt3A_173 : i32
        %convert_element_type3A_175 = arith.extui %lt3A_174 : i1 to i32
        %cond3A_176 = arith.constant 0 : i32
        %cond3A_177 = arith.cmpi ne, %convert_element_type3A_175, %cond3A_176 : i32
        scf.if %cond3A_177 {
          %add3A_178 = arith.constant 3 : i32
          %add3A_179 = arith.addi %mul3A_64, %add3A_178 : i32
          %add3A_180 = arith.constant 4 : i32
          %add3A_181 = arith.addi %add3A_179, %add3A_180 : i32
          %dma_start3A_182 = arith.constant 0 : i32
          %dma_start3A_183 = tpu.memref_slice %arg9[%add3A_181, %dma_start3A_182] : memref<120x128xi32, #tpu.memory_space<vmem>> -> memref<1x128xi32, #tpu.memory_space<vmem>>
          %dma_start3A_184 = tpu.memref_squeeze %dma_start3A_183 : memref<1x128xi32, #tpu.memory_space<vmem>> -> memref<128xi32, #tpu.memory_space<vmem>>
          %dma_start3A_185 = arith.constant 0 : i32
          %dma_start3A_186 = arith.constant 0 : i32
          %dma_start3A_187 = tpu.memref_slice %arg5[%dma_start3A_185, %dma_start3A_186] : memref<10240x64xf32, #tpu.memory_space<hbm>> -> memref<10240x64xf32, #tpu.memory_space<hbm>>
          tpu.enqueue_indirect_dma source(%dma_start3A_187 : memref<10240x64xf32, #tpu.memory_space<hbm>>) target(%arg14 : memref<128x64xf32, #tpu.memory_space<vmem>>) offsets(%dma_start3A_184 : memref<128xi32, #tpu.memory_space<vmem>>) semaphore(%arg19 : memref<!tpu.dma_semaphore, #tpu.memory_space<semaphore_mem>>)
        } else {
        }
      }
      %scan3A_61 = arith.constant 30 : i32
    } else {
    }
    %eq3A_25 = arith.constant 1 : i32
    %eq3A_26 = arith.cmpi eq, %arg0, %eq3A_25 : i32
    %convert_element_type3A_27 = arith.extui %eq3A_26 : i1 to i32
    %cond3A_28 = arith.constant 0 : i32
    %cond3A_29 = arith.cmpi ne, %convert_element_type3A_27, %cond3A_28 : i32
    scf.if %cond3A_29 {
      %dma_start3A = arith.constant 0 : i32
      %dma_start3A_31 = arith.constant 0 : i32
      %dma_start3A_32 = tpu.memref_slice %arg9[%dma_start3A, %dma_start3A_31] : memref<120x128xi32, #tpu.memory_space<vmem>> -> memref<1x128xi32, #tpu.memory_space<vmem>>
      %dma_start3A_33 = tpu.memref_squeeze %dma_start3A_32 : memref<1x128xi32, #tpu.memory_space<vmem>> -> memref<128xi32, #tpu.memory_space<vmem>>
      %dma_start3A_34 = arith.constant 0 : i32
      %dma_start3A_35 = arith.constant 0 : i32
      %dma_start3A_36 = tpu.memref_slice %arg5[%dma_start3A_34, %dma_start3A_35] : memref<10240x64xf32, #tpu.memory_space<hbm>> -> memref<10240x64xf32, #tpu.memory_space<hbm>>
      tpu.enqueue_indirect_dma source(%dma_start3A_36 : memref<10240x64xf32, #tpu.memory_space<hbm>>) target(%arg11 : memref<128x64xf32, #tpu.memory_space<vmem>>) offsets(%dma_start3A_33 : memref<128xi32, #tpu.memory_space<vmem>>) semaphore(%arg16 : memref<!tpu.dma_semaphore, #tpu.memory_space<semaphore_mem>>)
      %dma_start3A_37 = arith.constant 1 : i32
      %dma_start3A_38 = arith.constant 0 : i32
      %dma_start3A_39 = tpu.memref_slice %arg9[%dma_start3A_37, %dma_start3A_38] : memref<120x128xi32, #tpu.memory_space<vmem>> -> memref<1x128xi32, #tpu.memory_space<vmem>>
      %dma_start3A_40 = tpu.memref_squeeze %dma_start3A_39 : memref<1x128xi32, #tpu.memory_space<vmem>> -> memref<128xi32, #tpu.memory_space<vmem>>
      %dma_start3A_41 = arith.constant 0 : i32
      %dma_start3A_42 = arith.constant 0 : i32
      %dma_start3A_43 = tpu.memref_slice %arg5[%dma_start3A_41, %dma_start3A_42] : memref<10240x64xf32, #tpu.memory_space<hbm>> -> memref<10240x64xf32, #tpu.memory_space<hbm>>
      tpu.enqueue_indirect_dma source(%dma_start3A_43 : memref<10240x64xf32, #tpu.memory_space<hbm>>) target(%arg12 : memref<128x64xf32, #tpu.memory_space<vmem>>) offsets(%dma_start3A_40 : memref<128xi32, #tpu.memory_space<vmem>>) semaphore(%arg17 : memref<!tpu.dma_semaphore, #tpu.memory_space<semaphore_mem>>)
      %dma_start3A_44 = arith.constant 2 : i32
      %dma_start3A_45 = arith.constant 0 : i32
      %dma_start3A_46 = tpu.memref_slice %arg9[%dma_start3A_44, %dma_start3A_45] : memref<120x128xi32, #tpu.memory_space<vmem>> -> memref<1x128xi32, #tpu.memory_space<vmem>>
      %dma_start3A_47 = tpu.memref_squeeze %dma_start3A_46 : memref<1x128xi32, #tpu.memory_space<vmem>> -> memref<128xi32, #tpu.memory_space<vmem>>
      %dma_start3A_48 = arith.constant 0 : i32
      %dma_start3A_49 = arith.constant 0 : i32
      %dma_start3A_50 = tpu.memref_slice %arg5[%dma_start3A_48, %dma_start3A_49] : memref<10240x64xf32, #tpu.memory_space<hbm>> -> memref<10240x64xf32, #tpu.memory_space<hbm>>
      tpu.enqueue_indirect_dma source(%dma_start3A_50 : memref<10240x64xf32, #tpu.memory_space<hbm>>) target(%arg13 : memref<128x64xf32, #tpu.memory_space<vmem>>) offsets(%dma_start3A_47 : memref<128xi32, #tpu.memory_space<vmem>>) semaphore(%arg18 : memref<!tpu.dma_semaphore, #tpu.memory_space<semaphore_mem>>)
      %dma_start3A_51 = arith.constant 3 : i32
      %dma_start3A_52 = arith.constant 0 : i32
      %dma_start3A_53 = tpu.memref_slice %arg9[%dma_start3A_51, %dma_start3A_52] : memref<120x128xi32, #tpu.memory_space<vmem>> -> memref<1x128xi32, #tpu.memory_space<vmem>>
      %dma_start3A_54 = tpu.memref_squeeze %dma_start3A_53 : memref<1x128xi32, #tpu.memory_space<vmem>> -> memref<128xi32, #tpu.memory_space<vmem>>
      %dma_start3A_55 = arith.constant 0 : i32
      %dma_start3A_56 = arith.constant 0 : i32
      %dma_start3A_57 = tpu.memref_slice %arg5[%dma_start3A_55, %dma_start3A_56] : memref<10240x64xf32, #tpu.memory_space<hbm>> -> memref<10240x64xf32, #tpu.memory_space<hbm>>
      tpu.enqueue_indirect_dma source(%dma_start3A_57 : memref<10240x64xf32, #tpu.memory_space<hbm>>) target(%arg14 : memref<128x64xf32, #tpu.memory_space<vmem>>) offsets(%dma_start3A_54 : memref<128xi32, #tpu.memory_space<vmem>>) semaphore(%arg19 : memref<!tpu.dma_semaphore, #tpu.memory_space<semaphore_mem>>)
      %scan3A = arith.constant 0 : i32
      %scan3A_58 = arith.constant 10 : i32
      %scan3A_59 = arith.addi %scan3A, %scan3A_58 : i32
      %scan3A_60 = arith.constant 1 : i32
      scf.for %scan3A_62 = %scan3A to %scan3A_59 step %scan3A_60  : i32 {
        %mul3A_63 = arith.constant 4 : i32
        %mul3A_64 = arith.muli %scan3A_62, %mul3A_63 : i32
        %dma_wait3A = arith.constant 0 : i32
        %dma_wait3A_65 = arith.constant 0 : i32
        %dma_wait3A_66 = tpu.memref_slice %arg5[%dma_wait3A, %dma_wait3A_65] : memref<10240x64xf32, #tpu.memory_space<hbm>> -> memref<128x64xf32, #tpu.memory_space<hbm>>
        %dma_wait3A_67 = arith.constant 0 : i32
        %dma_wait3A_68 = arith.constant 0 : i32
        %dma_wait3A_69 = tpu.memref_slice %arg5[%dma_wait3A_67, %dma_wait3A_68] : memref<10240x64xf32, #tpu.memory_space<hbm>> -> memref<128x64xf32, #tpu.memory_space<hbm>>
        tpu.wait_dma2 semaphore(%arg16 : memref<!tpu.dma_semaphore, #tpu.memory_space<semaphore_mem>>) src(%dma_wait3A_69 : memref<128x64xf32, #tpu.memory_space<hbm>>) dst(%arg11 : memref<128x64xf32, #tpu.memory_space<vmem>>)
        %add3A = arith.constant 0 : i32
        %add3A_70 = arith.addi %mul3A_64, %add3A : i32
        %dma_start3A_71 = arith.constant 0 : i32
        %dma_start3A_72 = tpu.memref_slice %arg10[%add3A_70, %dma_start3A_71] : memref<120x128xi32, #tpu.memory_space<vmem>> -> memref<1x128xi32, #tpu.memory_space<vmem>>
        %dma_start3A_73 = tpu.memref_squeeze %dma_start3A_72 : memref<1x128xi32, #tpu.memory_space<vmem>> -> memref<128xi32, #tpu.memory_space<vmem>>
        %dma_start3A_74 = arith.constant 0 : i32
        %dma_start3A_75 = arith.constant 0 : i32
        %dma_start3A_76 = tpu.memref_slice %arg15[%dma_start3A_74, %dma_start3A_75] : memref<10240x64xf32, #tpu.memory_space<vmem_shared>> -> memref<10240x64xf32, #tpu.memory_space<vmem_shared>>
        tpu.enqueue_indirect_dma source(%arg11 : memref<128x64xf32, #tpu.memory_space<vmem>>) target(%dma_start3A_76 : memref<10240x64xf32, #tpu.memory_space<vmem_shared>>) offsets(%dma_start3A_73 : memref<128xi32, #tpu.memory_space<vmem>>) semaphore(%arg20 : memref<!tpu.dma_semaphore, #tpu.memory_space<semaphore_mem>>) {add = true}
        %dma_wait3A_77 = arith.constant 0 : i32
        %dma_wait3A_78 = arith.constant 0 : i32
        %dma_wait3A_79 = tpu.memref_slice %arg5[%dma_wait3A_77, %dma_wait3A_78] : memref<10240x64xf32, #tpu.memory_space<hbm>> -> memref<128x64xf32, #tpu.memory_space<hbm>>
        %dma_wait3A_80 = arith.constant 0 : i32
        %dma_wait3A_81 = arith.constant 0 : i32
        %dma_wait3A_82 = tpu.memref_slice %arg5[%dma_wait3A_80, %dma_wait3A_81] : memref<10240x64xf32, #tpu.memory_space<hbm>> -> memref<128x64xf32, #tpu.memory_space<hbm>>
        tpu.wait_dma2 semaphore(%arg17 : memref<!tpu.dma_semaphore, #tpu.memory_space<semaphore_mem>>) src(%dma_wait3A_82 : memref<128x64xf32, #tpu.memory_space<hbm>>) dst(%arg12 : memref<128x64xf32, #tpu.memory_space<vmem>>)
        %add3A_83 = arith.constant 1 : i32
        %add3A_84 = arith.addi %mul3A_64, %add3A_83 : i32
        %dma_start3A_85 = arith.constant 0 : i32
        %dma_start3A_86 = tpu.memref_slice %arg10[%add3A_84, %dma_start3A_85] : memref<120x128xi32, #tpu.memory_space<vmem>> -> memref<1x128xi32, #tpu.memory_space<vmem>>
        %dma_start3A_87 = tpu.memref_squeeze %dma_start3A_86 : memref<1x128xi32, #tpu.memory_space<vmem>> -> memref<128xi32, #tpu.memory_space<vmem>>
        %dma_start3A_88 = arith.constant 0 : i32
        %dma_start3A_89 = arith.constant 0 : i32
        %dma_start3A_90 = tpu.memref_slice %arg15[%dma_start3A_88, %dma_start3A_89] : memref<10240x64xf32, #tpu.memory_space<vmem_shared>> -> memref<10240x64xf32, #tpu.memory_space<vmem_shared>>
        tpu.enqueue_indirect_dma source(%arg12 : memref<128x64xf32, #tpu.memory_space<vmem>>) target(%dma_start3A_90 : memref<10240x64xf32, #tpu.memory_space<vmem_shared>>) offsets(%dma_start3A_87 : memref<128xi32, #tpu.memory_space<vmem>>) semaphore(%arg21 : memref<!tpu.dma_semaphore, #tpu.memory_space<semaphore_mem>>) {add = true}
        %dma_wait3A_91 = arith.constant 0 : i32
        %dma_wait3A_92 = arith.constant 0 : i32
        %dma_wait3A_93 = tpu.memref_slice %arg5[%dma_wait3A_91, %dma_wait3A_92] : memref<10240x64xf32, #tpu.memory_space<hbm>> -> memref<128x64xf32, #tpu.memory_space<hbm>>
        %dma_wait3A_94 = arith.constant 0 : i32
        %dma_wait3A_95 = arith.constant 0 : i32
        %dma_wait3A_96 = tpu.memref_slice %arg5[%dma_wait3A_94, %dma_wait3A_95] : memref<10240x64xf32, #tpu.memory_space<hbm>> -> memref<128x64xf32, #tpu.memory_space<hbm>>
        tpu.wait_dma2 semaphore(%arg18 : memref<!tpu.dma_semaphore, #tpu.memory_space<semaphore_mem>>) src(%dma_wait3A_96 : memref<128x64xf32, #tpu.memory_space<hbm>>) dst(%arg13 : memref<128x64xf32, #tpu.memory_space<vmem>>)
        %add3A_97 = arith.constant 2 : i32
        %add3A_98 = arith.addi %mul3A_64, %add3A_97 : i32
        %dma_start3A_99 = arith.constant 0 : i32
        %dma_start3A_100 = tpu.memref_slice %arg10[%add3A_98, %dma_start3A_99] : memref<120x128xi32, #tpu.memory_space<vmem>> -> memref<1x128xi32, #tpu.memory_space<vmem>>
        %dma_start3A_101 = tpu.memref_squeeze %dma_start3A_100 : memref<1x128xi32, #tpu.memory_space<vmem>> -> memref<128xi32, #tpu.memory_space<vmem>>
        %dma_start3A_102 = arith.constant 0 : i32
        %dma_start3A_103 = arith.constant 0 : i32
        %dma_start3A_104 = tpu.memref_slice %arg15[%dma_start3A_102, %dma_start3A_103] : memref<10240x64xf32, #tpu.memory_space<vmem_shared>> -> memref<10240x64xf32, #tpu.memory_space<vmem_shared>>
        tpu.enqueue_indirect_dma source(%arg13 : memref<128x64xf32, #tpu.memory_space<vmem>>) target(%dma_start3A_104 : memref<10240x64xf32, #tpu.memory_space<vmem_shared>>) offsets(%dma_start3A_101 : memref<128xi32, #tpu.memory_space<vmem>>) semaphore(%arg22 : memref<!tpu.dma_semaphore, #tpu.memory_space<semaphore_mem>>) {add = true}
        %dma_wait3A_105 = arith.constant 0 : i32
        %dma_wait3A_106 = arith.constant 0 : i32
        %dma_wait3A_107 = tpu.memref_slice %arg5[%dma_wait3A_105, %dma_wait3A_106] : memref<10240x64xf32, #tpu.memory_space<hbm>> -> memref<128x64xf32, #tpu.memory_space<hbm>>
        %dma_wait3A_108 = arith.constant 0 : i32
        %dma_wait3A_109 = arith.constant 0 : i32
        %dma_wait3A_110 = tpu.memref_slice %arg5[%dma_wait3A_108, %dma_wait3A_109] : memref<10240x64xf32, #tpu.memory_space<hbm>> -> memref<128x64xf32, #tpu.memory_space<hbm>>
        tpu.wait_dma2 semaphore(%arg19 : memref<!tpu.dma_semaphore, #tpu.memory_space<semaphore_mem>>) src(%dma_wait3A_110 : memref<128x64xf32, #tpu.memory_space<hbm>>) dst(%arg14 : memref<128x64xf32, #tpu.memory_space<vmem>>)
        %add3A_111 = arith.constant 3 : i32
        %add3A_112 = arith.addi %mul3A_64, %add3A_111 : i32
        %dma_start3A_113 = arith.constant 0 : i32
        %dma_start3A_114 = tpu.memref_slice %arg10[%add3A_112, %dma_start3A_113] : memref<120x128xi32, #tpu.memory_space<vmem>> -> memref<1x128xi32, #tpu.memory_space<vmem>>
        %dma_start3A_115 = tpu.memref_squeeze %dma_start3A_114 : memref<1x128xi32, #tpu.memory_space<vmem>> -> memref<128xi32, #tpu.memory_space<vmem>>
        %dma_start3A_116 = arith.constant 0 : i32
        %dma_start3A_117 = arith.constant 0 : i32
        %dma_start3A_118 = tpu.memref_slice %arg15[%dma_start3A_116, %dma_start3A_117] : memref<10240x64xf32, #tpu.memory_space<vmem_shared>> -> memref<10240x64xf32, #tpu.memory_space<vmem_shared>>
        tpu.enqueue_indirect_dma source(%arg14 : memref<128x64xf32, #tpu.memory_space<vmem>>) target(%dma_start3A_118 : memref<10240x64xf32, #tpu.memory_space<vmem_shared>>) offsets(%dma_start3A_115 : memref<128xi32, #tpu.memory_space<vmem>>) semaphore(%arg23 : memref<!tpu.dma_semaphore, #tpu.memory_space<semaphore_mem>>) {add = true}
        %dma_wait3A_119 = arith.constant 0 : i32
        %dma_wait3A_120 = arith.constant 0 : i32
        %dma_wait3A_121 = tpu.memref_slice %arg15[%dma_wait3A_119, %dma_wait3A_120] : memref<10240x64xf32, #tpu.memory_space<vmem_shared>> -> memref<128x64xf32, #tpu.memory_space<vmem_shared>>
        %dma_wait3A_122 = arith.constant 0 : i32
        %dma_wait3A_123 = arith.constant 0 : i32
        %dma_wait3A_124 = tpu.memref_slice %arg15[%dma_wait3A_122, %dma_wait3A_123] : memref<10240x64xf32, #tpu.memory_space<vmem_shared>> -> memref<128x64xf32, #tpu.memory_space<vmem_shared>>
        tpu.wait_dma2 semaphore(%arg20 : memref<!tpu.dma_semaphore, #tpu.memory_space<semaphore_mem>>) src(%arg11 : memref<128x64xf32, #tpu.memory_space<vmem>>) dst(%dma_wait3A_124 : memref<128x64xf32, #tpu.memory_space<vmem_shared>>)
        %add3A_125 = arith.constant 0 : i32
        %add3A_126 = arith.addi %mul3A_64, %add3A_125 : i32
        %add3A_127 = arith.constant 4 : i32
        %add3A_128 = arith.addi %add3A_126, %add3A_127 : i32
        %lt3A = arith.constant 40 : i32
        %lt3A_129 = arith.cmpi slt, %add3A_128, %lt3A : i32
        %convert_element_type3A_130 = arith.extui %lt3A_129 : i1 to i32
        %cond3A_131 = arith.constant 0 : i32
        %cond3A_132 = arith.cmpi ne, %convert_element_type3A_130, %cond3A_131 : i32
        scf.if %cond3A_132 {
          %add3A_178 = arith.constant 0 : i32
          %add3A_179 = arith.addi %mul3A_64, %add3A_178 : i32
          %add3A_180 = arith.constant 4 : i32
          %add3A_181 = arith.addi %add3A_179, %add3A_180 : i32
          %dma_start3A_182 = arith.constant 0 : i32
          %dma_start3A_183 = tpu.memref_slice %arg9[%add3A_181, %dma_start3A_182] : memref<120x128xi32, #tpu.memory_space<vmem>> -> memref<1x128xi32, #tpu.memory_space<vmem>>
          %dma_start3A_184 = tpu.memref_squeeze %dma_start3A_183 : memref<1x128xi32, #tpu.memory_space<vmem>> -> memref<128xi32, #tpu.memory_space<vmem>>
          %dma_start3A_185 = arith.constant 0 : i32
          %dma_start3A_186 = arith.constant 0 : i32
          %dma_start3A_187 = tpu.memref_slice %arg5[%dma_start3A_185, %dma_start3A_186] : memref<10240x64xf32, #tpu.memory_space<hbm>> -> memref<10240x64xf32, #tpu.memory_space<hbm>>
          tpu.enqueue_indirect_dma source(%dma_start3A_187 : memref<10240x64xf32, #tpu.memory_space<hbm>>) target(%arg11 : memref<128x64xf32, #tpu.memory_space<vmem>>) offsets(%dma_start3A_184 : memref<128xi32, #tpu.memory_space<vmem>>) semaphore(%arg16 : memref<!tpu.dma_semaphore, #tpu.memory_space<semaphore_mem>>)
        } else {
        }
        %dma_wait3A_133 = arith.constant 0 : i32
        %dma_wait3A_134 = arith.constant 0 : i32
        %dma_wait3A_135 = tpu.memref_slice %arg15[%dma_wait3A_133, %dma_wait3A_134] : memref<10240x64xf32, #tpu.memory_space<vmem_shared>> -> memref<128x64xf32, #tpu.memory_space<vmem_shared>>
        %dma_wait3A_136 = arith.constant 0 : i32
        %dma_wait3A_137 = arith.constant 0 : i32
        %dma_wait3A_138 = tpu.memref_slice %arg15[%dma_wait3A_136, %dma_wait3A_137] : memref<10240x64xf32, #tpu.memory_space<vmem_shared>> -> memref<128x64xf32, #tpu.memory_space<vmem_shared>>
        tpu.wait_dma2 semaphore(%arg21 : memref<!tpu.dma_semaphore, #tpu.memory_space<semaphore_mem>>) src(%arg12 : memref<128x64xf32, #tpu.memory_space<vmem>>) dst(%dma_wait3A_138 : memref<128x64xf32, #tpu.memory_space<vmem_shared>>)
        %add3A_139 = arith.constant 1 : i32
        %add3A_140 = arith.addi %mul3A_64, %add3A_139 : i32
        %add3A_141 = arith.constant 4 : i32
        %add3A_142 = arith.addi %add3A_140, %add3A_141 : i32
        %lt3A_143 = arith.constant 40 : i32
        %lt3A_144 = arith.cmpi slt, %add3A_142, %lt3A_143 : i32
        %convert_element_type3A_145 = arith.extui %lt3A_144 : i1 to i32
        %cond3A_146 = arith.constant 0 : i32
        %cond3A_147 = arith.cmpi ne, %convert_element_type3A_145, %cond3A_146 : i32
        scf.if %cond3A_147 {
          %add3A_178 = arith.constant 1 : i32
          %add3A_179 = arith.addi %mul3A_64, %add3A_178 : i32
          %add3A_180 = arith.constant 4 : i32
          %add3A_181 = arith.addi %add3A_179, %add3A_180 : i32
          %dma_start3A_182 = arith.constant 0 : i32
          %dma_start3A_183 = tpu.memref_slice %arg9[%add3A_181, %dma_start3A_182] : memref<120x128xi32, #tpu.memory_space<vmem>> -> memref<1x128xi32, #tpu.memory_space<vmem>>
          %dma_start3A_184 = tpu.memref_squeeze %dma_start3A_183 : memref<1x128xi32, #tpu.memory_space<vmem>> -> memref<128xi32, #tpu.memory_space<vmem>>
          %dma_start3A_185 = arith.constant 0 : i32
          %dma_start3A_186 = arith.constant 0 : i32
          %dma_start3A_187 = tpu.memref_slice %arg5[%dma_start3A_185, %dma_start3A_186] : memref<10240x64xf32, #tpu.memory_space<hbm>> -> memref<10240x64xf32, #tpu.memory_space<hbm>>
          tpu.enqueue_indirect_dma source(%dma_start3A_187 : memref<10240x64xf32, #tpu.memory_space<hbm>>) target(%arg12 : memref<128x64xf32, #tpu.memory_space<vmem>>) offsets(%dma_start3A_184 : memref<128xi32, #tpu.memory_space<vmem>>) semaphore(%arg17 : memref<!tpu.dma_semaphore, #tpu.memory_space<semaphore_mem>>)
        } else {
        }
        %dma_wait3A_148 = arith.constant 0 : i32
        %dma_wait3A_149 = arith.constant 0 : i32
        %dma_wait3A_150 = tpu.memref_slice %arg15[%dma_wait3A_148, %dma_wait3A_149] : memref<10240x64xf32, #tpu.memory_space<vmem_shared>> -> memref<128x64xf32, #tpu.memory_space<vmem_shared>>
        %dma_wait3A_151 = arith.constant 0 : i32
        %dma_wait3A_152 = arith.constant 0 : i32
        %dma_wait3A_153 = tpu.memref_slice %arg15[%dma_wait3A_151, %dma_wait3A_152] : memref<10240x64xf32, #tpu.memory_space<vmem_shared>> -> memref<128x64xf32, #tpu.memory_space<vmem_shared>>
        tpu.wait_dma2 semaphore(%arg22 : memref<!tpu.dma_semaphore, #tpu.memory_space<semaphore_mem>>) src(%arg13 : memref<128x64xf32, #tpu.memory_space<vmem>>) dst(%dma_wait3A_153 : memref<128x64xf32, #tpu.memory_space<vmem_shared>>)
        %add3A_154 = arith.constant 2 : i32
        %add3A_155 = arith.addi %mul3A_64, %add3A_154 : i32
        %add3A_156 = arith.constant 4 : i32
        %add3A_157 = arith.addi %add3A_155, %add3A_156 : i32
        %lt3A_158 = arith.constant 40 : i32
        %lt3A_159 = arith.cmpi slt, %add3A_157, %lt3A_158 : i32
        %convert_element_type3A_160 = arith.extui %lt3A_159 : i1 to i32
        %cond3A_161 = arith.constant 0 : i32
        %cond3A_162 = arith.cmpi ne, %convert_element_type3A_160, %cond3A_161 : i32
        scf.if %cond3A_162 {
          %add3A_178 = arith.constant 2 : i32
          %add3A_179 = arith.addi %mul3A_64, %add3A_178 : i32
          %add3A_180 = arith.constant 4 : i32
          %add3A_181 = arith.addi %add3A_179, %add3A_180 : i32
          %dma_start3A_182 = arith.constant 0 : i32
          %dma_start3A_183 = tpu.memref_slice %arg9[%add3A_181, %dma_start3A_182] : memref<120x128xi32, #tpu.memory_space<vmem>> -> memref<1x128xi32, #tpu.memory_space<vmem>>
          %dma_start3A_184 = tpu.memref_squeeze %dma_start3A_183 : memref<1x128xi32, #tpu.memory_space<vmem>> -> memref<128xi32, #tpu.memory_space<vmem>>
          %dma_start3A_185 = arith.constant 0 : i32
          %dma_start3A_186 = arith.constant 0 : i32
          %dma_start3A_187 = tpu.memref_slice %arg5[%dma_start3A_185, %dma_start3A_186] : memref<10240x64xf32, #tpu.memory_space<hbm>> -> memref<10240x64xf32, #tpu.memory_space<hbm>>
          tpu.enqueue_indirect_dma source(%dma_start3A_187 : memref<10240x64xf32, #tpu.memory_space<hbm>>) target(%arg13 : memref<128x64xf32, #tpu.memory_space<vmem>>) offsets(%dma_start3A_184 : memref<128xi32, #tpu.memory_space<vmem>>) semaphore(%arg18 : memref<!tpu.dma_semaphore, #tpu.memory_space<semaphore_mem>>)
        } else {
        }
        %dma_wait3A_163 = arith.constant 0 : i32
        %dma_wait3A_164 = arith.constant 0 : i32
        %dma_wait3A_165 = tpu.memref_slice %arg15[%dma_wait3A_163, %dma_wait3A_164] : memref<10240x64xf32, #tpu.memory_space<vmem_shared>> -> memref<128x64xf32, #tpu.memory_space<vmem_shared>>
        %dma_wait3A_166 = arith.constant 0 : i32
        %dma_wait3A_167 = arith.constant 0 : i32
        %dma_wait3A_168 = tpu.memref_slice %arg15[%dma_wait3A_166, %dma_wait3A_167] : memref<10240x64xf32, #tpu.memory_space<vmem_shared>> -> memref<128x64xf32, #tpu.memory_space<vmem_shared>>
        tpu.wait_dma2 semaphore(%arg23 : memref<!tpu.dma_semaphore, #tpu.memory_space<semaphore_mem>>) src(%arg14 : memref<128x64xf32, #tpu.memory_space<vmem>>) dst(%dma_wait3A_168 : memref<128x64xf32, #tpu.memory_space<vmem_shared>>)
        %add3A_169 = arith.constant 3 : i32
        %add3A_170 = arith.addi %mul3A_64, %add3A_169 : i32
        %add3A_171 = arith.constant 4 : i32
        %add3A_172 = arith.addi %add3A_170, %add3A_171 : i32
        %lt3A_173 = arith.constant 40 : i32
        %lt3A_174 = arith.cmpi slt, %add3A_172, %lt3A_173 : i32
        %convert_element_type3A_175 = arith.extui %lt3A_174 : i1 to i32
        %cond3A_176 = arith.constant 0 : i32
        %cond3A_177 = arith.cmpi ne, %convert_element_type3A_175, %cond3A_176 : i32
        scf.if %cond3A_177 {
          %add3A_178 = arith.constant 3 : i32
          %add3A_179 = arith.addi %mul3A_64, %add3A_178 : i32
          %add3A_180 = arith.constant 4 : i32
          %add3A_181 = arith.addi %add3A_179, %add3A_180 : i32
          %dma_start3A_182 = arith.constant 0 : i32
          %dma_start3A_183 = tpu.memref_slice %arg9[%add3A_181, %dma_start3A_182] : memref<120x128xi32, #tpu.memory_space<vmem>> -> memref<1x128xi32, #tpu.memory_space<vmem>>
          %dma_start3A_184 = tpu.memref_squeeze %dma_start3A_183 : memref<1x128xi32, #tpu.memory_space<vmem>> -> memref<128xi32, #tpu.memory_space<vmem>>
          %dma_start3A_185 = arith.constant 0 : i32
          %dma_start3A_186 = arith.constant 0 : i32
          %dma_start3A_187 = tpu.memref_slice %arg5[%dma_start3A_185, %dma_start3A_186] : memref<10240x64xf32, #tpu.memory_space<hbm>> -> memref<10240x64xf32, #tpu.memory_space<hbm>>
          tpu.enqueue_indirect_dma source(%dma_start3A_187 : memref<10240x64xf32, #tpu.memory_space<hbm>>) target(%arg14 : memref<128x64xf32, #tpu.memory_space<vmem>>) offsets(%dma_start3A_184 : memref<128xi32, #tpu.memory_space<vmem>>) semaphore(%arg19 : memref<!tpu.dma_semaphore, #tpu.memory_space<semaphore_mem>>)
        } else {
        }
      }
      %scan3A_61 = arith.constant 10 : i32
    } else {
    }
    %barrier3A_30 = arith.constant 0 : index
    tpu.barrier barrier_id(%barrier3A_30)
    "tpu.region"() ({
      %run_scoped3A = tpu.sem_alloc : memref<!tpu.dma_semaphore, #tpu.memory_space<semaphore_mem>>
      %dma_start3A = arith.constant 0 : i32
      %dma_start3A_31 = tpu.memref_slice %arg8[%arg0, %mul3A_0, %dma_start3A] : memref<2x10240x64xf32, #tpu.memory_space<hbm>> -> memref<1x640x64xf32, #tpu.memory_space<hbm>>
      %dma_start3A_32 = tpu.memref_squeeze %dma_start3A_31 : memref<1x640x64xf32, #tpu.memory_space<hbm>> -> memref<640x64xf32, #tpu.memory_space<hbm>>
      %dma_start3A_33 = arith.constant 0 : i32
      %dma_start3A_34 = tpu.memref_slice %arg15[%mul3A_0, %dma_start3A_33] : memref<10240x64xf32, #tpu.memory_space<vmem_shared>> -> memref<640x64xf32, #tpu.memory_space<vmem_shared>>
      tpu.enqueue_dma source(%dma_start3A_34 : memref<640x64xf32, #tpu.memory_space<vmem_shared>>) target(%dma_start3A_32 : memref<640x64xf32, #tpu.memory_space<hbm>>) target_semaphore(%run_scoped3A : memref<!tpu.dma_semaphore, #tpu.memory_space<semaphore_mem>>)
      %dma_wait3A = arith.constant 0 : i32
      %dma_wait3A_35 = tpu.memref_slice %arg8[%arg0, %mul3A_0, %dma_wait3A] : memref<2x10240x64xf32, #tpu.memory_space<hbm>> -> memref<1x640x64xf32, #tpu.memory_space<hbm>>
      %dma_wait3A_36 = tpu.memref_squeeze %dma_wait3A_35 : memref<1x640x64xf32, #tpu.memory_space<hbm>> -> memref<640x64xf32, #tpu.memory_space<hbm>>
      %dma_wait3A_37 = arith.constant 0 : i32
      %dma_wait3A_38 = tpu.memref_slice %arg15[%mul3A_0, %dma_wait3A_37] : memref<10240x64xf32, #tpu.memory_space<vmem_shared>> -> memref<640x64xf32, #tpu.memory_space<vmem_shared>>
      tpu.wait_dma2 semaphore(%run_scoped3A : memref<!tpu.dma_semaphore, #tpu.memory_space<semaphore_mem>>) src(%dma_wait3A_38 : memref<640x64xf32, #tpu.memory_space<vmem_shared>>) dst(%dma_wait3A_36 : memref<640x64xf32, #tpu.memory_space<hbm>>)
      tpu.yield
    }) : () -> ()
    return
  }
}

module attributes {stable_mosaic.version = 14 : i64} {
  func.func @_prescale_body(%arg0: i32, %arg1: memref<1280x32xf32, #tpu.memory_space<vmem>>, %arg2: memref<1280x128xf32, #tpu.memory_space<vmem>>, %arg3: memref<1280x64xf32, #tpu.memory_space<vmem>>, %arg4: memref<1280x64xf32, #tpu.memory_space<vmem>>, %arg5: memref<1280x128xf32, #tpu.memory_space<vmem>>) attributes {dimension_semantics = [#tpu.dimension_semantics<arbitrary>], iteration_bounds = array<i64: 8>, scalar_prefetch = 0 : i64, scratch_operands = 0 : i64, tpu.core_type = #tpu.core_type<tc>, window_params = [{transform_indices = @transform_0, window_bounds = array<i64: 1280, 32>}, {transform_indices = @transform_1, window_bounds = array<i64: 1280, 128>}, {transform_indices = @transform_2, window_bounds = array<i64: 1280, 64>}, {transform_indices = @transform_3, window_bounds = array<i64: 1280, 64>}, {transform_indices = @transform_4, window_bounds = array<i64: 1280, 128>}]} {
    %get3A = arith.constant 0 : index
    %get3A_0 = arith.constant 0 : index
    %get3A_1 = vector.load %arg1[%get3A, %get3A_0] : memref<1280x32xf32, #tpu.memory_space<vmem>>, vector<1280x32xf32>
    %reduce_sum3A = arith.constant dense<0.000000e+00> : vector<1280xf32>
    %reduce_sum3A_2 = vector.multi_reduction <add>, %get3A_1, %reduce_sum3A [1] : vector<1280x32xf32> to vector<1280xf32>
    %broadcast_in_dim3A = vector.shape_cast %reduce_sum3A_2 : vector<1280xf32> to vector<1280x1xf32>
    %add3A = arith.constant 1.000000e+00 : f32
    %add3A_3 = vector.broadcast %add3A : f32 to vector<1280x1xf32>
    %add3A_4 = arith.addf %add3A_3, %broadcast_in_dim3A : vector<1280x1xf32>
    %rsqrt3A = math.rsqrt %add3A_4 : vector<1280x1xf32>
    %broadcast_in_dim3A_5 = vector.shape_cast %rsqrt3A : vector<1280x1xf32> to vector<1280x1xf32>
    %broadcast_in_dim3A_6 = vector.broadcast %broadcast_in_dim3A_5 : vector<1280x1xf32> to vector<1280x128xf32>
    %swap3A = arith.constant 0 : index
    %swap3A_7 = arith.constant 0 : index
    %swap3A_8 = vector.load %arg5[%swap3A, %swap3A_7] : memref<1280x128xf32, #tpu.memory_space<vmem>>, vector<1280x128xf32>
    tpu.vector_store %arg5[%swap3A, %swap3A_7], %broadcast_in_dim3A_6 {strides = array<i32>} : memref<1280x128xf32, #tpu.memory_space<vmem>>, vector<1280x128xf32>,
    %get3A_9 = arith.constant 0 : index
    %get3A_10 = arith.constant 0 : index
    %get3A_11 = vector.load %arg2[%get3A_9, %get3A_10] : memref<1280x128xf32, #tpu.memory_space<vmem>>, vector<1280x128xf32>
    %mul3A = arith.mulf %get3A_11, %broadcast_in_dim3A_6 : vector<1280x128xf32>
    %slice3A = vector.extract_strided_slice %mul3A {offsets = [0, 0], sizes = [1280, 64], strides = [1, 1]} : vector<1280x128xf32> to vector<1280x64xf32>
    %swap3A_12 = arith.constant 0 : index
    %swap3A_13 = arith.constant 0 : index
    %swap3A_14 = vector.load %arg3[%swap3A_12, %swap3A_13] : memref<1280x64xf32, #tpu.memory_space<vmem>>, vector<1280x64xf32>
    tpu.vector_store %arg3[%swap3A_12, %swap3A_13], %slice3A {strides = array<i32>} : memref<1280x64xf32, #tpu.memory_space<vmem>>, vector<1280x64xf32>,
    %slice3A_15 = vector.extract_strided_slice %mul3A {offsets = [0, 64], sizes = [1280, 64], strides = [1, 1]} : vector<1280x128xf32> to vector<1280x64xf32>
    %swap3A_16 = arith.constant 0 : index
    %swap3A_17 = arith.constant 0 : index
    %swap3A_18 = vector.load %arg4[%swap3A_16, %swap3A_17] : memref<1280x64xf32, #tpu.memory_space<vmem>>, vector<1280x64xf32>
    tpu.vector_store %arg4[%swap3A_16, %swap3A_17], %slice3A_15 {strides = array<i32>} : memref<1280x64xf32, #tpu.memory_space<vmem>>, vector<1280x64xf32>,
    return
  }
  func.func @transform_0(%arg0: i32) -> (i32, i32) {
    %c0_i32 = arith.constant 0 : i32
    %c0_i32_0 = arith.constant 0 : i32
    return %arg0, %c0_i32 : i32, i32
  }
  func.func @transform_1(%arg0: i32) -> (i32, i32) {
    %c0_i32 = arith.constant 0 : i32
    %c0_i32_0 = arith.constant 0 : i32
    return %arg0, %c0_i32 : i32, i32
  }
  func.func @transform_2(%arg0: i32) -> (i32, i32) {
    %c0_i32 = arith.constant 0 : i32
    %c0_i32_0 = arith.constant 0 : i32
    return %arg0, %c0_i32 : i32, i32
  }
  func.func @transform_3(%arg0: i32) -> (i32, i32) {
    %c0_i32 = arith.constant 0 : i32
    %c0_i32_0 = arith.constant 0 : i32
    return %arg0, %c0_i32 : i32, i32
  }
  func.func @transform_4(%arg0: i32) -> (i32, i32) {
    %c0_i32 = arith.constant 0 : i32
    %c0_i32_0 = arith.constant 0 : i32
    return %arg0, %c0_i32 : i32, i32
  }
}

module attributes {stable_mosaic.version = 14 : i64} {
  func.func @_mid_body(%arg0: i32, %arg1: memref<2x1280x64xf32, #tpu.memory_space<vmem>>, %arg2: memref<2x1280x64xf32, #tpu.memory_space<vmem>>, %arg3: memref<1280x64xf32, #tpu.memory_space<vmem>>, %arg4: memref<1280x64xf32, #tpu.memory_space<vmem>>, %arg5: memref<1280x128xf32, #tpu.memory_space<vmem>>, %arg6: memref<128x512xf32, #tpu.memory_space<vmem>>, %arg7: memref<1x512xf32, #tpu.memory_space<vmem>>, %arg8: memref<512x64xf32, #tpu.memory_space<vmem>>, %arg9: memref<1280x64xf32, #tpu.memory_space<vmem>>) attributes {dimension_semantics = [#tpu.dimension_semantics<arbitrary>], iteration_bounds = array<i64: 8>, scalar_prefetch = 0 : i64, scratch_operands = 0 : i64, tpu.core_type = #tpu.core_type<tc>, window_params = [{transform_indices = @transform_0, window_bounds = array<i64: 2, 1280, 64>}, {transform_indices = @transform_1, window_bounds = array<i64: 2, 1280, 64>}, {transform_indices = @transform_2, window_bounds = array<i64: 1280, 64>}, {transform_indices = @transform_3, window_bounds = array<i64: 1280, 64>}, {transform_indices = @transform_4, window_bounds = array<i64: 1280, 128>}, {pipeline_mode = #tpu.pipeline_mode<synchronous>, transform_indices = @transform_5, window_bounds = array<i64: 128, 512>}, {pipeline_mode = #tpu.pipeline_mode<synchronous>, transform_indices = @transform_6, window_bounds = array<i64: 1, 512>}, {pipeline_mode = #tpu.pipeline_mode<synchronous>, transform_indices = @transform_7, window_bounds = array<i64: 512, 64>}, {transform_indices = @transform_8, window_bounds = array<i64: 1280, 64>}]} {
    %get3A = arith.constant 0 : index
    %get3A_0 = arith.constant 0 : index
    %get3A_1 = arith.constant 0 : index
    %get3A_2 = vector.load %arg1[%get3A, %get3A_0, %get3A_1] : memref<2x1280x64xf32, #tpu.memory_space<vmem>>, vector<2x1280x64xf32>
    %get3A_3 = arith.constant 0 : index
    %get3A_4 = arith.constant 0 : index
    %get3A_5 = arith.constant 0 : index
    %get3A_6 = vector.load %arg2[%get3A_3, %get3A_4, %get3A_5] : memref<2x1280x64xf32, #tpu.memory_space<vmem>>, vector<2x1280x64xf32>
    %slice3A = vector.extract_strided_slice %get3A_2 {offsets = [0, 0, 0], sizes = [1, 1280, 64], strides = [1, 1, 1]} : vector<2x1280x64xf32> to vector<1x1280x64xf32>
    %squeeze3A = vector.shape_cast %slice3A : vector<1x1280x64xf32> to vector<1280x64xf32>
    %slice3A_7 = vector.extract_strided_slice %get3A_2 {offsets = [1, 0, 0], sizes = [1, 1280, 64], strides = [1, 1, 1]} : vector<2x1280x64xf32> to vector<1x1280x64xf32>
    %squeeze3A_8 = vector.shape_cast %slice3A_7 : vector<1x1280x64xf32> to vector<1280x64xf32>
    %add3A = arith.addf %squeeze3A, %squeeze3A_8 : vector<1280x64xf32>
    %get3A_9 = arith.constant 0 : index
    %get3A_10 = arith.constant 0 : index
    %get3A_11 = vector.load %arg3[%get3A_9, %get3A_10] : memref<1280x64xf32, #tpu.memory_space<vmem>>, vector<1280x64xf32>
    %add3A_12 = arith.addf %add3A, %get3A_11 : vector<1280x64xf32>
    %slice3A_13 = vector.extract_strided_slice %get3A_6 {offsets = [0, 0, 0], sizes = [1, 1280, 64], strides = [1, 1, 1]} : vector<2x1280x64xf32> to vector<1x1280x64xf32>
    %squeeze3A_14 = vector.shape_cast %slice3A_13 : vector<1x1280x64xf32> to vector<1280x64xf32>
    %slice3A_15 = vector.extract_strided_slice %get3A_6 {offsets = [1, 0, 0], sizes = [1, 1280, 64], strides = [1, 1, 1]} : vector<2x1280x64xf32> to vector<1x1280x64xf32>
    %squeeze3A_16 = vector.shape_cast %slice3A_15 : vector<1x1280x64xf32> to vector<1280x64xf32>
    %add3A_17 = arith.addf %squeeze3A_14, %squeeze3A_16 : vector<1280x64xf32>
    %get3A_18 = arith.constant 0 : index
    %get3A_19 = arith.constant 0 : index
    %get3A_20 = vector.load %arg4[%get3A_18, %get3A_19] : memref<1280x64xf32, #tpu.memory_space<vmem>>, vector<1280x64xf32>
    %add3A_21 = arith.addf %add3A_17, %get3A_20 : vector<1280x64xf32>
    %get3A_22 = arith.constant 0 : index
    %get3A_23 = arith.constant 0 : index
    %get3A_24 = vector.load %arg5[%get3A_22, %get3A_23] : memref<1280x128xf32, #tpu.memory_space<vmem>>, vector<1280x128xf32>
    %concatenate3A = tpu.concatenate %add3A_12, %add3A_21 in 1 : vector<1280x64xf32>, vector<1280x64xf32> -> vector<1280x128xf32>
    %mul3A = arith.mulf %get3A_24, %concatenate3A : vector<1280x128xf32>
    %get3A_25 = arith.constant 0 : index
    %get3A_26 = arith.constant 0 : index
    %get3A_27 = vector.load %arg6[%get3A_25, %get3A_26] : memref<128x512xf32, #tpu.memory_space<vmem>>, vector<128x512xf32>
    %dot_general3A = arith.constant dense<0.000000e+00> : vector<1280x512xf32>
    %dot_general3A_28 = tpu.matmul %mul3A, %get3A_27, %dot_general3A {dimension_numbers = #tpu.dot_dimension_numbers<[1], [0], [0], [1], [0, 0, 1, 1], [], []>, transpose_lhs_hint = false} : vector<1280x128xf32>, vector<128x512xf32>, vector<1280x512xf32> -> vector<1280x512xf32>
    %get3A_29 = arith.constant 0 : index
    %get3A_30 = arith.constant 0 : index
    %get3A_31 = vector.load %arg7[%get3A_29, %get3A_30] : memref<1x512xf32, #tpu.memory_space<vmem>>, vector<1x512xf32>
    %add3A_32 = vector.broadcast %get3A_31 : vector<1x512xf32> to vector<1280x512xf32>
    %add3A_33 = arith.addf %dot_general3A_28, %add3A_32 : vector<1280x512xf32>
    %max3A = arith.constant 0.000000e+00 : f32
    %max3A_34 = vector.broadcast %max3A : f32 to vector<1280x512xf32>
    %max3A_35 = arith.maximumf %add3A_33, %max3A_34 : vector<1280x512xf32>
    %get3A_36 = arith.constant 0 : index
    %get3A_37 = arith.constant 0 : index
    %get3A_38 = vector.load %arg8[%get3A_36, %get3A_37] : memref<512x64xf32, #tpu.memory_space<vmem>>, vector<512x64xf32>
    %dot_general3A_39 = arith.constant dense<0.000000e+00> : vector<1280x64xf32>
    %dot_general3A_40 = tpu.matmul %max3A_35, %get3A_38, %dot_general3A_39 {dimension_numbers = #tpu.dot_dimension_numbers<[1], [0], [0], [1], [0, 0, 1, 1], [], []>, transpose_lhs_hint = false} : vector<1280x512xf32>, vector<512x64xf32>, vector<1280x64xf32> -> vector<1280x64xf32>
    %slice3A_41 = vector.extract_strided_slice %get3A_24 {offsets = [0, 0], sizes = [1280, 64], strides = [1, 1]} : vector<1280x128xf32> to vector<1280x64xf32>
    %mul3A_42 = arith.mulf %dot_general3A_40, %slice3A_41 : vector<1280x64xf32>
    %swap3A = arith.constant 0 : index
    %swap3A_43 = arith.constant 0 : index
    %swap3A_44 = vector.load %arg9[%swap3A, %swap3A_43] : memref<1280x64xf32, #tpu.memory_space<vmem>>, vector<1280x64xf32>
    tpu.vector_store %arg9[%swap3A, %swap3A_43], %mul3A_42 {strides = array<i32>} : memref<1280x64xf32, #tpu.memory_space<vmem>>, vector<1280x64xf32>,
    return
  }
  func.func @transform_0(%arg0: i32) -> (i32, i32, i32) {
    %c0_i32 = arith.constant 0 : i32
    %c0_i32_0 = arith.constant 0 : i32
    %c0_i32_1 = arith.constant 0 : i32
    return %c0_i32, %arg0, %c0_i32_0 : i32, i32, i32
  }
  func.func @transform_1(%arg0: i32) -> (i32, i32, i32) {
    %c0_i32 = arith.constant 0 : i32
    %c0_i32_0 = arith.constant 0 : i32
    %c0_i32_1 = arith.constant 0 : i32
    return %c0_i32, %arg0, %c0_i32_0 : i32, i32, i32
  }
  func.func @transform_2(%arg0: i32) -> (i32, i32) {
    %c0_i32 = arith.constant 0 : i32
    %c0_i32_0 = arith.constant 0 : i32
    return %arg0, %c0_i32 : i32, i32
  }
  func.func @transform_3(%arg0: i32) -> (i32, i32) {
    %c0_i32 = arith.constant 0 : i32
    %c0_i32_0 = arith.constant 0 : i32
    return %arg0, %c0_i32 : i32, i32
  }
  func.func @transform_4(%arg0: i32) -> (i32, i32) {
    %c0_i32 = arith.constant 0 : i32
    %c0_i32_0 = arith.constant 0 : i32
    return %arg0, %c0_i32 : i32, i32
  }
  func.func @transform_5(%arg0: i32) -> (i32, i32) {
    %c0_i32 = arith.constant 0 : i32
    %c0_i32_0 = arith.constant 0 : i32
    %c0_i32_1 = arith.constant 0 : i32
    return %c0_i32, %c0_i32_0 : i32, i32
  }
  func.func @transform_6(%arg0: i32) -> (i32, i32) {
    %c0_i32 = arith.constant 0 : i32
    %c0_i32_0 = arith.constant 0 : i32
    %c0_i32_1 = arith.constant 0 : i32
    return %c0_i32, %c0_i32_0 : i32, i32
  }
  func.func @transform_7(%arg0: i32) -> (i32, i32) {
    %c0_i32 = arith.constant 0 : i32
    %c0_i32_0 = arith.constant 0 : i32
    %c0_i32_1 = arith.constant 0 : i32
    return %c0_i32, %c0_i32_0 : i32, i32
  }
  func.func @transform_8(%arg0: i32) -> (i32, i32) {
    %c0_i32 = arith.constant 0 : i32
    %c0_i32_0 = arith.constant 0 : i32
    return %arg0, %c0_i32 : i32, i32
  }
}

module attributes {stable_mosaic.version = 14 : i64} {
  func.func @_final_body(%arg0: i32, %arg1: memref<2x1280x64xf32, #tpu.memory_space<vmem>>, %arg2: memref<1280x64xf32, #tpu.memory_space<vmem>>, %arg3: memref<1280x128xf32, #tpu.memory_space<vmem>>, %arg4: memref<1x64xf32, #tpu.memory_space<vmem>>, %arg5: memref<1280x64xf32, #tpu.memory_space<vmem>>) attributes {dimension_semantics = [#tpu.dimension_semantics<arbitrary>], iteration_bounds = array<i64: 8>, scalar_prefetch = 0 : i64, scratch_operands = 0 : i64, tpu.core_type = #tpu.core_type<tc>, window_params = [{transform_indices = @transform_0, window_bounds = array<i64: 2, 1280, 64>}, {transform_indices = @transform_1, window_bounds = array<i64: 1280, 64>}, {transform_indices = @transform_2, window_bounds = array<i64: 1280, 128>}, {pipeline_mode = #tpu.pipeline_mode<synchronous>, transform_indices = @transform_3, window_bounds = array<i64: 1, 64>}, {transform_indices = @transform_4, window_bounds = array<i64: 1280, 64>}]} {
    %get3A = arith.constant 0 : index
    %get3A_0 = arith.constant 0 : index
    %get3A_1 = arith.constant 0 : index
    %get3A_2 = vector.load %arg1[%get3A, %get3A_0, %get3A_1] : memref<2x1280x64xf32, #tpu.memory_space<vmem>>, vector<2x1280x64xf32>
    %get3A_3 = arith.constant 0 : index
    %get3A_4 = arith.constant 0 : index
    %get3A_5 = vector.load %arg3[%get3A_3, %get3A_4] : memref<1280x128xf32, #tpu.memory_space<vmem>>, vector<1280x128xf32>
    %slice3A = vector.extract_strided_slice %get3A_5 {offsets = [0, 0], sizes = [1280, 64], strides = [1, 1]} : vector<1280x128xf32> to vector<1280x64xf32>
    %slice3A_6 = vector.extract_strided_slice %get3A_2 {offsets = [0, 0, 0], sizes = [1, 1280, 64], strides = [1, 1, 1]} : vector<2x1280x64xf32> to vector<1x1280x64xf32>
    %squeeze3A = vector.shape_cast %slice3A_6 : vector<1x1280x64xf32> to vector<1280x64xf32>
    %slice3A_7 = vector.extract_strided_slice %get3A_2 {offsets = [1, 0, 0], sizes = [1, 1280, 64], strides = [1, 1, 1]} : vector<2x1280x64xf32> to vector<1x1280x64xf32>
    %squeeze3A_8 = vector.shape_cast %slice3A_7 : vector<1x1280x64xf32> to vector<1280x64xf32>
    %add3A = arith.addf %squeeze3A, %squeeze3A_8 : vector<1280x64xf32>
    %get3A_9 = arith.constant 0 : index
    %get3A_10 = arith.constant 0 : index
    %get3A_11 = vector.load %arg2[%get3A_9, %get3A_10] : memref<1280x64xf32, #tpu.memory_space<vmem>>, vector<1280x64xf32>
    %add3A_12 = arith.addf %add3A, %get3A_11 : vector<1280x64xf32>
    %mul3A = arith.mulf %slice3A, %add3A_12 : vector<1280x64xf32>
    %get3A_13 = arith.constant 0 : index
    %get3A_14 = arith.constant 0 : index
    %get3A_15 = vector.load %arg4[%get3A_13, %get3A_14] : memref<1x64xf32, #tpu.memory_space<vmem>>, vector<1x64xf32>
    %add3A_16 = vector.broadcast %get3A_15 : vector<1x64xf32> to vector<1280x64xf32>
    %add3A_17 = arith.addf %mul3A, %add3A_16 : vector<1280x64xf32>
    %mul3A_18 = arith.constant 5.000000e+00 : f32
    %mul3A_19 = vector.broadcast %mul3A_18 : f32 to vector<1280x64xf32>
    %mul3A_20 = arith.mulf %add3A_17, %mul3A_19 : vector<1280x64xf32>
    %reduce_max3A = arith.constant dense<0xFF800000> : vector<1280xf32>
    %reduce_max3A_21 = vector.multi_reduction <maximumf>, %mul3A_20, %reduce_max3A [1] : vector<1280x64xf32> to vector<1280xf32>
    %broadcast_in_dim3A = vector.shape_cast %reduce_max3A_21 : vector<1280xf32> to vector<1280x1xf32>
    %sub3A = vector.broadcast %broadcast_in_dim3A : vector<1280x1xf32> to vector<1280x64xf32>
    %sub3A_22 = arith.subf %mul3A_20, %sub3A : vector<1280x64xf32>
    %exp3A = math.exp %sub3A_22 : vector<1280x64xf32>
    %reduce_sum3A = arith.constant dense<0.000000e+00> : vector<1280xf32>
    %reduce_sum3A_23 = vector.multi_reduction <add>, %exp3A, %reduce_sum3A [1] : vector<1280x64xf32> to vector<1280xf32>
    %broadcast_in_dim3A_24 = vector.shape_cast %reduce_sum3A_23 : vector<1280xf32> to vector<1280x1xf32>
    %log3A = math.log %broadcast_in_dim3A_24 : vector<1280x1xf32>
    %sub3A_25 = vector.broadcast %broadcast_in_dim3A : vector<1280x1xf32> to vector<1280x64xf32>
    %sub3A_26 = arith.subf %mul3A_20, %sub3A_25 : vector<1280x64xf32>
    %sub3A_27 = vector.broadcast %log3A : vector<1280x1xf32> to vector<1280x64xf32>
    %sub3A_28 = arith.subf %sub3A_26, %sub3A_27 : vector<1280x64xf32>
    %swap3A = arith.constant 0 : index
    %swap3A_29 = arith.constant 0 : index
    %swap3A_30 = vector.load %arg5[%swap3A, %swap3A_29] : memref<1280x64xf32, #tpu.memory_space<vmem>>, vector<1280x64xf32>
    tpu.vector_store %arg5[%swap3A, %swap3A_29], %sub3A_28 {strides = array<i32>} : memref<1280x64xf32, #tpu.memory_space<vmem>>, vector<1280x64xf32>,
    return
  }
  func.func @transform_0(%arg0: i32) -> (i32, i32, i32) {
    %c0_i32 = arith.constant 0 : i32
    %c0_i32_0 = arith.constant 0 : i32
    %c0_i32_1 = arith.constant 0 : i32
    return %c0_i32, %arg0, %c0_i32_0 : i32, i32, i32
  }
  func.func @transform_1(%arg0: i32) -> (i32, i32) {
    %c0_i32 = arith.constant 0 : i32
    %c0_i32_0 = arith.constant 0 : i32
    return %arg0, %c0_i32 : i32, i32
  }
  func.func @transform_2(%arg0: i32) -> (i32, i32) {
    %c0_i32 = arith.constant 0 : i32
    %c0_i32_0 = arith.constant 0 : i32
    return %arg0, %c0_i32 : i32, i32
  }
  func.func @transform_3(%arg0: i32) -> (i32, i32) {
    %c0_i32 = arith.constant 0 : i32
    %c0_i32_0 = arith.constant 0 : i32
    %c0_i32_1 = arith.constant 0 : i32
    return %c0_i32, %c0_i32_0 : i32, i32
  }
  func.func @transform_4(%arg0: i32) -> (i32, i32) {
    %c0_i32 = arith.constant 0 : i32
    %c0_i32_0 = arith.constant 0 : i32
    return %arg0, %c0_i32 : i32, i32
  }
}

</mosaic_0001>

<sc_bundles>
// kernel: kernel.11.cloned.1.call-start
scs
__scs_entry_jumppad:
0x0: {  	(pc) =	sbr.rel $0x88, $3  }
0x1: {  	(tag) =	ssettag $0x0;
	lr =	simm.s32 $0x1  }
0x2: {  	[smem:$0x3F9B] =	sst lr;
	_ =	strace $0xD0000000  }
0x3: {  	_ = 	snop  }
0x4: {  	_ = 	snop  }
0x5: {  	_ = 	snop  }
0x6: {  	_ = 	snop  }
0x7: {  	_ = 	snop  }
__scs_overlays_trampoline_lowered:
0x8: {  	[smem:$0x3FAA] =	sst s0  }
0x9: {  	[smem:$0x3FAB] =	sst s1  }
0xa: {  	[smem:$0x3FAC] =	sst s2  }
0xb: {  	[smem:$0x3FAD] =	sst s3  }
0xc: {  	[smem:$0x3FAE] =	sst s4  }
0xd: {  	[smem:$0x3FAF] =	sst s5  }
0xe: {  	[smem:$0x3FB0] =	sst s6  }
0xf: {  	[smem:$0x3FB1] =	sst s7  }
0x10: {  	[smem:$0x3FB2] =	sst s8  }
0x11: {  	[smem:$0x3FB3] =	sst s9;
	s0 =	simm.s32 @!p0 $0x0  }
0x12: {  	s1 =	sld [smem:$0x3F99];
	s0 =	simm.s32 @p0 $0x1  }
0x13: {  	[smem:$0x3FB4] =	sst s0;
	s0 =	simm.s32 @!p1 $0x0  }
0x14: {  	s2 =	sld [smem:$0x3F98];
	s0 =	simm.s32 @p1 $0x1  }
0x15: {  	[smem:$0x3FB5] =	sst s0;
	s0 =	simm.s32 @!p2 $0x0  }
0x16: {  	s3 =	sld [smem:$0x3FDB];
	s0 =	simm.s32 @p2 $0x1  }
0x17: {  	s4 =	simm.s32 $0x1BF5;
	[smem:$0x3FB7] =	sst s0  }
0x18: {  	s0 =	sld [smem:$0x3F9A];
	_ =	swait.ge [sflag:s4], $0x0  }
0x19: {  	s7 =	sld [smem:$0x3F9B]  }
0x1a: {  	s8 =	sadd.s32 $0xFFFFE003, lr  }
0x1b: {  	s9 =	sadd.s32 $0xFFFFFEF7, lr;
	s5 =	simm.s32 $0xFFFFFFFF;
	p2 =	slt.u32 s8, $0xFFFFF086  }
0x1c: {  	p1 =	slt.u32 s9, $0xF7A;
	s5 =	simm.s32 @!p2 $0x0  }
0x1d: {  	s5 =	simm.s32 @p1 $0x1;
	p0 =	seq.s32 s7, s2  }
0x1e: {  	s7 =	smul.u32 @!p0 $0xF7A, s2;
	p2 =	seq.s32 @!p0 s5, $0x0  }
0x1f: {  	s9 =	smul.u32 $0xF7A, s1;
	s8 =	simm.s32 @!p0 $0x1BF5;
	p2 =	por !p2, p0  }
0x20: {  	[sflag:s8] =	ssyncset.s32 @!p0 $0xFFFFF086;
	s6 =	sadd.s32 @!p0 s3, s7;
	s7 =	simm.s32 @!p0 $0x108  }
0x21: {  	s3 =	sadd.s32 s3, s9;
	s6 =	sadd.s32 @!p0 $0x88, s6;
	s7 =	simm.s32 @p2 $0x1082  }
0x22: {  	[simem:s7], [sflag:s8] =	dma.local @!p0 [hbm:s6], $0xF7A  }
0x23: {  	s9 =	sor.u32 $0xD0000000, s2;
	s6 =	simm.s32 $0x108;
	_ =	swait.ge @!p0 [sflag:s8], $0x0  }
0x24: {  	s3 =	sadd.s32 $0x88, s3;
	s6 =	simm.s32 @!p1 $0x1082;
	[sflag:s4] =	ssyncset.s32 $0xFFFFF086  }
0x25: {  	[simem:s6], [sflag:s4] =	dma.local [hbm:s3], $0xF7A  }
0x26: {  	[smem:$0x3F9B] =	sst s1;
	(tag) =	ssettag s2;
	_ =	strace s9  }
0x27: {  	s1 =	sld [smem:$0x3FAB]  }
0x28: {  	s2 =	sld [smem:$0x3FAC]  }
0x29: {  	s4 =	sld [smem:$0x3FAE]  }
0x2a: {  	p0 =	seq.s32 s5, $0x0;
	s5 =	sld [smem:$0x3FAF]  }
0x2b: {  	s6 =	sld [smem:$0x3FB0]  }
0x2c: {  	s7 =	sld [smem:$0x3FB1]  }
0x2d: {  	s3 =	simm.s32 $0x108;
	s8 =	sld [smem:$0x3FB2]  }
0x2e: {  	s3 =	simm.s32 @!p0 $0x1082;
	s9 =	sld [smem:$0x3FB3]  }
0x2f: {  	lr =	sadd.s32 s0, s3;
	s0 =	sld [smem:$0x3FAA]  }
0x30: {  	s3 =	sld [smem:$0x3FAD]  }
0x31: {  	[smem:$0x3FB6] =	sst s10  }
0x32: {  	s10 =	sld [smem:$0x3FB4];
	_ =	sdelay $0x3  }
0x33: {  	p0 =	seq.s32 s10, $0x1;
	s10 =	sld [smem:$0x3FB6];
	_ =	sdelay $0x3  }
0x34: {  	[smem:$0x3FB6] =	sst s10  }
0x35: {  	s10 =	sld [smem:$0x3FB5];
	_ =	sdelay $0x3  }
0x36: {  	p1 =	seq.s32 s10, $0x1;
	s10 =	sld [smem:$0x3FB6];
	_ =	sdelay $0x3  }
0x37: {  	[smem:$0x3FB6] =	sst s10  }
0x38: {  	s10 =	sld [smem:$0x3FB7]  }
0x39: {  	_ = 	snop;
	(pc) =	sbr.ind lr, $3  }
0x3a: {  	_ = 	snop  }
0x3b: {  	_ = 	snop  }
0x3c: {  	p2 =	seq.s32 s10, $0x1;
	s10 =	sld [smem:$0x3FB6]  }
0x3d: {  	_ =	shalt  }
0x3e: {  	_ =	shalt  }
0x3f: {  	_ =	shalt  }
0x40: {  	_ =	shalt  }
0x41: {  	_ =	shalt  }
0x42: {  	_ =	shalt  }
0x43: {  	_ =	shalt  }
0x44: {  	_ =	shalt  }
0x45: {  	_ =	shalt  }
0x46: {  	_ =	shalt  }
0x47: {  	_ =	shalt  }
0x48: {  	_ =	shalt  }
0x49: {  	_ =	shalt  }
0x4a: {  	_ =	shalt  }
0x4b: {  	_ =	shalt  }
0x4c: {  	_ =	shalt  }
0x4d: {  	_ =	shalt  }
0x4e: {  	_ =	shalt  }
0x4f: {  	_ =	shalt  }
0x50: {  	_ =	shalt  }
0x51: {  	_ =	shalt  }
0x52: {  	_ =	shalt  }
0x53: {  	_ =	shalt  }
0x54: {  	_ =	shalt  }
0x55: {  	_ =	shalt  }
0x56: {  	_ =	shalt  }
0x57: {  	_ =	shalt  }
0x58: {  	_ =	shalt  }
0x59: {  	_ =	shalt  }
0x5a: {  	_ =	shalt  }
0x5b: {  	_ =	shalt  }
0x5c: {  	_ =	shalt  }
0x5d: {  	_ =	shalt  }
0x5e: {  	_ =	shalt  }
0x5f: {  	_ =	shalt  }
0x60: {  	_ =	shalt  }
0x61: {  	_ =	shalt  }
0x62: {  	_ =	shalt  }
0x63: {  	_ =	shalt  }
0x64: {  	_ =	shalt  }
0x65: {  	_ =	shalt  }
0x66: {  	_ =	shalt  }
0x67: {  	_ =	shalt  }
0x68: {  	_ =	shalt  }
0x69: {  	_ =	shalt  }
0x6a: {  	_ =	shalt  }
0x6b: {  	_ =	shalt  }
0x6c: {  	_ =	shalt  }
0x6d: {  	_ =	shalt  }
0x6e: {  	_ =	shalt  }
0x6f: {  	_ =	shalt  }
0x70: {  	_ =	shalt  }
0x71: {  	_ =	shalt  }
0x72: {  	_ =	shalt  }
0x73: {  	_ =	shalt  }
0x74: {  	_ =	shalt  }
0x75: {  	_ =	shalt  }
0x76: {  	_ =	shalt  }
0x77: {  	_ =	shalt  }
0x78: {  	_ =	shalt  }
0x79: {  	_ =	shalt  }
0x7a: {  	_ =	shalt  }
0x7b: {  	_ =	shalt  }
0x7c: {  	_ =	shalt  }
0x7d: {  	_ =	shalt  }
0x7e: {  	_ =	shalt  }
0x7f: {  	_ =	shalt  }
0x80: {  	_ =	shalt  }
0x81: {  	_ =	shalt  }
0x82: {  	_ =	shalt  }
0x83: {  	_ =	shalt  }
0x84: {  	_ =	shalt  }
0x85: {  	_ =	shalt  }
0x86: {  	_ =	shalt  }
0x87: {  	_ =	shalt  }
.Lfunc_end0:
.L_simem_size_0:
called_computation.1_lowered:
.L_overlay_start_0:
0x88: {  	s2 =	sld [smem:$0x3FD9]  }
0x89: {  	s3 =	sld [smem:$0x3FFE];
	_ =	sdelay $0x1  }
0x8a: {  	s1 =	srdreg.scid  }
0x8b: {  	s0 =	sand.u32 $0x1, s1  }
0x8c: {  	s17 =	sshll.u32 s0, $0xA;
	s2 =	sadd.s32 s3, s2  }
0x8d: {  	s2 =	sadd.s32 s2, s17  }
0x8e: {  	[smem:$0x3FC2] =	sst s2  }
0x8f: {  	_ = 	snop  }
0x90: {  	s2 =	sld [smem:$0x3FD0];
	(tm) =	ssettm $0x1  }
0x91: {  	s18 =	sld [smem:$0x3FFB];
	_ =	sdelay $0x3  }
0x92: {  	_ =	strace s18  }
0x93: {  	s3 =	sld [smem:$0x3FFC];
	_ =	sdelay $0x3  }
0x94: {  	_ =	strace s3  }
0x95: {  	s3 =	sld [smem:$0x3FFD];
	_ =	sdelay $0x3  }
0x96: {  	_ =	strace s3  }
0x97: {  	_ =	strace $0x8FFFFFFF  }
0x98: {  	s19 =	sld [smem:$0x3FDB];
	_ =	sdelay $0x1  }
0x99: {  	s4 =	simm.s32 $_scs_section_size  }
0x9a: {  	s5 =	simm.s32 $_size__tile_overlayer_lowered;
	s6 =	simm.s32 $_tile_overlayer_lowered  }
0x9b: {  	s22 =	simm.s32 $0x1BFF;
	s21 =	sshll.u32 s6, $0x1;
	s3 =	sadd.s32 s4, s19  }
0x9c: {  	s7 =	simm.s32 $0x0;
	s20 =	sshll.u32 s5, $0x1;
	s5 =	sadd.s32 s21, s3  }
0x9d: {  	[timem:s7], [sflag:s22] =	dma.local [hbm:s5], s20  }
0x9e: {  	_ =	swait.ge [sflag:s22], s20  }
0x9f: {  	s4 =	ssub.s32 $0x0, s20;
	[sflag:s22] =	ssyncset.done $0x0  }
0xa0: {  	[sflag:s22] =	ssyncadd.s32 s4;
	_ =	sdelay $0x1  }
0xa1: {  	s23 =	simm.s32 $0x1B8B  }
0xa2: {  	_ =	swait.ge [sflag:s23], $0x1  }
0xa3: {  	[sflag:s23] =	ssyncset.done $0x0  }
0xa4: {  	s25 =	simm.s32 $0x1B8E;
	s24 =	sld [smem:$0x3FFE];
	[sflag:s23] =	ssyncadd.s32 $0xFFFFFFFF  }
0xa5: {  	s26 =	simm.s32 $execute0_lowered;
	[smem:$0x3FD2] =	sst s25  }
0xa6: {  	s5 =	sshll.u32 s26, $0x1;
	_ =	strace $0x80000049;
	[dreg:$0x1] =	wrdreg $0xFFFFFFFF  }
0xa7: {  	s28 =	simm.s32 $_size_execute0_lowered;
	s3 =	sadd.s32 s3, s5;
	[dreg:$0x0] =	wrdreg $0x0  }
0xa8: {  	s5 =	sshll.u32 s28, $0x1;
	[dreg:$0x2] =	wrdreg s3  }
0xa9: {  	[dreg:$0x3] =	wrdreg s5  }
0xaa: {  	[dreg:$0x4] =	wrdreg $0xC0  }
0xab: {  	_ =	task [dreg:s7], $0x5FFFF  }
0xac: {  	[dreg:$0x1] =	wrdreg $0xFFFFFFFF  }
0xad: {  	[dreg:$0x0] =	wrdreg $0x60  }
0xae: {  	[dreg:$0x2] =	wrdreg s2  }
0xaf: {  	[dreg:$0x3] =	wrdreg s24  }
0xb0: {  	[dreg:$0x4] =	wrdreg $0xF8000  }
0xb1: {  	[dreg:$0x5] =	wrdreg $0x9  }
0xb2: {  	_ =	task.clear_ibuf [dreg:s7], $0x6FFFF;
	_ =	strace $0x90000049  }
0xb3: {  	s29 =	simm.s32 $0x9;
	_ =	strace $0x8000004B  }
0xb4: {  	_ =	swait.ge [sflag:s29], $0x1  }
0xb5: {  	[sflag:s29] =	ssyncadd.s32 $0xFFFFFFFF  }
0xb6: {  	_ =	strace $0x9000004B  }
0xb7: {  	_ =	sfence  }
0xb8: {  	s30 =	sld [smem:$0x0];
	_ =	sdelay $0x2  }
0xb9: {  	s31 =	sshll.u32 s1, $0xD;
	s1 =	sshrl.u32 s1, $0x2  }
0xba: {  	s3 =	sand.u32 $0x4000, s31;
	s1 =	sadd.s32 s1, s30  }
0xbb: {  	s0 =	sor.u32 s3, s0;
	s1 =	sshll.u32 s1, $0x11  }
0xbc: {  	s0 =	sor.u32 s1, s0  }
0xbd: {  	s0 =	sadd.s32 $0x8F2B, s0  }
0xbe: {  	[sflag:s0] =	ssyncadd.remote.s32 $0x1  }
0xbf: {  	_ =	sfence.sel $0xFFFF  }
0xc0: {  	[dreg:$0x0] =	wrdreg $0xFFFFFFFF;
	(pc) =	sbr.abs _section_cstart, $3  }
0xc1: {  	[dreg:$0x1] =	wrdreg $0xFFFFFFFF  }
0xc2: {  	_ =	task.clear_ibuf [dreg:s7], $0x2FFFF;
	_ =	strace $0x9FFFFFFF  }
0xc3: {  	(tm) =	ssettm $0x7FFFFFFF  }
tec
execute0_lowered:
.L_overlay_start_1:
0x0: {  	(tag) =	ssettag $0x1  }
0x1: {  	s0 =	rddreg [dreg:$0x0]  }
0x2: {  	s1 =	rddreg [dreg:$0x1]  }
0x3: {  	s2 =	rddreg [dreg:$0x2]  }
0x4: {  	s4 =	simm.s32 $0x0;
	s14 =	stileid.u32;
	s3 =	srdreg.scid  }
0x5: {  	s16 =	simm.s32 $0x9;
	s17 =	simm.s32 $0x80;
	s18 =	simm.s32 $0x7800  }
0x6: {  	s19 =	simm.s32 $0x9800;
	s20 =	simm.s32 $0x100;
	s21 =	simm.s32 $0xB800  }
0x7: {  	s28 =	simm.s32 $0x4;
	s29 =	simm.s32 $0x5;
	s30 =	simm.s32 $0x6  }
0x8: {  	s31 =	simm.s32 $0x7;
	[smem:$0x7FF] =	sst s4;
	s6 =	smul.u32 $0xA000, s14  }
0x9: {  	s3 =	sand.u32 $0x1, s3;
	s8 =	sadd.s32 $0x1E00, s1;
	s10 =	smul.u32 $0x1400, s14  }
0xa: {  	s4 =	sadd.s32 $0xBE00, s1;
	s5 =	sadd.s32 $0x1FE00, s1;
	s13 =	smul.u32 $0x780, s14  }
0xb: {  	s26 =	sshll.u32 s14, $0x6;
	_ =	strace $0x8000004A;
	s7 =	smul.u32 $0xA0000, s3  }
0xc: {  	s22 =	ssub.s32 $0x2, s3;
	p0 =	sne.s32 s3, $0x0;
	s14 =	sor.u32 $0x1C09, s26  }
0xd: {  	s26 =	simm.s32 $0x3;
	s9 =	sshrl.u32 s6, $0x3;
	s12 =	sshrl.u32 s22, $0x1  }
0xe: {  	s10 =	sshrl.u32 s10, $0x3;
	s25 =	sadd.s32 s6, s2;
	s7 =	sadd.s32 s6, s7  }
0xf: {  	s11 =	sadd.s32 s9, s1;
	s23 =	ssub.s32 s22, s12;
	s24 =	sadd.s32 $0x7800, s10  }
0x10: {  	s15 =	sshrl.u32 s25, $0x3;
	s22 =	simm.s32 $0x180;
	s25 =	simm.s32 $0x2  }
0x11: {  	s7 =	sshrl.u32 s7, $0x3;
	s10 =	sadd.s32 s0, s24;
	s9 =	sadd.s32 s8, s24  }
.Ltmp0:
0x12: {  	s0 =	sadd.s32 s0, s13;
	[dreg:$0x4] =	wrdreg s10;
	(pc) =	sbr.rel .LBB2_1-.Ltmp0, $4  }
0x13: {  	s24 =	simm.s32 $0x1;
	s1 =	sadd.s32 s7, s1;
	[dreg:$0x5] =	wrdreg s9  }
0x14: {  	[dreg:$0x6] =	wrdreg s0;
	s9 =	sadd.s32 s8, s13;
	s10 =	sadd.s32 $0x33E00, s11  }
0x15: {  	s13 =	smax.u32 s23, $0x1;
	s23 =	simm.s32 $0xD800;
	s0 =	simm.s32 $0x8  }
0x16: {  	s11 =	sadd.s32 $0x6FE00, s1;
	s12 =	sadd.s32 $0x47E00, s1;
	s1 =	simm.s32 $0x0  }
.LBB2_11:
0x17: {  	[tilespmem:s23], [sflag:$0x4] =	stream.indirect.gather [hbm4b:s5+s17], $0x40, s6, s17, $0xb8;
	[tilespmem:$0x19800] =	vst v63  }
0x18: {  	s3 =	simm.s32 $0x7780  }
0x19: {  	s6 =	simm.s32 $0x7700;
	s7 =	simm.s32 $0x7680;
	s8 =	simm.s32 $0x7600  }
.LBB2_15:
0x1a: {  	_ =	swait.ge [sflag:s24], $0x2000  }
0x1b: {  	[sflag:s24] =	ssyncset.done $0x0  }
0x1c: {  	[sflag:s24] =	ssyncadd.s32 $0xFFFFE000  }
0x1d: {  	[spmem:s2] =	stream.indirect.scatter.add.f32 [tilespmem:s18], [sflag:$0x5], $0x40, s8, s17, $0xb8;
	[tilespmem:$0x19800] =	vst v63  }
0x1e: {  	_ =	swait.ge [sflag:s25], $0x2000  }
0x1f: {  	[sflag:s25] =	ssyncset.done $0x0  }
0x20: {  	[sflag:s25] =	ssyncadd.s32 $0xFFFFE000  }
0x21: {  	[spmem:s2] =	stream.indirect.scatter.add.f32 [tilespmem:s19], [sflag:$0x6], $0x40, s7, s17, $0xb8;
	[tilespmem:$0x19800] =	vst v63  }
0x22: {  	_ =	swait.ge [sflag:s26], $0x2000  }
0x23: {  	[sflag:s26] =	ssyncset.done $0x0  }
0x24: {  	[sflag:s26] =	ssyncadd.s32 $0xFFFFE000  }
0x25: {  	[spmem:s2] =	stream.indirect.scatter.add.f32 [tilespmem:s21], [sflag:$0x7], $0x40, s6, s17, $0xb8;
	[tilespmem:$0x19800] =	vst v63  }
0x26: {  	_ =	swait.ge [sflag:s28], $0x2000  }
0x27: {  	[sflag:s28] =	ssyncset.done $0x0  }
0x28: {  	[sflag:s28] =	ssyncadd.s32 $0xFFFFE000  }
0x29: {  	[spmem:s2] =	stream.indirect.scatter.add.f32 [tilespmem:s23], [sflag:$0x8], $0x40, s3, s17, $0xb8;
	[tilespmem:$0x19800] =	vst v63  }
0x2a: {  	_ =	swait.ge [sflag:s29], $0x2000  }
0x2b: {  	[sflag:s29] =	ssyncset.done $0x0  }
0x2c: {  	[sflag:s29] =	ssyncadd.s32 $0xFFFFE000  }
0x2d: {  	_ =	swait.ge [sflag:s30], $0x2000  }
0x2e: {  	[sflag:s30] =	ssyncset.done $0x0  }
0x2f: {  	[sflag:s30] =	ssyncadd.s32 $0xFFFFE000  }
0x30: {  	_ =	swait.ge [sflag:s31], $0x2000  }
0x31: {  	[sflag:s31] =	ssyncset.done $0x0  }
0x32: {  	[sflag:s31] =	ssyncadd.s32 $0xFFFFE000  }
0x33: {  	_ =	swait.ge [sflag:s0], $0x2000  }
0x34: {  	s1 =	sadd.s32 $0x1, s1;
	[sflag:s0] =	ssyncset.done $0x0  }
0x35: {  	p1 =	sne.s32 s1, s13;
	[sflag:s0] =	ssyncadd.s32 $0xFFFFE000  }
.Ltmp1:
0x36: {  	[bflag:$0x0] =	sbarrier.arrive $0xFFFF;
	(pc) =	sbr.rel @!p1 .LBB2_16-.Ltmp1, $4  }
0x37: {  	[hbm:s12], [sflag:s14] =	dma.local [spmem:s15], $0x1400  }
0x38: {  	_ =	swait.ge [sflag:s16], $0x1400  }
0x39: {  	[sflag:s16] =	ssyncset.done $0x0  }
0x3a: {  	[sflag:s16] =	ssyncadd.s32 $0xFFFFEC00  }
.LBB2_1:
0x3b: {  	s3 =	simm.s32 @p0 $0x0;
	s6 =	rddreg [dreg:$0x4]  }
0x3c: {  	[tilespmem:s3], [sflag:$0x9] =	stream.linear.gather @p0 [hbm4b:s6+s3], $0x1400, $0x38;
	[tilespmem:$0x19800] =	vst v63  }
0x3d: {  	s6 =	simm.s32 @p0 $0x9  }
0x3e: {  	_ =	swait.ge @p0 [sflag:s6], $0x1400  }
0x3f: {  	[sflag:s6] =	ssyncset.done @p0 $0x0  }
0x40: {  	s7 =	simm.s32 @p0 $0x3C00;
	s8 =	rddreg [dreg:$0x5];
	[sflag:s6] =	ssyncadd.s32 @p0 $0xFFFFEC00  }
0x41: {  	[tilespmem:s7], [sflag:$0x9] =	stream.linear.gather @p0 [hbm4b:s8+s3], $0x1400, $0x38;
	[tilespmem:$0x19800] =	vst v63  }
0x42: {  	_ =	swait.ge @p0 [sflag:s6], $0x1400  }
0x43: {  	[sflag:s6] =	ssyncset.done @p0 $0x0  }
0x44: {  	s3 =	simm.s32 @!p0 $0x0;
	[sflag:s6] =	ssyncadd.s32 @p0 $0xFFFFEC00;
	s6 =	rddreg [dreg:$0x6]  }
0x45: {  	[tilespmem:s3], [sflag:$0x9] =	stream.linear.gather @!p0 [hbm4b:s6+s3], $0x3C00, $0x38;
	[tilespmem:$0x19800] =	vst v63  }
0x46: {  	s6 =	simm.s32 @!p0 $0x9  }
0x47: {  	_ =	swait.ge @!p0 [sflag:s6], $0x3C00  }
0x48: {  	[sflag:s6] =	ssyncset.done @!p0 $0x0  }
0x49: {  	s7 =	simm.s32 @!p0 $0x3C00;
	[sflag:s6] =	ssyncadd.s32 @!p0 $0xFFFFC400  }
0x4a: {  	[tilespmem:s7], [sflag:$0x9] =	stream.linear.gather @!p0 [hbm4b:s9+s3], $0x3C00, $0x38;
	[tilespmem:$0x19800] =	vst v63  }
0x4b: {  	_ =	swait.ge @!p0 [sflag:s6], $0x3C00  }
0x4c: {  	[sflag:s6] =	ssyncset.done @!p0 $0x0  }
0x4d: {  	[sflag:s6] =	ssyncadd.s32 @!p0 $0xFFFFC400  }
0x4e: {  	[spmem:s15], [sflag:s14] =	dma.local [hbm:s10], $0x1400  }
0x4f: {  	_ =	swait.ge [sflag:s16], $0x1400  }
0x50: {  	[sflag:s16] =	ssyncset.done $0x0  }
0x51: {  	[sflag:s16] =	ssyncadd.s32 $0xFFFFEC00  }
0x52: {  	s8 =	simm.s32 $0x0;
	[bflag:$0x0] =	sbarrier.arrive $0xFFFF  }
0x53: {  	[tilespmem:s18], [sflag:$0x1] =	stream.indirect.gather [hbm4b:s4+s17], $0x40, s8, s17, $0xb8;
	[tilespmem:$0x19800] =	vst v63  }
0x54: {  	_ = 	snop  }
0x55: {  	[tilespmem:s19], [sflag:$0x2] =	stream.indirect.gather [hbm4b:s4+s17], $0x40, s17, s17, $0xb8;
	[tilespmem:$0x19800] =	vst v63  }
.Ltmp2:
0x56: {  	_ = 	snop;
	(pc) =	sbr.rel @p0 .LBB2_5-.Ltmp2, $4  }
0x57: {  	_ = 	snop  }
0x58: {  	[tilespmem:s21], [sflag:$0x3] =	stream.indirect.gather [hbm4b:s4+s17], $0x40, s20, s17, $0xb8;
	[tilespmem:$0x19800] =	vst v63  }
0x59: {  	_ = 	snop  }
0x5a: {  	[tilespmem:s23], [sflag:$0x4] =	stream.indirect.gather [hbm4b:s4+s17], $0x40, s22, s17, $0xb8;
	[tilespmem:$0x19800] =	vst v63  }
0x5b: {  	_ =	swait.ge [sflag:s24], $0x2000  }
0x5c: {  	[sflag:s24] =	ssyncset.done $0x0  }
0x5d: {  	s3 =	simm.s32 $0x3C00;
	[sflag:s24] =	ssyncadd.s32 $0xFFFFE000  }
0x5e: {  	[spmem:s2] =	stream.indirect.scatter.add.f32 [tilespmem:s18], [sflag:$0x5], $0x40, s3, s17, $0xb8;
	[tilespmem:$0x19800] =	vst v63  }
0x5f: {  	_ =	swait.ge [sflag:s25], $0x2000  }
0x60: {  	[sflag:s25] =	ssyncset.done $0x0  }
0x61: {  	s6 =	simm.s32 $0x3C80;
	[sflag:s25] =	ssyncadd.s32 $0xFFFFE000  }
0x62: {  	[spmem:s2] =	stream.indirect.scatter.add.f32 [tilespmem:s19], [sflag:$0x6], $0x40, s6, s17, $0xb8;
	[tilespmem:$0x19800] =	vst v63  }
0x63: {  	_ =	swait.ge [sflag:s26], $0x2000  }
0x64: {  	[sflag:s26] =	ssyncset.done $0x0  }
0x65: {  	s7 =	simm.s32 $0x3D00;
	[sflag:s26] =	ssyncadd.s32 $0xFFFFE000  }
0x66: {  	[spmem:s2] =	stream.indirect.scatter.add.f32 [tilespmem:s21], [sflag:$0x7], $0x40, s7, s17, $0xb8;
	[tilespmem:$0x19800] =	vst v63  }
0x67: {  	_ =	swait.ge [sflag:s28], $0x2000  }
0x68: {  	[sflag:s28] =	ssyncset.done $0x0  }
0x69: {  	s8 =	simm.s32 $0x3D80;
	[sflag:s28] =	ssyncadd.s32 $0xFFFFE000  }
0x6a: {  	[spmem:s2] =	stream.indirect.scatter.add.f32 [tilespmem:s23], [sflag:$0x8], $0x40, s8, s17, $0xb8;
	[tilespmem:$0x19800] =	vst v63  }
0x6b: {  	_ =	swait.ge [sflag:s29], $0x2000  }
0x6c: {  	[sflag:s29] =	ssyncset.done $0x0  }
0x6d: {  	s6 =	simm.s32 $0x200;
	[sflag:s29] =	ssyncadd.s32 $0xFFFFE000  }
0x6e: {  	[tilespmem:s18], [sflag:$0x1] =	stream.indirect.gather [hbm4b:s4+s17], $0x40, s6, s17, $0xb8;
	[tilespmem:$0x19800] =	vst v63  }
0x6f: {  	_ =	swait.ge [sflag:s30], $0x2000  }
0x70: {  	[sflag:s30] =	ssyncset.done $0x0  }
0x71: {  	s7 =	simm.s32 $0x280;
	[sflag:s30] =	ssyncadd.s32 $0xFFFFE000  }
0x72: {  	[tilespmem:s19], [sflag:$0x2] =	stream.indirect.gather [hbm4b:s4+s17], $0x40, s7, s17, $0xb8;
	[tilespmem:$0x19800] =	vst v63  }
0x73: {  	_ =	swait.ge [sflag:s31], $0x2000  }
0x74: {  	p1 =	por $0x0, $0x0;
	[sflag:s31] =	ssyncset.done $0x0  }
.Ltmp3:
0x75: {  	s8 =	simm.s32 $0x300;
	[sflag:s31] =	ssyncadd.s32 $0xFFFFE000;
	(pc) =	sbr.rel @p1 .LBB2_4-.Ltmp3, $4  }
0x76: {  	[tilespmem:s21], [sflag:$0x3] =	stream.indirect.gather [hbm4b:s4+s17], $0x40, s8, s17, $0xb8;
	[tilespmem:$0x19800] =	vst v63  }
0x77: {  	_ =	swait.ge [sflag:s0], $0x2000  }
0x78: {  	[sflag:s0] =	ssyncset.done $0x0  }
0x79: {  	s3 =	simm.s32 $0x800;
	s6 =	simm.s32 $0x380;
	[sflag:s0] =	ssyncadd.s32 $0xFFFFE000  }
.LBB2_3:
0x7a: {  	[tilespmem:s23], [sflag:$0x4] =	stream.indirect.gather [hbm4b:s4+s17], $0x40, s6, s17, $0xb8;
	[tilespmem:$0x19800] =	vst v63  }
0x7b: {  	s6 =	smov.u32 s3  }
0x7c: {  	p1 =	seq.s32 s3, $0xE000;
	s3 =	sadd.s32 $0x800, s3;
	_ =	swait.ge [sflag:s24], $0x2000  }
0x7d: {  	s6 =	sshra.s32 s6, $0x2;
	[sflag:s24] =	ssyncset.done $0x0  }
0x7e: {  	s7 =	sadd.s32 $0x3C00, s6;
	[sflag:s24] =	ssyncadd.s32 $0xFFFFE000  }
0x7f: {  	[spmem:s2] =	stream.indirect.scatter.add.f32 [tilespmem:s18], [sflag:$0x5], $0x40, s7, s17, $0xb8;
	[tilespmem:$0x19800] =	vst v63  }
0x80: {  	_ =	swait.ge [sflag:s25], $0x2000  }
0x81: {  	[sflag:s25] =	ssyncset.done $0x0  }
0x82: {  	s7 =	sadd.s32 $0x3C80, s6;
	[sflag:s25] =	ssyncadd.s32 $0xFFFFE000  }
0x83: {  	[spmem:s2] =	stream.indirect.scatter.add.f32 [tilespmem:s19], [sflag:$0x6], $0x40, s7, s17, $0xb8;
	[tilespmem:$0x19800] =	vst v63  }
0x84: {  	_ =	swait.ge [sflag:s26], $0x2000  }
0x85: {  	[sflag:s26] =	ssyncset.done $0x0  }
0x86: {  	s7 =	sadd.s32 $0x3D00, s6;
	[sflag:s26] =	ssyncadd.s32 $0xFFFFE000  }
0x87: {  	[spmem:s2] =	stream.indirect.scatter.add.f32 [tilespmem:s21], [sflag:$0x7], $0x40, s7, s17, $0xb8;
	[tilespmem:$0x19800] =	vst v63  }
0x88: {  	_ =	swait.ge [sflag:s28], $0x2000  }
0x89: {  	[sflag:s28] =	ssyncset.done $0x0  }
0x8a: {  	s7 =	sadd.s32 $0x3D80, s6;
	[sflag:s28] =	ssyncadd.s32 $0xFFFFE000  }
0x8b: {  	[spmem:s2] =	stream.indirect.scatter.add.f32 [tilespmem:s23], [sflag:$0x8], $0x40, s7, s17, $0xb8;
	[tilespmem:$0x19800] =	vst v63  }
0x8c: {  	_ =	swait.ge [sflag:s29], $0x2000  }
0x8d: {  	[sflag:s29] =	ssyncset.done $0x0  }
0x8e: {  	s7 =	sadd.s32 $0x200, s6;
	[sflag:s29] =	ssyncadd.s32 $0xFFFFE000  }
0x8f: {  	[tilespmem:s18], [sflag:$0x1] =	stream.indirect.gather [hbm4b:s4+s17], $0x40, s7, s17, $0xb8;
	[tilespmem:$0x19800] =	vst v63  }
0x90: {  	_ =	swait.ge [sflag:s30], $0x2000  }
0x91: {  	[sflag:s30] =	ssyncset.done $0x0  }
0x92: {  	s7 =	sadd.s32 $0x280, s6;
	[sflag:s30] =	ssyncadd.s32 $0xFFFFE000  }
0x93: {  	[tilespmem:s19], [sflag:$0x2] =	stream.indirect.gather [hbm4b:s4+s17], $0x40, s7, s17, $0xb8;
	[tilespmem:$0x19800] =	vst v63  }
0x94: {  	_ =	swait.ge [sflag:s31], $0x2000  }
0x95: {  	[sflag:s31] =	ssyncset.done $0x0  }
.Ltmp4:
0x96: {  	s7 =	sadd.s32 $0x300, s6;
	[sflag:s31] =	ssyncadd.s32 $0xFFFFE000;
	(pc) =	sbr.rel @!p1 .LBB2_3-.Ltmp4, $4  }
0x97: {  	[tilespmem:s21], [sflag:$0x3] =	stream.indirect.gather [hbm4b:s4+s17], $0x40, s7, s17, $0xb8;
	[tilespmem:$0x19800] =	vst v63  }
0x98: {  	_ =	swait.ge [sflag:s0], $0x2000  }
0x99: {  	[sflag:s0] =	ssyncset.done $0x0  }
0x9a: {  	s6 =	sadd.s32 $0x380, s6;
	[sflag:s0] =	ssyncadd.s32 $0xFFFFE000  }
.LBB2_4:
.Ltmp5:
0x9b: {  	(pc) =	sbr.rel .LBB2_8-.Ltmp5, $4  }
0x9c: {  	_ = 	snop  }
0x9d: {  	[tilespmem:s23], [sflag:$0x4] =	stream.indirect.gather [hbm4b:s4+s17], $0x40, s6, s17, $0xb8;
	[tilespmem:$0x19800] =	vst v63  }
0x9e: {  	s3 =	simm.s32 $0x7780  }
0x9f: {  	s6 =	simm.s32 $0x7700;
	s7 =	simm.s32 $0x7680;
	s8 =	simm.s32 $0x7600  }
.LBB2_5:
0xa0: {  	_ =	swait.ge [sflag:s24], $0x2000  }
0xa1: {  	[sflag:s24] =	ssyncset.done $0x0  }
0xa2: {  	s3 =	simm.s32 $0x3C00;
	[sflag:s24] =	ssyncadd.s32 $0xFFFFE000  }
0xa3: {  	[spmem:s2] =	stream.indirect.scatter.add.f32 [tilespmem:s18], [sflag:$0x5], $0x40, s3, s17, $0xb8;
	[tilespmem:$0x19800] =	vst v63  }
0xa4: {  	_ =	swait.ge [sflag:s25], $0x2000  }
0xa5: {  	[sflag:s25] =	ssyncset.done $0x0  }
0xa6: {  	s6 =	simm.s32 $0x3C80;
	[sflag:s25] =	ssyncadd.s32 $0xFFFFE000  }
0xa7: {  	[spmem:s2] =	stream.indirect.scatter.add.f32 [tilespmem:s19], [sflag:$0x6], $0x40, s6, s17, $0xb8;
	[tilespmem:$0x19800] =	vst v63  }
0xa8: {  	_ =	swait.ge [sflag:s26], $0x2000  }
0xa9: {  	[sflag:s26] =	ssyncset.done $0x0  }
0xaa: {  	s7 =	simm.s32 $0x3D00;
	[sflag:s26] =	ssyncadd.s32 $0xFFFFE000  }
0xab: {  	[spmem:s2] =	stream.indirect.scatter.add.f32 [tilespmem:s21], [sflag:$0x7], $0x40, s7, s17, $0xb8;
	[tilespmem:$0x19800] =	vst v63  }
0xac: {  	_ =	swait.ge [sflag:s28], $0x2000  }
0xad: {  	[sflag:s28] =	ssyncset.done $0x0  }
0xae: {  	s8 =	simm.s32 $0x3D80;
	[sflag:s28] =	ssyncadd.s32 $0xFFFFE000  }
0xaf: {  	[spmem:s2] =	stream.indirect.scatter.add.f32 [tilespmem:s23], [sflag:$0x8], $0x40, s8, s17, $0xb8;
	[tilespmem:$0x19800] =	vst v63  }
0xb0: {  	_ =	swait.ge [sflag:s29], $0x2000  }
0xb1: {  	[sflag:s29] =	ssyncset.done $0x0  }
0xb2: {  	s6 =	simm.s32 $0x200;
	[sflag:s29] =	ssyncadd.s32 $0xFFFFE000  }
0xb3: {  	[tilespmem:s18], [sflag:$0x1] =	stream.indirect.gather [hbm4b:s4+s17], $0x40, s6, s17, $0xb8;
	[tilespmem:$0x19800] =	vst v63  }
0xb4: {  	_ =	swait.ge [sflag:s30], $0x2000  }
0xb5: {  	[sflag:s30] =	ssyncset.done $0x0  }
0xb6: {  	s7 =	simm.s32 $0x280;
	[sflag:s30] =	ssyncadd.s32 $0xFFFFE000  }
0xb7: {  	[tilespmem:s19], [sflag:$0x2] =	stream.indirect.gather [hbm4b:s4+s17], $0x40, s7, s17, $0xb8;
	[tilespmem:$0x19800] =	vst v63  }
0xb8: {  	_ =	swait.ge [sflag:s31], $0x2000  }
0xb9: {  	[sflag:s31] =	ssyncset.done $0x0  }
0xba: {  	s8 =	simm.s32 $0x300;
	[sflag:s31] =	ssyncadd.s32 $0xFFFFE000  }
0xbb: {  	[tilespmem:s21], [sflag:$0x3] =	stream.indirect.gather [hbm4b:s4+s17], $0x40, s8, s17, $0xb8;
	[tilespmem:$0x19800] =	vst v63  }
0xbc: {  	_ =	swait.ge [sflag:s0], $0x2000  }
0xbd: {  	[sflag:s0] =	ssyncset.done $0x0  }
0xbe: {  	s3 =	simm.s32 $0x800;
	s6 =	simm.s32 $0x380;
	[sflag:s0] =	ssyncadd.s32 $0xFFFFE000  }
.LBB2_6:
0xbf: {  	[tilespmem:s23], [sflag:$0x4] =	stream.indirect.gather [hbm4b:s4+s17], $0x40, s6, s17, $0xb8;
	[tilespmem:$0x19800] =	vst v63  }
0xc0: {  	s6 =	smov.u32 s3  }
0xc1: {  	p1 =	sne.s32 s3, $0x4000;
	s3 =	sadd.s32 $0x800, s3;
	_ =	swait.ge [sflag:s24], $0x2000  }
0xc2: {  	s6 =	sshra.s32 s6, $0x2;
	[sflag:s24] =	ssyncset.done $0x0  }
0xc3: {  	s7 =	sadd.s32 $0x3C00, s6;
	[sflag:s24] =	ssyncadd.s32 $0xFFFFE000  }
0xc4: {  	[spmem:s2] =	stream.indirect.scatter.add.f32 [tilespmem:s18], [sflag:$0x5], $0x40, s7, s17, $0xb8;
	[tilespmem:$0x19800] =	vst v63  }
0xc5: {  	_ =	swait.ge [sflag:s25], $0x2000  }
0xc6: {  	[sflag:s25] =	ssyncset.done $0x0  }
0xc7: {  	s7 =	sadd.s32 $0x3C80, s6;
	[sflag:s25] =	ssyncadd.s32 $0xFFFFE000  }
0xc8: {  	[spmem:s2] =	stream.indirect.scatter.add.f32 [tilespmem:s19], [sflag:$0x6], $0x40, s7, s17, $0xb8;
	[tilespmem:$0x19800] =	vst v63  }
0xc9: {  	_ =	swait.ge [sflag:s26], $0x2000  }
0xca: {  	[sflag:s26] =	ssyncset.done $0x0  }
0xcb: {  	s7 =	sadd.s32 $0x3D00, s6;
	[sflag:s26] =	ssyncadd.s32 $0xFFFFE000  }
0xcc: {  	[spmem:s2] =	stream.indirect.scatter.add.f32 [tilespmem:s21], [sflag:$0x7], $0x40, s7, s17, $0xb8;
	[tilespmem:$0x19800] =	vst v63  }
0xcd: {  	_ =	swait.ge [sflag:s28], $0x2000  }
0xce: {  	[sflag:s28] =	ssyncset.done $0x0  }
0xcf: {  	s7 =	sadd.s32 $0x3D80, s6;
	[sflag:s28] =	ssyncadd.s32 $0xFFFFE000  }
0xd0: {  	[spmem:s2] =	stream.indirect.scatter.add.f32 [tilespmem:s23], [sflag:$0x8], $0x40, s7, s17, $0xb8;
	[tilespmem:$0x19800] =	vst v63  }
0xd1: {  	_ =	swait.ge [sflag:s29], $0x2000  }
0xd2: {  	[sflag:s29] =	ssyncset.done $0x0  }
0xd3: {  	s7 =	sadd.s32 $0x200, s6;
	[sflag:s29] =	ssyncadd.s32 $0xFFFFE000  }
0xd4: {  	[tilespmem:s18], [sflag:$0x1] =	stream.indirect.gather [hbm4b:s4+s17], $0x40, s7, s17, $0xb8;
	[tilespmem:$0x19800] =	vst v63  }
0xd5: {  	_ =	swait.ge [sflag:s30], $0x2000  }
0xd6: {  	[sflag:s30] =	ssyncset.done $0x0  }
0xd7: {  	s7 =	sadd.s32 $0x280, s6;
	[sflag:s30] =	ssyncadd.s32 $0xFFFFE000  }
0xd8: {  	[tilespmem:s19], [sflag:$0x2] =	stream.indirect.gather [hbm4b:s4+s17], $0x40, s7, s17, $0xb8;
	[tilespmem:$0x19800] =	vst v63  }
0xd9: {  	_ =	swait.ge [sflag:s31], $0x2000  }
0xda: {  	[sflag:s31] =	ssyncset.done $0x0  }
.Ltmp6:
0xdb: {  	s7 =	sadd.s32 $0x300, s6;
	[sflag:s31] =	ssyncadd.s32 $0xFFFFE000;
	(pc) =	sbr.rel @p1 .LBB2_6-.Ltmp6, $4  }
0xdc: {  	[tilespmem:s21], [sflag:$0x3] =	stream.indirect.gather [hbm4b:s4+s17], $0x40, s7, s17, $0xb8;
	[tilespmem:$0x19800] =	vst v63  }
0xdd: {  	_ =	swait.ge [sflag:s0], $0x2000  }
0xde: {  	[sflag:s0] =	ssyncset.done $0x0  }
0xdf: {  	s6 =	sadd.s32 $0x380, s6;
	[sflag:s0] =	ssyncadd.s32 $0xFFFFE000  }
0xe0: {  	[tilespmem:s23], [sflag:$0x4] =	stream.indirect.gather [hbm4b:s4+s17], $0x40, s6, s17, $0xb8;
	[tilespmem:$0x19800] =	vst v63  }
0xe1: {  	s3 =	simm.s32 $0x4F80  }
0xe2: {  	s6 =	simm.s32 $0x4F00;
	s7 =	simm.s32 $0x4E80;
	s8 =	simm.s32 $0x4E00  }
.LBB2_8:
0xe3: {  	_ =	swait.ge [sflag:s24], $0x2000  }
0xe4: {  	[sflag:s24] =	ssyncset.done $0x0  }
0xe5: {  	[sflag:s24] =	ssyncadd.s32 $0xFFFFE000  }
0xe6: {  	[spmem:s2] =	stream.indirect.scatter.add.f32 [tilespmem:s18], [sflag:$0x5], $0x40, s8, s17, $0xb8;
	[tilespmem:$0x19800] =	vst v63  }
0xe7: {  	_ =	swait.ge [sflag:s25], $0x2000  }
0xe8: {  	[sflag:s25] =	ssyncset.done $0x0  }
0xe9: {  	[sflag:s25] =	ssyncadd.s32 $0xFFFFE000  }
0xea: {  	[spmem:s2] =	stream.indirect.scatter.add.f32 [tilespmem:s19], [sflag:$0x6], $0x40, s7, s17, $0xb8;
	[tilespmem:$0x19800] =	vst v63  }
0xeb: {  	_ =	swait.ge [sflag:s26], $0x2000  }
0xec: {  	[sflag:s26] =	ssyncset.done $0x0  }
0xed: {  	[sflag:s26] =	ssyncadd.s32 $0xFFFFE000  }
0xee: {  	[spmem:s2] =	stream.indirect.scatter.add.f32 [tilespmem:s21], [sflag:$0x7], $0x40, s6, s17, $0xb8;
	[tilespmem:$0x19800] =	vst v63  }
0xef: {  	_ =	swait.ge [sflag:s28], $0x2000  }
0xf0: {  	[sflag:s28] =	ssyncset.done $0x0  }
0xf1: {  	[sflag:s28] =	ssyncadd.s32 $0xFFFFE000  }
0xf2: {  	[spmem:s2] =	stream.indirect.scatter.add.f32 [tilespmem:s23], [sflag:$0x8], $0x40, s3, s17, $0xb8;
	[tilespmem:$0x19800] =	vst v63  }
0xf3: {  	_ =	swait.ge [sflag:s29], $0x2000  }
0xf4: {  	[sflag:s29] =	ssyncset.done $0x0  }
0xf5: {  	[sflag:s29] =	ssyncadd.s32 $0xFFFFE000  }
0xf6: {  	_ =	swait.ge [sflag:s30], $0x2000  }
0xf7: {  	[sflag:s30] =	ssyncset.done $0x0  }
0xf8: {  	[sflag:s30] =	ssyncadd.s32 $0xFFFFE000  }
0xf9: {  	_ =	swait.ge [sflag:s31], $0x2000  }
0xfa: {  	[sflag:s31] =	ssyncset.done $0x0  }
0xfb: {  	[sflag:s31] =	ssyncadd.s32 $0xFFFFE000  }
0xfc: {  	_ =	swait.ge [sflag:s0], $0x2000  }
0xfd: {  	[sflag:s0] =	ssyncset.done $0x0  }
0xfe: {  	[sflag:s0] =	ssyncadd.s32 $0xFFFFE000  }
0xff: {  	[bflag:$0x0] =	sbarrier.arrive $0xFFFF  }
0x100: {  	[hbm:s11], [sflag:s14] =	dma.local [spmem:s15], $0x1400  }
0x101: {  	_ =	swait.ge [sflag:s16], $0x1400  }
0x102: {  	[sflag:s16] =	ssyncset.done $0x0  }
0x103: {  	[sflag:s16] =	ssyncadd.s32 $0xFFFFEC00  }
0x104: {  	[spmem:s15], [sflag:s14] =	dma.local [hbm:s10], $0x1400  }
0x105: {  	_ =	swait.ge [sflag:s16], $0x1400  }
0x106: {  	[sflag:s16] =	ssyncset.done $0x0  }
0x107: {  	[sflag:s16] =	ssyncadd.s32 $0xFFFFEC00  }
0x108: {  	s8 =	simm.s32 $0x0;
	[bflag:$0x0] =	sbarrier.arrive $0xFFFF  }
0x109: {  	[tilespmem:s18], [sflag:$0x1] =	stream.indirect.gather [hbm4b:s5+s17], $0x40, s8, s17, $0xb8;
	[tilespmem:$0x19800] =	vst v63  }
0x10a: {  	_ = 	snop  }
0x10b: {  	[tilespmem:s19], [sflag:$0x2] =	stream.indirect.gather [hbm4b:s5+s17], $0x40, s17, s17, $0xb8;
	[tilespmem:$0x19800] =	vst v63  }
.Ltmp7:
0x10c: {  	_ = 	snop;
	(pc) =	sbr.rel @p0 .LBB2_12-.Ltmp7, $4  }
0x10d: {  	_ = 	snop  }
0x10e: {  	[tilespmem:s21], [sflag:$0x3] =	stream.indirect.gather [hbm4b:s5+s17], $0x40, s20, s17, $0xb8;
	[tilespmem:$0x19800] =	vst v63  }
0x10f: {  	_ = 	snop  }
0x110: {  	[tilespmem:s23], [sflag:$0x4] =	stream.indirect.gather [hbm4b:s5+s17], $0x40, s22, s17, $0xb8;
	[tilespmem:$0x19800] =	vst v63  }
0x111: {  	_ =	swait.ge [sflag:s24], $0x2000  }
0x112: {  	[sflag:s24] =	ssyncset.done $0x0  }
0x113: {  	s3 =	simm.s32 $0x3C00;
	[sflag:s24] =	ssyncadd.s32 $0xFFFFE000  }
0x114: {  	[spmem:s2] =	stream.indirect.scatter.add.f32 [tilespmem:s18], [sflag:$0x5], $0x40, s3, s17, $0xb8;
	[tilespmem:$0x19800] =	vst v63  }
0x115: {  	_ =	swait.ge [sflag:s25], $0x2000  }
0x116: {  	[sflag:s25] =	ssyncset.done $0x0  }
0x117: {  	s6 =	simm.s32 $0x3C80;
	[sflag:s25] =	ssyncadd.s32 $0xFFFFE000  }
0x118: {  	[spmem:s2] =	stream.indirect.scatter.add.f32 [tilespmem:s19], [sflag:$0x6], $0x40, s6, s17, $0xb8;
	[tilespmem:$0x19800] =	vst v63  }
0x119: {  	_ =	swait.ge [sflag:s26], $0x2000  }
0x11a: {  	[sflag:s26] =	ssyncset.done $0x0  }
0x11b: {  	s7 =	simm.s32 $0x3D00;
	[sflag:s26] =	ssyncadd.s32 $0xFFFFE000  }
0x11c: {  	[spmem:s2] =	stream.indirect.scatter.add.f32 [tilespmem:s21], [sflag:$0x7], $0x40, s7, s17, $0xb8;
	[tilespmem:$0x19800] =	vst v63  }
0x11d: {  	_ =	swait.ge [sflag:s28], $0x2000  }
0x11e: {  	[sflag:s28] =	ssyncset.done $0x0  }
0x11f: {  	s8 =	simm.s32 $0x3D80;
	[sflag:s28] =	ssyncadd.s32 $0xFFFFE000  }
0x120: {  	[spmem:s2] =	stream.indirect.scatter.add.f32 [tilespmem:s23], [sflag:$0x8], $0x40, s8, s17, $0xb8;
	[tilespmem:$0x19800] =	vst v63  }
0x121: {  	_ =	swait.ge [sflag:s29], $0x2000  }
0x122: {  	[sflag:s29] =	ssyncset.done $0x0  }
0x123: {  	s6 =	simm.s32 $0x200;
	[sflag:s29] =	ssyncadd.s32 $0xFFFFE000  }
0x124: {  	[tilespmem:s18], [sflag:$0x1] =	stream.indirect.gather [hbm4b:s5+s17], $0x40, s6, s17, $0xb8;
	[tilespmem:$0x19800] =	vst v63  }
0x125: {  	_ =	swait.ge [sflag:s30], $0x2000  }
0x126: {  	[sflag:s30] =	ssyncset.done $0x0  }
0x127: {  	s7 =	simm.s32 $0x280;
	[sflag:s30] =	ssyncadd.s32 $0xFFFFE000  }
0x128: {  	[tilespmem:s19], [sflag:$0x2] =	stream.indirect.gather [hbm4b:s5+s17], $0x40, s7, s17, $0xb8;
	[tilespmem:$0x19800] =	vst v63  }
0x129: {  	_ =	swait.ge [sflag:s31], $0x2000  }
0x12a: {  	p1 =	por $0x0, $0x0;
	[sflag:s31] =	ssyncset.done $0x0  }
.Ltmp8:
0x12b: {  	s8 =	simm.s32 $0x300;
	[sflag:s31] =	ssyncadd.s32 $0xFFFFE000;
	(pc) =	sbr.rel @p1 .LBB2_11-.Ltmp8, $4  }
0x12c: {  	[tilespmem:s21], [sflag:$0x3] =	stream.indirect.gather [hbm4b:s5+s17], $0x40, s8, s17, $0xb8;
	[tilespmem:$0x19800] =	vst v63  }
0x12d: {  	_ =	swait.ge [sflag:s0], $0x2000  }
0x12e: {  	[sflag:s0] =	ssyncset.done $0x0  }
0x12f: {  	s3 =	simm.s32 $0x800;
	s6 =	simm.s32 $0x380;
	[sflag:s0] =	ssyncadd.s32 $0xFFFFE000  }
.LBB2_10:
0x130: {  	[tilespmem:s23], [sflag:$0x4] =	stream.indirect.gather [hbm4b:s5+s17], $0x40, s6, s17, $0xb8;
	[tilespmem:$0x19800] =	vst v63  }
0x131: {  	s6 =	smov.u32 s3  }
0x132: {  	p1 =	seq.s32 s3, $0xE000;
	s3 =	sadd.s32 $0x800, s3;
	_ =	swait.ge [sflag:s24], $0x2000  }
0x133: {  	s6 =	sshra.s32 s6, $0x2;
	[sflag:s24] =	ssyncset.done $0x0  }
0x134: {  	s7 =	sadd.s32 $0x3C00, s6;
	[sflag:s24] =	ssyncadd.s32 $0xFFFFE000  }
0x135: {  	[spmem:s2] =	stream.indirect.scatter.add.f32 [tilespmem:s18], [sflag:$0x5], $0x40, s7, s17, $0xb8;
	[tilespmem:$0x19800] =	vst v63  }
0x136: {  	_ =	swait.ge [sflag:s25], $0x2000  }
0x137: {  	[sflag:s25] =	ssyncset.done $0x0  }
0x138: {  	s7 =	sadd.s32 $0x3C80, s6;
	[sflag:s25] =	ssyncadd.s32 $0xFFFFE000  }
0x139: {  	[spmem:s2] =	stream.indirect.scatter.add.f32 [tilespmem:s19], [sflag:$0x6], $0x40, s7, s17, $0xb8;
	[tilespmem:$0x19800] =	vst v63  }
0x13a: {  	_ =	swait.ge [sflag:s26], $0x2000  }
0x13b: {  	[sflag:s26] =	ssyncset.done $0x0  }
0x13c: {  	s7 =	sadd.s32 $0x3D00, s6;
	[sflag:s26] =	ssyncadd.s32 $0xFFFFE000  }
0x13d: {  	[spmem:s2] =	stream.indirect.scatter.add.f32 [tilespmem:s21], [sflag:$0x7], $0x40, s7, s17, $0xb8;
	[tilespmem:$0x19800] =	vst v63  }
0x13e: {  	_ =	swait.ge [sflag:s28], $0x2000  }
0x13f: {  	[sflag:s28] =	ssyncset.done $0x0  }
0x140: {  	s7 =	sadd.s32 $0x3D80, s6;
	[sflag:s28] =	ssyncadd.s32 $0xFFFFE000  }
0x141: {  	[spmem:s2] =	stream.indirect.scatter.add.f32 [tilespmem:s23], [sflag:$0x8], $0x40, s7, s17, $0xb8;
	[tilespmem:$0x19800] =	vst v63  }
0x142: {  	_ =	swait.ge [sflag:s29], $0x2000  }
0x143: {  	[sflag:s29] =	ssyncset.done $0x0  }
0x144: {  	s7 =	sadd.s32 $0x200, s6;
	[sflag:s29] =	ssyncadd.s32 $0xFFFFE000  }
0x145: {  	[tilespmem:s18], [sflag:$0x1] =	stream.indirect.gather [hbm4b:s5+s17], $0x40, s7, s17, $0xb8;
	[tilespmem:$0x19800] =	vst v63  }
0x146: {  	_ =	swait.ge [sflag:s30], $0x2000  }
0x147: {  	[sflag:s30] =	ssyncset.done $0x0  }
0x148: {  	s7 =	sadd.s32 $0x280, s6;
	[sflag:s30] =	ssyncadd.s32 $0xFFFFE000  }
0x149: {  	[tilespmem:s19], [sflag:$0x2] =	stream.indirect.gather [hbm4b:s5+s17], $0x40, s7, s17, $0xb8;
	[tilespmem:$0x19800] =	vst v63  }
0x14a: {  	_ =	swait.ge [sflag:s31], $0x2000  }
0x14b: {  	[sflag:s31] =	ssyncset.done $0x0  }
.Ltmp9:
0x14c: {  	s7 =	sadd.s32 $0x300, s6;
	[sflag:s31] =	ssyncadd.s32 $0xFFFFE000;
	(pc) =	sbr.rel @!p1 .LBB2_10-.Ltmp9, $4  }
0x14d: {  	[tilespmem:s21], [sflag:$0x3] =	stream.indirect.gather [hbm4b:s5+s17], $0x40, s7, s17, $0xb8;
	[tilespmem:$0x19800] =	vst v63  }
0x14e: {  	_ =	swait.ge [sflag:s0], $0x2000  }
0x14f: {  	[sflag:s0] =	ssyncset.done $0x0  }
0x150: {  	s6 =	sadd.s32 $0x380, s6;
	[sflag:s0] =	ssyncadd.s32 $0xFFFFE000  }
.Ltmp10:
0x151: {  	_ = 	snop;
	(pc) =	sbr.rel .LBB2_11-.Ltmp10, $1  }
0x152: {  	_ =	sdelay $0x3  }
.LBB2_12:
0x153: {  	_ =	swait.ge [sflag:s24], $0x2000  }
0x154: {  	[sflag:s24] =	ssyncset.done $0x0  }
0x155: {  	s3 =	simm.s32 $0x3C00;
	[sflag:s24] =	ssyncadd.s32 $0xFFFFE000  }
0x156: {  	[spmem:s2] =	stream.indirect.scatter.add.f32 [tilespmem:s18], [sflag:$0x5], $0x40, s3, s17, $0xb8;
	[tilespmem:$0x19800] =	vst v63  }
0x157: {  	_ =	swait.ge [sflag:s25], $0x2000  }
0x158: {  	[sflag:s25] =	ssyncset.done $0x0  }
0x159: {  	s6 =	simm.s32 $0x3C80;
	[sflag:s25] =	ssyncadd.s32 $0xFFFFE000  }
0x15a: {  	[spmem:s2] =	stream.indirect.scatter.add.f32 [tilespmem:s19], [sflag:$0x6], $0x40, s6, s17, $0xb8;
	[tilespmem:$0x19800] =	vst v63  }
0x15b: {  	_ =	swait.ge [sflag:s26], $0x2000  }
0x15c: {  	[sflag:s26] =	ssyncset.done $0x0  }
0x15d: {  	s7 =	simm.s32 $0x3D00;
	[sflag:s26] =	ssyncadd.s32 $0xFFFFE000  }
0x15e: {  	[spmem:s2] =	stream.indirect.scatter.add.f32 [tilespmem:s21], [sflag:$0x7], $0x40, s7, s17, $0xb8;
	[tilespmem:$0x19800] =	vst v63  }
0x15f: {  	_ =	swait.ge [sflag:s28], $0x2000  }
0x160: {  	[sflag:s28] =	ssyncset.done $0x0  }
0x161: {  	s8 =	simm.s32 $0x3D80;
	[sflag:s28] =	ssyncadd.s32 $0xFFFFE000  }
0x162: {  	[spmem:s2] =	stream.indirect.scatter.add.f32 [tilespmem:s23], [sflag:$0x8], $0x40, s8, s17, $0xb8;
	[tilespmem:$0x19800] =	vst v63  }
0x163: {  	_ =	swait.ge [sflag:s29], $0x2000  }
0x164: {  	[sflag:s29] =	ssyncset.done $0x0  }
0x165: {  	s6 =	simm.s32 $0x200;
	[sflag:s29] =	ssyncadd.s32 $0xFFFFE000  }
0x166: {  	[tilespmem:s18], [sflag:$0x1] =	stream.indirect.gather [hbm4b:s5+s17], $0x40, s6, s17, $0xb8;
	[tilespmem:$0x19800] =	vst v63  }
0x167: {  	_ =	swait.ge [sflag:s30], $0x2000  }
0x168: {  	[sflag:s30] =	ssyncset.done $0x0  }
0x169: {  	s7 =	simm.s32 $0x280;
	[sflag:s30] =	ssyncadd.s32 $0xFFFFE000  }
0x16a: {  	[tilespmem:s19], [sflag:$0x2] =	stream.indirect.gather [hbm4b:s5+s17], $0x40, s7, s17, $0xb8;
	[tilespmem:$0x19800] =	vst v63  }
0x16b: {  	_ =	swait.ge [sflag:s31], $0x2000  }
0x16c: {  	[sflag:s31] =	ssyncset.done $0x0  }
0x16d: {  	s8 =	simm.s32 $0x300;
	[sflag:s31] =	ssyncadd.s32 $0xFFFFE000  }
0x16e: {  	[tilespmem:s21], [sflag:$0x3] =	stream.indirect.gather [hbm4b:s5+s17], $0x40, s8, s17, $0xb8;
	[tilespmem:$0x19800] =	vst v63  }
0x16f: {  	_ =	swait.ge [sflag:s0], $0x2000  }
0x170: {  	[sflag:s0] =	ssyncset.done $0x0  }
0x171: {  	s3 =	simm.s32 $0x800;
	s6 =	simm.s32 $0x380;
	[sflag:s0] =	ssyncadd.s32 $0xFFFFE000  }
.LBB2_13:
0x172: {  	[tilespmem:s23], [sflag:$0x4] =	stream.indirect.gather [hbm4b:s5+s17], $0x40, s6, s17, $0xb8;
	[tilespmem:$0x19800] =	vst v63  }
0x173: {  	s6 =	smov.u32 s3  }
0x174: {  	p1 =	sne.s32 s3, $0x4000;
	s3 =	sadd.s32 $0x800, s3;
	_ =	swait.ge [sflag:s24], $0x2000  }
0x175: {  	s6 =	sshra.s32 s6, $0x2;
	[sflag:s24] =	ssyncset.done $0x0  }
0x176: {  	s7 =	sadd.s32 $0x3C00, s6;
	[sflag:s24] =	ssyncadd.s32 $0xFFFFE000  }
0x177: {  	[spmem:s2] =	stream.indirect.scatter.add.f32 [tilespmem:s18], [sflag:$0x5], $0x40, s7, s17, $0xb8;
	[tilespmem:$0x19800] =	vst v63  }
0x178: {  	_ =	swait.ge [sflag:s25], $0x2000  }
0x179: {  	[sflag:s25] =	ssyncset.done $0x0  }
0x17a: {  	s7 =	sadd.s32 $0x3C80, s6;
	[sflag:s25] =	ssyncadd.s32 $0xFFFFE000  }
0x17b: {  	[spmem:s2] =	stream.indirect.scatter.add.f32 [tilespmem:s19], [sflag:$0x6], $0x40, s7, s17, $0xb8;
	[tilespmem:$0x19800] =	vst v63  }
0x17c: {  	_ =	swait.ge [sflag:s26], $0x2000  }
0x17d: {  	[sflag:s26] =	ssyncset.done $0x0  }
0x17e: {  	s7 =	sadd.s32 $0x3D00, s6;
	[sflag:s26] =	ssyncadd.s32 $0xFFFFE000  }
0x17f: {  	[spmem:s2] =	stream.indirect.scatter.add.f32 [tilespmem:s21], [sflag:$0x7], $0x40, s7, s17, $0xb8;
	[tilespmem:$0x19800] =	vst v63  }
0x180: {  	_ =	swait.ge [sflag:s28], $0x2000  }
0x181: {  	[sflag:s28] =	ssyncset.done $0x0  }
0x182: {  	s7 =	sadd.s32 $0x3D80, s6;
	[sflag:s28] =	ssyncadd.s32 $0xFFFFE000  }
0x183: {  	[spmem:s2] =	stream.indirect.scatter.add.f32 [tilespmem:s23], [sflag:$0x8], $0x40, s7, s17, $0xb8;
	[tilespmem:$0x19800] =	vst v63  }
0x184: {  	_ =	swait.ge [sflag:s29], $0x2000  }
0x185: {  	[sflag:s29] =	ssyncset.done $0x0  }
0x186: {  	s7 =	sadd.s32 $0x200, s6;
	[sflag:s29] =	ssyncadd.s32 $0xFFFFE000  }
0x187: {  	[tilespmem:s18], [sflag:$0x1] =	stream.indirect.gather [hbm4b:s5+s17], $0x40, s7, s17, $0xb8;
	[tilespmem:$0x19800] =	vst v63  }
0x188: {  	_ =	swait.ge [sflag:s30], $0x2000  }
0x189: {  	[sflag:s30] =	ssyncset.done $0x0  }
0x18a: {  	s7 =	sadd.s32 $0x280, s6;
	[sflag:s30] =	ssyncadd.s32 $0xFFFFE000  }
0x18b: {  	[tilespmem:s19], [sflag:$0x2] =	stream.indirect.gather [hbm4b:s5+s17], $0x40, s7, s17, $0xb8;
	[tilespmem:$0x19800] =	vst v63  }
0x18c: {  	_ =	swait.ge [sflag:s31], $0x2000  }
0x18d: {  	[sflag:s31] =	ssyncset.done $0x0  }
.Ltmp11:
0x18e: {  	s7 =	sadd.s32 $0x300, s6;
	[sflag:s31] =	ssyncadd.s32 $0xFFFFE000;
	(pc) =	sbr.rel @p1 .LBB2_13-.Ltmp11, $4  }
0x18f: {  	[tilespmem:s21], [sflag:$0x3] =	stream.indirect.gather [hbm4b:s5+s17], $0x40, s7, s17, $0xb8;
	[tilespmem:$0x19800] =	vst v63  }
0x190: {  	_ =	swait.ge [sflag:s0], $0x2000  }
0x191: {  	[sflag:s0] =	ssyncset.done $0x0  }
0x192: {  	s6 =	sadd.s32 $0x380, s6;
	[sflag:s0] =	ssyncadd.s32 $0xFFFFE000  }
.Ltmp12:
0x193: {  	(pc) =	sbr.rel .LBB2_15-.Ltmp12, $4  }
0x194: {  	_ = 	snop  }
0x195: {  	[tilespmem:s23], [sflag:$0x4] =	stream.indirect.gather [hbm4b:s5+s17], $0x40, s6, s17, $0xb8;
	[tilespmem:$0x19800] =	vst v63  }
0x196: {  	s3 =	simm.s32 $0x4F80  }
0x197: {  	s6 =	simm.s32 $0x4F00;
	s7 =	simm.s32 $0x4E80;
	s8 =	simm.s32 $0x4E00  }
.LBB2_16:
0x198: {  	_ =	sfence.sel $0x180000  }
0x199: {  	[bflag:$0x0] =	sbarrier.arrive $0xFFFF  }
0x19a: {  	_ =	strace $0x9000004A  }
0x19b: {  	s0 =	stileid.u32;
	[bflag:$0x2] =	sbarrier.arrive $0xFFFF  }
0x19c: {  	p0 =	sne.s32 s0, $0x0;
	s0 =	rddreg [dreg:$0x3]  }
0x19d: {  	s0 =	sadd.s32 @!p0 $0x100000, s0  }
0x19e: {  	[sflag:s0] =	ssyncadd.tile.s32 @!p0 $0x1;
	_ =	shalt  }
.Lfunc_end2:
_tile_overlayer_lowered:
.L_overlay_start_2:
0x19f: {  	(tag) =	ssettag $0x2  }
0x1a0: {  	s0 =	rddreg [dreg:$0x0];
	s2 =	stileid.u32  }
0x1a1: {  	s1 =	rddreg [dreg:$0x1];
	p0 =	sne.s32 s2, $0x0  }
0x1a2: {  	s3 =	rddreg [dreg:$0x2];
	[bflag:$0x3] =	sbarrier.arrive $0xFFFF;
	s2 =	simm.s32 @!p0 $0x1C09  }
0x1a3: {  	[timem:s3], [sflag:s2] =	dma.local @!p0 [hbm:s0], s1  }
0x1a4: {  	s0 =	simm.s32 @!p0 $0x9  }
0x1a5: {  	_ =	swait.ge @!p0 [sflag:s0], s1  }
0x1a6: {  	s1 =	ssub.s32 @!p0 $0x0, s1;
	[sflag:s0] =	ssyncset.done @!p0 $0x0  }
0x1a7: {  	[sflag:s0] =	ssyncadd.s32 @!p0 s1  }
0x1a8: {  	[bflag:$0x3] =	sbarrier.arrive $0xFFFF  }
0x1a9: {  	_ =	shalt  }

// kernel: kernel.14.cloned.1.call-start
scs
__scs_entry_jumppad:
0x0: {  	(pc) =	sbr.rel $0x88, $3  }
0x1: {  	(tag) =	ssettag $0x0;
	lr =	simm.s32 $0x1  }
0x2: {  	[smem:$0x3F9B] =	sst lr;
	_ =	strace $0xD0000000  }
0x3: {  	_ = 	snop  }
0x4: {  	_ = 	snop  }
0x5: {  	_ = 	snop  }
0x6: {  	_ = 	snop  }
0x7: {  	_ = 	snop  }
__scs_overlays_trampoline_lowered:
0x8: {  	[smem:$0x3FAA] =	sst s0  }
0x9: {  	[smem:$0x3FAB] =	sst s1  }
0xa: {  	[smem:$0x3FAC] =	sst s2  }
0xb: {  	[smem:$0x3FAD] =	sst s3  }
0xc: {  	[smem:$0x3FAE] =	sst s4  }
0xd: {  	[smem:$0x3FAF] =	sst s5  }
0xe: {  	[smem:$0x3FB0] =	sst s6  }
0xf: {  	[smem:$0x3FB1] =	sst s7  }
0x10: {  	[smem:$0x3FB2] =	sst s8  }
0x11: {  	[smem:$0x3FB3] =	sst s9;
	s0 =	simm.s32 @!p0 $0x0  }
0x12: {  	s1 =	sld [smem:$0x3F99];
	s0 =	simm.s32 @p0 $0x1  }
0x13: {  	[smem:$0x3FB4] =	sst s0;
	s0 =	simm.s32 @!p1 $0x0  }
0x14: {  	s2 =	sld [smem:$0x3F98];
	s0 =	simm.s32 @p1 $0x1  }
0x15: {  	[smem:$0x3FB5] =	sst s0;
	s0 =	simm.s32 @!p2 $0x0  }
0x16: {  	s3 =	sld [smem:$0x3FDB];
	s0 =	simm.s32 @p2 $0x1  }
0x17: {  	s4 =	simm.s32 $0x1BF5;
	[smem:$0x3FB7] =	sst s0  }
0x18: {  	s0 =	sld [smem:$0x3F9A];
	_ =	swait.ge [sflag:s4], $0x0  }
0x19: {  	s7 =	sld [smem:$0x3F9B]  }
0x1a: {  	s8 =	sadd.s32 $0xFFFFE003, lr  }
0x1b: {  	s9 =	sadd.s32 $0xFFFFFEF7, lr;
	s5 =	simm.s32 $0xFFFFFFFF;
	p2 =	slt.u32 s8, $0xFFFFF086  }
0x1c: {  	p1 =	slt.u32 s9, $0xF7A;
	s5 =	simm.s32 @!p2 $0x0  }
0x1d: {  	s5 =	simm.s32 @p1 $0x1;
	p0 =	seq.s32 s7, s2  }
0x1e: {  	s7 =	smul.u32 @!p0 $0xF7A, s2;
	p2 =	seq.s32 @!p0 s5, $0x0  }
0x1f: {  	s9 =	smul.u32 $0xF7A, s1;
	s8 =	simm.s32 @!p0 $0x1BF5;
	p2 =	por !p2, p0  }
0x20: {  	[sflag:s8] =	ssyncset.s32 @!p0 $0xFFFFF086;
	s6 =	sadd.s32 @!p0 s3, s7;
	s7 =	simm.s32 @!p0 $0x108  }
0x21: {  	s3 =	sadd.s32 s3, s9;
	s6 =	sadd.s32 @!p0 $0x88, s6;
	s7 =	simm.s32 @p2 $0x1082  }
0x22: {  	[simem:s7], [sflag:s8] =	dma.local @!p0 [hbm:s6], $0xF7A  }
0x23: {  	s9 =	sor.u32 $0xD0000000, s2;
	s6 =	simm.s32 $0x108;
	_ =	swait.ge @!p0 [sflag:s8], $0x0  }
0x24: {  	s3 =	sadd.s32 $0x88, s3;
	s6 =	simm.s32 @!p1 $0x1082;
	[sflag:s4] =	ssyncset.s32 $0xFFFFF086  }
0x25: {  	[simem:s6], [sflag:s4] =	dma.local [hbm:s3], $0xF7A  }
0x26: {  	[smem:$0x3F9B] =	sst s1;
	(tag) =	ssettag s2;
	_ =	strace s9  }
0x27: {  	s1 =	sld [smem:$0x3FAB]  }
0x28: {  	s2 =	sld [smem:$0x3FAC]  }
0x29: {  	s4 =	sld [smem:$0x3FAE]  }
0x2a: {  	p0 =	seq.s32 s5, $0x0;
	s5 =	sld [smem:$0x3FAF]  }
0x2b: {  	s6 =	sld [smem:$0x3FB0]  }
0x2c: {  	s7 =	sld [smem:$0x3FB1]  }
0x2d: {  	s3 =	simm.s32 $0x108;
	s8 =	sld [smem:$0x3FB2]  }
0x2e: {  	s3 =	simm.s32 @!p0 $0x1082;
	s9 =	sld [smem:$0x3FB3]  }
0x2f: {  	lr =	sadd.s32 s0, s3;
	s0 =	sld [smem:$0x3FAA]  }
0x30: {  	s3 =	sld [smem:$0x3FAD]  }
0x31: {  	[smem:$0x3FB6] =	sst s10  }
0x32: {  	s10 =	sld [smem:$0x3FB4];
	_ =	sdelay $0x3  }
0x33: {  	p0 =	seq.s32 s10, $0x1;
	s10 =	sld [smem:$0x3FB6];
	_ =	sdelay $0x3  }
0x34: {  	[smem:$0x3FB6] =	sst s10  }
0x35: {  	s10 =	sld [smem:$0x3FB5];
	_ =	sdelay $0x3  }
0x36: {  	p1 =	seq.s32 s10, $0x1;
	s10 =	sld [smem:$0x3FB6];
	_ =	sdelay $0x3  }
0x37: {  	[smem:$0x3FB6] =	sst s10  }
0x38: {  	s10 =	sld [smem:$0x3FB7]  }
0x39: {  	_ = 	snop;
	(pc) =	sbr.ind lr, $3  }
0x3a: {  	_ = 	snop  }
0x3b: {  	_ = 	snop  }
0x3c: {  	p2 =	seq.s32 s10, $0x1;
	s10 =	sld [smem:$0x3FB6]  }
0x3d: {  	_ =	shalt  }
0x3e: {  	_ =	shalt  }
0x3f: {  	_ =	shalt  }
0x40: {  	_ =	shalt  }
0x41: {  	_ =	shalt  }
0x42: {  	_ =	shalt  }
0x43: {  	_ =	shalt  }
0x44: {  	_ =	shalt  }
0x45: {  	_ =	shalt  }
0x46: {  	_ =	shalt  }
0x47: {  	_ =	shalt  }
0x48: {  	_ =	shalt  }
0x49: {  	_ =	shalt  }
0x4a: {  	_ =	shalt  }
0x4b: {  	_ =	shalt  }
0x4c: {  	_ =	shalt  }
0x4d: {  	_ =	shalt  }
0x4e: {  	_ =	shalt  }
0x4f: {  	_ =	shalt  }
0x50: {  	_ =	shalt  }
0x51: {  	_ =	shalt  }
0x52: {  	_ =	shalt  }
0x53: {  	_ =	shalt  }
0x54: {  	_ =	shalt  }
0x55: {  	_ =	shalt  }
0x56: {  	_ =	shalt  }
0x57: {  	_ =	shalt  }
0x58: {  	_ =	shalt  }
0x59: {  	_ =	shalt  }
0x5a: {  	_ =	shalt  }
0x5b: {  	_ =	shalt  }
0x5c: {  	_ =	shalt  }
0x5d: {  	_ =	shalt  }
0x5e: {  	_ =	shalt  }
0x5f: {  	_ =	shalt  }
0x60: {  	_ =	shalt  }
0x61: {  	_ =	shalt  }
0x62: {  	_ =	shalt  }
0x63: {  	_ =	shalt  }
0x64: {  	_ =	shalt  }
0x65: {  	_ =	shalt  }
0x66: {  	_ =	shalt  }
0x67: {  	_ =	shalt  }
0x68: {  	_ =	shalt  }
0x69: {  	_ =	shalt  }
0x6a: {  	_ =	shalt  }
0x6b: {  	_ =	shalt  }
0x6c: {  	_ =	shalt  }
0x6d: {  	_ =	shalt  }
0x6e: {  	_ =	shalt  }
0x6f: {  	_ =	shalt  }
0x70: {  	_ =	shalt  }
0x71: {  	_ =	shalt  }
0x72: {  	_ =	shalt  }
0x73: {  	_ =	shalt  }
0x74: {  	_ =	shalt  }
0x75: {  	_ =	shalt  }
0x76: {  	_ =	shalt  }
0x77: {  	_ =	shalt  }
0x78: {  	_ =	shalt  }
0x79: {  	_ =	shalt  }
0x7a: {  	_ =	shalt  }
0x7b: {  	_ =	shalt  }
0x7c: {  	_ =	shalt  }
0x7d: {  	_ =	shalt  }
0x7e: {  	_ =	shalt  }
0x7f: {  	_ =	shalt  }
0x80: {  	_ =	shalt  }
0x81: {  	_ =	shalt  }
0x82: {  	_ =	shalt  }
0x83: {  	_ =	shalt  }
0x84: {  	_ =	shalt  }
0x85: {  	_ =	shalt  }
0x86: {  	_ =	shalt  }
0x87: {  	_ =	shalt  }
.Lfunc_end0:
.L_simem_size_0:
called_computation.2_lowered:
.L_overlay_start_0:
0x88: {  	s2 =	sld [smem:$0x3FD9]  }
0x89: {  	s3 =	sld [smem:$0x3FFE];
	_ =	sdelay $0x1  }
0x8a: {  	s1 =	srdreg.scid  }
0x8b: {  	s0 =	sand.u32 $0x1, s1  }
0x8c: {  	s17 =	sshll.u32 s0, $0xA;
	s2 =	sadd.s32 s3, s2  }
0x8d: {  	s2 =	sadd.s32 s2, s17  }
0x8e: {  	[smem:$0x3FC2] =	sst s2  }
0x8f: {  	_ = 	snop  }
0x90: {  	s2 =	sld [smem:$0x3FD0];
	(tm) =	ssettm $0x1  }
0x91: {  	s18 =	sld [smem:$0x3FFB];
	_ =	sdelay $0x3  }
0x92: {  	_ =	strace s18  }
0x93: {  	s3 =	sld [smem:$0x3FFC];
	_ =	sdelay $0x3  }
0x94: {  	_ =	strace s3  }
0x95: {  	s3 =	sld [smem:$0x3FFD];
	_ =	sdelay $0x3  }
0x96: {  	_ =	strace s3  }
0x97: {  	_ =	strace $0x8FFFFFFF  }
0x98: {  	s19 =	sld [smem:$0x3FDB];
	_ =	sdelay $0x1  }
0x99: {  	s4 =	simm.s32 $_scs_section_size  }
0x9a: {  	s5 =	simm.s32 $_size__tile_overlayer_lowered;
	s6 =	simm.s32 $_tile_overlayer_lowered  }
0x9b: {  	s22 =	simm.s32 $0x1BFF;
	s21 =	sshll.u32 s6, $0x1;
	s3 =	sadd.s32 s4, s19  }
0x9c: {  	s7 =	simm.s32 $0x0;
	s20 =	sshll.u32 s5, $0x1;
	s5 =	sadd.s32 s21, s3  }
0x9d: {  	[timem:s7], [sflag:s22] =	dma.local [hbm:s5], s20  }
0x9e: {  	_ =	swait.ge [sflag:s22], s20  }
0x9f: {  	s4 =	ssub.s32 $0x0, s20;
	[sflag:s22] =	ssyncset.done $0x0  }
0xa0: {  	[sflag:s22] =	ssyncadd.s32 s4;
	_ =	sdelay $0x1  }
0xa1: {  	s23 =	simm.s32 $0x1B8B  }
0xa2: {  	_ =	swait.ge [sflag:s23], $0x1  }
0xa3: {  	[sflag:s23] =	ssyncset.done $0x0  }
0xa4: {  	s25 =	simm.s32 $0x1B8E;
	s24 =	sld [smem:$0x3FFE];
	[sflag:s23] =	ssyncadd.s32 $0xFFFFFFFF  }
0xa5: {  	s26 =	simm.s32 $execute0_lowered;
	[smem:$0x3FD2] =	sst s25  }
0xa6: {  	s5 =	sshll.u32 s26, $0x1;
	_ =	strace $0x8000004C;
	[dreg:$0x1] =	wrdreg $0xFFFFFFFF  }
0xa7: {  	s28 =	simm.s32 $_size_execute0_lowered;
	s3 =	sadd.s32 s3, s5;
	[dreg:$0x0] =	wrdreg $0x0  }
0xa8: {  	s5 =	sshll.u32 s28, $0x1;
	[dreg:$0x2] =	wrdreg s3  }
0xa9: {  	[dreg:$0x3] =	wrdreg s5  }
0xaa: {  	[dreg:$0x4] =	wrdreg $0xC0  }
0xab: {  	_ =	task [dreg:s7], $0x5FFFF  }
0xac: {  	[dreg:$0x1] =	wrdreg $0xFFFFFFFF  }
0xad: {  	[dreg:$0x0] =	wrdreg $0x60  }
0xae: {  	[dreg:$0x2] =	wrdreg s2  }
0xaf: {  	[dreg:$0x3] =	wrdreg s24  }
0xb0: {  	[dreg:$0x4] =	wrdreg $0xF8000  }
0xb1: {  	[dreg:$0x5] =	wrdreg $0x9  }
0xb2: {  	_ =	task.clear_ibuf [dreg:s7], $0x6FFFF;
	_ =	strace $0x9000004C  }
0xb3: {  	s29 =	simm.s32 $0x9;
	_ =	strace $0x8000004E  }
0xb4: {  	_ =	swait.ge [sflag:s29], $0x1  }
0xb5: {  	[sflag:s29] =	ssyncadd.s32 $0xFFFFFFFF  }
0xb6: {  	_ =	strace $0x9000004E  }
0xb7: {  	_ =	sfence  }
0xb8: {  	s30 =	sld [smem:$0x0];
	_ =	sdelay $0x2  }
0xb9: {  	s31 =	sshll.u32 s1, $0xD;
	s1 =	sshrl.u32 s1, $0x2  }
0xba: {  	s3 =	sand.u32 $0x4000, s31;
	s1 =	sadd.s32 s1, s30  }
0xbb: {  	s0 =	sor.u32 s3, s0;
	s1 =	sshll.u32 s1, $0x11  }
0xbc: {  	s0 =	sor.u32 s1, s0  }
0xbd: {  	s0 =	sadd.s32 $0x8F2B, s0  }
0xbe: {  	[sflag:s0] =	ssyncadd.remote.s32 $0x1  }
0xbf: {  	_ =	sfence.sel $0xFFFF  }
0xc0: {  	[dreg:$0x0] =	wrdreg $0xFFFFFFFF;
	(pc) =	sbr.abs _section_cstart, $3  }
0xc1: {  	[dreg:$0x1] =	wrdreg $0xFFFFFFFF  }
0xc2: {  	_ =	task.clear_ibuf [dreg:s7], $0x2FFFF;
	_ =	strace $0x9FFFFFFF  }
0xc3: {  	(tm) =	ssettm $0x7FFFFFFF  }
tec
execute0_lowered:
.L_overlay_start_1:
0x0: {  	(tag) =	ssettag $0x1  }
0x1: {  	s0 =	rddreg [dreg:$0x0]  }
0x2: {  	s1 =	rddreg [dreg:$0x1]  }
0x3: {  	s2 =	rddreg [dreg:$0x2]  }
0x4: {  	s13 =	stileid.u32;
	s3 =	srdreg.scid;
	s4 =	simm.s32 $0x0  }
0x5: {  	s14 =	simm.s32 $0x9;
	s15 =	simm.s32 $0x80;
	s16 =	simm.s32 $0x7800  }
0x6: {  	s17 =	simm.s32 $0x9800;
	s19 =	simm.s32 $0xB800;
	s28 =	simm.s32 $0x6  }
0x7: {  	s29 =	simm.s32 $0x7;
	s30 =	simm.s32 $0x8;
	s9 =	smul.u32 $0xA000, s13  }
0x8: {  	s31 =	simm.s32 $0x0;
	s3 =	sand.u32 $0x1, s3;
	s7 =	smul.u32 $0x1400, s13  }
0x9: {  	[smem:$0x7FF] =	sst s4;
	s8 =	sadd.s32 $0x1E00, s1;
	s11 =	smul.u32 $0x780, s13  }
0xa: {  	s4 =	sadd.s32 $0xBE00, s1;
	s26 =	sshll.u32 s13, $0x6;
	s20 =	smul.u32 $0xA0000, s3  }
0xb: {  	_ =	strace $0x8000004D;
	s22 =	ssub.s32 $0x2, s3;
	p0 =	sne.s32 s3, $0x0  }
0xc: {  	s5 =	sshrl.u32 s9, $0x3;
	s23 =	sshrl.u32 s7, $0x3;
	s24 =	sshrl.u32 s22, $0x1  }
0xd: {  	s7 =	sadd.s32 s0, s11;
	s25 =	sadd.s32 s9, s2;
	s6 =	sadd.s32 s9, s20  }
0xe: {  	s10 =	sadd.s32 s5, s1;
	s12 =	ssub.s32 s22, s24;
	s13 =	sshrl.u32 s25, $0x3  }
0xf: {  	s20 =	simm.s32 $0x180;
	s22 =	simm.s32 $0x1;
	s24 =	simm.s32 $0x3  }
.Ltmp0:
0x10: {  	s25 =	simm.s32 $0x4;
	s21 =	sshrl.u32 s6, $0x3;
	(pc) =	sbr.rel .LBB2_1-.Ltmp0, $4  }
0x11: {  	s6 =	sadd.s32 $0x7800, s23;
	s9 =	sadd.s32 $0x33E00, s10;
	s23 =	simm.s32 $0x2  }
0x12: {  	s1 =	sadd.s32 s21, s1;
	s5 =	sadd.s32 s0, s6;
	s6 =	sadd.s32 s8, s6  }
0x13: {  	s8 =	sadd.s32 s8, s11;
	s11 =	smax.u32 s12, $0x1;
	s12 =	sor.u32 $0x1C09, s26  }
0x14: {  	s21 =	simm.s32 $0xD800;
	s26 =	simm.s32 $0x5;
	s10 =	sadd.s32 $0x47E00, s1  }
.LBB2_4:
0x15: {  	[tilespmem:s21], [sflag:$0x4] =	stream.indirect.gather [hbm4b:s4+s15], $0x40, s1, s15, $0xb8;
	[tilespmem:$0x19800] =	vst v63  }
0x16: {  	s0 =	simm.s32 $0x7780  }
0x17: {  	s1 =	simm.s32 $0x7700;
	s3 =	simm.s32 $0x7680;
	s18 =	simm.s32 $0x7600  }
.LBB2_8:
0x18: {  	_ =	swait.ge [sflag:s22], $0x2000  }
0x19: {  	[sflag:s22] =	ssyncset.done $0x0  }
0x1a: {  	[sflag:s22] =	ssyncadd.s32 $0xFFFFE000  }
0x1b: {  	[spmem:s2] =	stream.indirect.scatter.add.f32 [tilespmem:s16], [sflag:$0x5], $0x40, s18, s15, $0xb8;
	[tilespmem:$0x19800] =	vst v63  }
0x1c: {  	_ =	swait.ge [sflag:s23], $0x2000  }
0x1d: {  	[sflag:s23] =	ssyncset.done $0x0  }
0x1e: {  	[sflag:s23] =	ssyncadd.s32 $0xFFFFE000  }
0x1f: {  	[spmem:s2] =	stream.indirect.scatter.add.f32 [tilespmem:s17], [sflag:$0x6], $0x40, s3, s15, $0xb8;
	[tilespmem:$0x19800] =	vst v63  }
0x20: {  	_ =	swait.ge [sflag:s24], $0x2000  }
0x21: {  	[sflag:s24] =	ssyncset.done $0x0  }
0x22: {  	[sflag:s24] =	ssyncadd.s32 $0xFFFFE000  }
0x23: {  	[spmem:s2] =	stream.indirect.scatter.add.f32 [tilespmem:s19], [sflag:$0x7], $0x40, s1, s15, $0xb8;
	[tilespmem:$0x19800] =	vst v63  }
0x24: {  	_ =	swait.ge [sflag:s25], $0x2000  }
0x25: {  	[sflag:s25] =	ssyncset.done $0x0  }
0x26: {  	[sflag:s25] =	ssyncadd.s32 $0xFFFFE000  }
0x27: {  	[spmem:s2] =	stream.indirect.scatter.add.f32 [tilespmem:s21], [sflag:$0x8], $0x40, s0, s15, $0xb8;
	[tilespmem:$0x19800] =	vst v63  }
0x28: {  	_ =	swait.ge [sflag:s26], $0x2000  }
0x29: {  	[sflag:s26] =	ssyncset.done $0x0  }
0x2a: {  	[sflag:s26] =	ssyncadd.s32 $0xFFFFE000  }
0x2b: {  	_ =	swait.ge [sflag:s28], $0x2000  }
0x2c: {  	[sflag:s28] =	ssyncset.done $0x0  }
0x2d: {  	[sflag:s28] =	ssyncadd.s32 $0xFFFFE000  }
0x2e: {  	_ =	swait.ge [sflag:s29], $0x2000  }
0x2f: {  	[sflag:s29] =	ssyncset.done $0x0  }
0x30: {  	[sflag:s29] =	ssyncadd.s32 $0xFFFFE000  }
0x31: {  	_ =	swait.ge [sflag:s30], $0x2000  }
0x32: {  	s31 =	sadd.s32 $0x1, s31;
	[sflag:s30] =	ssyncset.done $0x0  }
0x33: {  	p1 =	sne.s32 s31, s11;
	[sflag:s30] =	ssyncadd.s32 $0xFFFFE000  }
.Ltmp1:
0x34: {  	[bflag:$0x0] =	sbarrier.arrive $0xFFFF;
	(pc) =	sbr.rel @!p1 .LBB2_9-.Ltmp1, $4  }
0x35: {  	[hbm:s10], [sflag:s12] =	dma.local [spmem:s13], $0x1400  }
0x36: {  	_ =	swait.ge [sflag:s14], $0x1400  }
0x37: {  	[sflag:s14] =	ssyncset.done $0x0  }
0x38: {  	[sflag:s14] =	ssyncadd.s32 $0xFFFFEC00  }
.LBB2_1:
0x39: {  	s0 =	simm.s32 @p0 $0x0;
	s1 =	simm.s32 @p0 $0x9  }
0x3a: {  	[tilespmem:s0], [sflag:$0x9] =	stream.linear.gather @p0 [hbm4b:s5+s0], $0x1400, $0x38;
	[tilespmem:$0x19800] =	vst v63  }
0x3b: {  	_ =	swait.ge @p0 [sflag:s1], $0x1400  }
0x3c: {  	[sflag:s1] =	ssyncset.done @p0 $0x0  }
0x3d: {  	s3 =	simm.s32 @p0 $0x3C00;
	[sflag:s1] =	ssyncadd.s32 @p0 $0xFFFFEC00  }
0x3e: {  	[tilespmem:s3], [sflag:$0x9] =	stream.linear.gather @p0 [hbm4b:s6+s0], $0x1400, $0x38;
	[tilespmem:$0x19800] =	vst v63  }
0x3f: {  	_ =	swait.ge @p0 [sflag:s1], $0x1400  }
0x40: {  	[sflag:s1] =	ssyncset.done @p0 $0x0  }
0x41: {  	s0 =	simm.s32 @!p0 $0x0;
	[sflag:s1] =	ssyncadd.s32 @p0 $0xFFFFEC00;
	s1 =	simm.s32 @!p0 $0x9  }
0x42: {  	[tilespmem:s0], [sflag:$0x9] =	stream.linear.gather @!p0 [hbm4b:s7+s0], $0x3C00, $0x38;
	[tilespmem:$0x19800] =	vst v63  }
0x43: {  	_ =	swait.ge @!p0 [sflag:s1], $0x3C00  }
0x44: {  	[sflag:s1] =	ssyncset.done @!p0 $0x0  }
0x45: {  	s3 =	simm.s32 @!p0 $0x3C00;
	[sflag:s1] =	ssyncadd.s32 @!p0 $0xFFFFC400  }
0x46: {  	[tilespmem:s3], [sflag:$0x9] =	stream.linear.gather @!p0 [hbm4b:s8+s0], $0x3C00, $0x38;
	[tilespmem:$0x19800] =	vst v63  }
0x47: {  	_ =	swait.ge @!p0 [sflag:s1], $0x3C00  }
0x48: {  	[sflag:s1] =	ssyncset.done @!p0 $0x0  }
0x49: {  	[sflag:s1] =	ssyncadd.s32 @!p0 $0xFFFFC400  }
0x4a: {  	[spmem:s13], [sflag:s12] =	dma.local [hbm:s9], $0x1400  }
0x4b: {  	_ =	swait.ge [sflag:s14], $0x1400  }
0x4c: {  	[sflag:s14] =	ssyncset.done $0x0  }
0x4d: {  	[sflag:s14] =	ssyncadd.s32 $0xFFFFEC00  }
0x4e: {  	s3 =	simm.s32 $0x0;
	[bflag:$0x0] =	sbarrier.arrive $0xFFFF  }
0x4f: {  	[tilespmem:s16], [sflag:$0x1] =	stream.indirect.gather [hbm4b:s4+s15], $0x40, s3, s15, $0xb8;
	[tilespmem:$0x19800] =	vst v63  }
0x50: {  	_ = 	snop  }
0x51: {  	[tilespmem:s17], [sflag:$0x2] =	stream.indirect.gather [hbm4b:s4+s15], $0x40, s15, s15, $0xb8;
	[tilespmem:$0x19800] =	vst v63  }
.Ltmp2:
0x52: {  	_ = 	snop;
	(pc) =	sbr.rel @p0 .LBB2_5-.Ltmp2, $4  }
0x53: {  	s18 =	simm.s32 $0x100  }
0x54: {  	[tilespmem:s19], [sflag:$0x3] =	stream.indirect.gather [hbm4b:s4+s15], $0x40, s18, s15, $0xb8;
	[tilespmem:$0x19800] =	vst v63  }
0x55: {  	_ = 	snop  }
0x56: {  	[tilespmem:s21], [sflag:$0x4] =	stream.indirect.gather [hbm4b:s4+s15], $0x40, s20, s15, $0xb8;
	[tilespmem:$0x19800] =	vst v63  }
0x57: {  	_ =	swait.ge [sflag:s22], $0x2000  }
0x58: {  	[sflag:s22] =	ssyncset.done $0x0  }
0x59: {  	s0 =	simm.s32 $0x3C00;
	[sflag:s22] =	ssyncadd.s32 $0xFFFFE000  }
0x5a: {  	[spmem:s2] =	stream.indirect.scatter.add.f32 [tilespmem:s16], [sflag:$0x5], $0x40, s0, s15, $0xb8;
	[tilespmem:$0x19800] =	vst v63  }
0x5b: {  	_ =	swait.ge [sflag:s23], $0x2000  }
0x5c: {  	[sflag:s23] =	ssyncset.done $0x0  }
0x5d: {  	s1 =	simm.s32 $0x3C80;
	[sflag:s23] =	ssyncadd.s32 $0xFFFFE000  }
0x5e: {  	[spmem:s2] =	stream.indirect.scatter.add.f32 [tilespmem:s17], [sflag:$0x6], $0x40, s1, s15, $0xb8;
	[tilespmem:$0x19800] =	vst v63  }
0x5f: {  	_ =	swait.ge [sflag:s24], $0x2000  }
0x60: {  	[sflag:s24] =	ssyncset.done $0x0  }
0x61: {  	s3 =	simm.s32 $0x3D00;
	[sflag:s24] =	ssyncadd.s32 $0xFFFFE000  }
0x62: {  	[spmem:s2] =	stream.indirect.scatter.add.f32 [tilespmem:s19], [sflag:$0x7], $0x40, s3, s15, $0xb8;
	[tilespmem:$0x19800] =	vst v63  }
0x63: {  	_ =	swait.ge [sflag:s25], $0x2000  }
0x64: {  	[sflag:s25] =	ssyncset.done $0x0  }
0x65: {  	s18 =	simm.s32 $0x3D80;
	[sflag:s25] =	ssyncadd.s32 $0xFFFFE000  }
0x66: {  	[spmem:s2] =	stream.indirect.scatter.add.f32 [tilespmem:s21], [sflag:$0x8], $0x40, s18, s15, $0xb8;
	[tilespmem:$0x19800] =	vst v63  }
0x67: {  	_ =	swait.ge [sflag:s26], $0x2000  }
0x68: {  	[sflag:s26] =	ssyncset.done $0x0  }
0x69: {  	s1 =	simm.s32 $0x200;
	[sflag:s26] =	ssyncadd.s32 $0xFFFFE000  }
0x6a: {  	[tilespmem:s16], [sflag:$0x1] =	stream.indirect.gather [hbm4b:s4+s15], $0x40, s1, s15, $0xb8;
	[tilespmem:$0x19800] =	vst v63  }
0x6b: {  	_ =	swait.ge [sflag:s28], $0x2000  }
0x6c: {  	[sflag:s28] =	ssyncset.done $0x0  }
0x6d: {  	s3 =	simm.s32 $0x280;
	[sflag:s28] =	ssyncadd.s32 $0xFFFFE000  }
0x6e: {  	[tilespmem:s17], [sflag:$0x2] =	stream.indirect.gather [hbm4b:s4+s15], $0x40, s3, s15, $0xb8;
	[tilespmem:$0x19800] =	vst v63  }
0x6f: {  	_ =	swait.ge [sflag:s29], $0x2000  }
0x70: {  	p1 =	por $0x0, $0x0;
	[sflag:s29] =	ssyncset.done $0x0  }
.Ltmp3:
0x71: {  	s18 =	simm.s32 $0x300;
	[sflag:s29] =	ssyncadd.s32 $0xFFFFE000;
	(pc) =	sbr.rel @p1 .LBB2_4-.Ltmp3, $4  }
0x72: {  	[tilespmem:s19], [sflag:$0x3] =	stream.indirect.gather [hbm4b:s4+s15], $0x40, s18, s15, $0xb8;
	[tilespmem:$0x19800] =	vst v63  }
0x73: {  	_ =	swait.ge [sflag:s30], $0x2000  }
0x74: {  	[sflag:s30] =	ssyncset.done $0x0  }
0x75: {  	s0 =	simm.s32 $0x800;
	s1 =	simm.s32 $0x380;
	[sflag:s30] =	ssyncadd.s32 $0xFFFFE000  }
.LBB2_3:
0x76: {  	[tilespmem:s21], [sflag:$0x4] =	stream.indirect.gather [hbm4b:s4+s15], $0x40, s1, s15, $0xb8;
	[tilespmem:$0x19800] =	vst v63  }
0x77: {  	s1 =	smov.u32 s0  }
0x78: {  	p1 =	seq.s32 s0, $0xE000;
	s0 =	sadd.s32 $0x800, s0;
	_ =	swait.ge [sflag:s22], $0x2000  }
0x79: {  	s1 =	sshra.s32 s1, $0x2;
	[sflag:s22] =	ssyncset.done $0x0  }
0x7a: {  	s3 =	sadd.s32 $0x3C00, s1;
	[sflag:s22] =	ssyncadd.s32 $0xFFFFE000  }
0x7b: {  	[spmem:s2] =	stream.indirect.scatter.add.f32 [tilespmem:s16], [sflag:$0x5], $0x40, s3, s15, $0xb8;
	[tilespmem:$0x19800] =	vst v63  }
0x7c: {  	_ =	swait.ge [sflag:s23], $0x2000  }
0x7d: {  	[sflag:s23] =	ssyncset.done $0x0  }
0x7e: {  	s3 =	sadd.s32 $0x3C80, s1;
	[sflag:s23] =	ssyncadd.s32 $0xFFFFE000  }
0x7f: {  	[spmem:s2] =	stream.indirect.scatter.add.f32 [tilespmem:s17], [sflag:$0x6], $0x40, s3, s15, $0xb8;
	[tilespmem:$0x19800] =	vst v63  }
0x80: {  	_ =	swait.ge [sflag:s24], $0x2000  }
0x81: {  	[sflag:s24] =	ssyncset.done $0x0  }
0x82: {  	s3 =	sadd.s32 $0x3D00, s1;
	[sflag:s24] =	ssyncadd.s32 $0xFFFFE000  }
0x83: {  	[spmem:s2] =	stream.indirect.scatter.add.f32 [tilespmem:s19], [sflag:$0x7], $0x40, s3, s15, $0xb8;
	[tilespmem:$0x19800] =	vst v63  }
0x84: {  	_ =	swait.ge [sflag:s25], $0x2000  }
0x85: {  	[sflag:s25] =	ssyncset.done $0x0  }
0x86: {  	s3 =	sadd.s32 $0x3D80, s1;
	[sflag:s25] =	ssyncadd.s32 $0xFFFFE000  }
0x87: {  	[spmem:s2] =	stream.indirect.scatter.add.f32 [tilespmem:s21], [sflag:$0x8], $0x40, s3, s15, $0xb8;
	[tilespmem:$0x19800] =	vst v63  }
0x88: {  	_ =	swait.ge [sflag:s26], $0x2000  }
0x89: {  	[sflag:s26] =	ssyncset.done $0x0  }
0x8a: {  	s3 =	sadd.s32 $0x200, s1;
	[sflag:s26] =	ssyncadd.s32 $0xFFFFE000  }
0x8b: {  	[tilespmem:s16], [sflag:$0x1] =	stream.indirect.gather [hbm4b:s4+s15], $0x40, s3, s15, $0xb8;
	[tilespmem:$0x19800] =	vst v63  }
0x8c: {  	_ =	swait.ge [sflag:s28], $0x2000  }
0x8d: {  	[sflag:s28] =	ssyncset.done $0x0  }
0x8e: {  	s3 =	sadd.s32 $0x280, s1;
	[sflag:s28] =	ssyncadd.s32 $0xFFFFE000  }
0x8f: {  	[tilespmem:s17], [sflag:$0x2] =	stream.indirect.gather [hbm4b:s4+s15], $0x40, s3, s15, $0xb8;
	[tilespmem:$0x19800] =	vst v63  }
0x90: {  	_ =	swait.ge [sflag:s29], $0x2000  }
0x91: {  	[sflag:s29] =	ssyncset.done $0x0  }
.Ltmp4:
0x92: {  	s3 =	sadd.s32 $0x300, s1;
	[sflag:s29] =	ssyncadd.s32 $0xFFFFE000;
	(pc) =	sbr.rel @!p1 .LBB2_3-.Ltmp4, $4  }
0x93: {  	[tilespmem:s19], [sflag:$0x3] =	stream.indirect.gather [hbm4b:s4+s15], $0x40, s3, s15, $0xb8;
	[tilespmem:$0x19800] =	vst v63  }
0x94: {  	_ =	swait.ge [sflag:s30], $0x2000  }
0x95: {  	[sflag:s30] =	ssyncset.done $0x0  }
0x96: {  	s1 =	sadd.s32 $0x380, s1;
	[sflag:s30] =	ssyncadd.s32 $0xFFFFE000  }
.Ltmp5:
0x97: {  	_ = 	snop;
	(pc) =	sbr.rel .LBB2_4-.Ltmp5, $1  }
0x98: {  	_ =	sdelay $0x3  }
.LBB2_5:
0x99: {  	_ =	swait.ge [sflag:s22], $0x2000  }
0x9a: {  	[sflag:s22] =	ssyncset.done $0x0  }
0x9b: {  	s0 =	simm.s32 $0x3C00;
	[sflag:s22] =	ssyncadd.s32 $0xFFFFE000  }
0x9c: {  	[spmem:s2] =	stream.indirect.scatter.add.f32 [tilespmem:s16], [sflag:$0x5], $0x40, s0, s15, $0xb8;
	[tilespmem:$0x19800] =	vst v63  }
0x9d: {  	_ =	swait.ge [sflag:s23], $0x2000  }
0x9e: {  	[sflag:s23] =	ssyncset.done $0x0  }
0x9f: {  	s1 =	simm.s32 $0x3C80;
	[sflag:s23] =	ssyncadd.s32 $0xFFFFE000  }
0xa0: {  	[spmem:s2] =	stream.indirect.scatter.add.f32 [tilespmem:s17], [sflag:$0x6], $0x40, s1, s15, $0xb8;
	[tilespmem:$0x19800] =	vst v63  }
0xa1: {  	_ =	swait.ge [sflag:s24], $0x2000  }
0xa2: {  	[sflag:s24] =	ssyncset.done $0x0  }
0xa3: {  	s3 =	simm.s32 $0x3D00;
	[sflag:s24] =	ssyncadd.s32 $0xFFFFE000  }
0xa4: {  	[spmem:s2] =	stream.indirect.scatter.add.f32 [tilespmem:s19], [sflag:$0x7], $0x40, s3, s15, $0xb8;
	[tilespmem:$0x19800] =	vst v63  }
0xa5: {  	_ =	swait.ge [sflag:s25], $0x2000  }
0xa6: {  	[sflag:s25] =	ssyncset.done $0x0  }
0xa7: {  	s18 =	simm.s32 $0x3D80;
	[sflag:s25] =	ssyncadd.s32 $0xFFFFE000  }
0xa8: {  	[spmem:s2] =	stream.indirect.scatter.add.f32 [tilespmem:s21], [sflag:$0x8], $0x40, s18, s15, $0xb8;
	[tilespmem:$0x19800] =	vst v63  }
0xa9: {  	_ =	swait.ge [sflag:s26], $0x2000  }
0xaa: {  	[sflag:s26] =	ssyncset.done $0x0  }
0xab: {  	s1 =	simm.s32 $0x200;
	[sflag:s26] =	ssyncadd.s32 $0xFFFFE000  }
0xac: {  	[tilespmem:s16], [sflag:$0x1] =	stream.indirect.gather [hbm4b:s4+s15], $0x40, s1, s15, $0xb8;
	[tilespmem:$0x19800] =	vst v63  }
0xad: {  	_ =	swait.ge [sflag:s28], $0x2000  }
0xae: {  	[sflag:s28] =	ssyncset.done $0x0  }
0xaf: {  	s3 =	simm.s32 $0x280;
	[sflag:s28] =	ssyncadd.s32 $0xFFFFE000  }
0xb0: {  	[tilespmem:s17], [sflag:$0x2] =	stream.indirect.gather [hbm4b:s4+s15], $0x40, s3, s15, $0xb8;
	[tilespmem:$0x19800] =	vst v63  }
0xb1: {  	_ =	swait.ge [sflag:s29], $0x2000  }
0xb2: {  	[sflag:s29] =	ssyncset.done $0x0  }
0xb3: {  	s18 =	simm.s32 $0x300;
	[sflag:s29] =	ssyncadd.s32 $0xFFFFE000  }
0xb4: {  	[tilespmem:s19], [sflag:$0x3] =	stream.indirect.gather [hbm4b:s4+s15], $0x40, s18, s15, $0xb8;
	[tilespmem:$0x19800] =	vst v63  }
0xb5: {  	_ =	swait.ge [sflag:s30], $0x2000  }
0xb6: {  	[sflag:s30] =	ssyncset.done $0x0  }
0xb7: {  	s0 =	simm.s32 $0x800;
	s1 =	simm.s32 $0x380;
	[sflag:s30] =	ssyncadd.s32 $0xFFFFE000  }
.LBB2_6:
0xb8: {  	[tilespmem:s21], [sflag:$0x4] =	stream.indirect.gather [hbm4b:s4+s15], $0x40, s1, s15, $0xb8;
	[tilespmem:$0x19800] =	vst v63  }
0xb9: {  	s1 =	smov.u32 s0  }
0xba: {  	p1 =	sne.s32 s0, $0x4000;
	s0 =	sadd.s32 $0x800, s0;
	_ =	swait.ge [sflag:s22], $0x2000  }
0xbb: {  	s1 =	sshra.s32 s1, $0x2;
	[sflag:s22] =	ssyncset.done $0x0  }
0xbc: {  	s3 =	sadd.s32 $0x3C00, s1;
	[sflag:s22] =	ssyncadd.s32 $0xFFFFE000  }
0xbd: {  	[spmem:s2] =	stream.indirect.scatter.add.f32 [tilespmem:s16], [sflag:$0x5], $0x40, s3, s15, $0xb8;
	[tilespmem:$0x19800] =	vst v63  }
0xbe: {  	_ =	swait.ge [sflag:s23], $0x2000  }
0xbf: {  	[sflag:s23] =	ssyncset.done $0x0  }
0xc0: {  	s3 =	sadd.s32 $0x3C80, s1;
	[sflag:s23] =	ssyncadd.s32 $0xFFFFE000  }
0xc1: {  	[spmem:s2] =	stream.indirect.scatter.add.f32 [tilespmem:s17], [sflag:$0x6], $0x40, s3, s15, $0xb8;
	[tilespmem:$0x19800] =	vst v63  }
0xc2: {  	_ =	swait.ge [sflag:s24], $0x2000  }
0xc3: {  	[sflag:s24] =	ssyncset.done $0x0  }
0xc4: {  	s3 =	sadd.s32 $0x3D00, s1;
	[sflag:s24] =	ssyncadd.s32 $0xFFFFE000  }
0xc5: {  	[spmem:s2] =	stream.indirect.scatter.add.f32 [tilespmem:s19], [sflag:$0x7], $0x40, s3, s15, $0xb8;
	[tilespmem:$0x19800] =	vst v63  }
0xc6: {  	_ =	swait.ge [sflag:s25], $0x2000  }
0xc7: {  	[sflag:s25] =	ssyncset.done $0x0  }
0xc8: {  	s3 =	sadd.s32 $0x3D80, s1;
	[sflag:s25] =	ssyncadd.s32 $0xFFFFE000  }
0xc9: {  	[spmem:s2] =	stream.indirect.scatter.add.f32 [tilespmem:s21], [sflag:$0x8], $0x40, s3, s15, $0xb8;
	[tilespmem:$0x19800] =	vst v63  }
0xca: {  	_ =	swait.ge [sflag:s26], $0x2000  }
0xcb: {  	[sflag:s26] =	ssyncset.done $0x0  }
0xcc: {  	s3 =	sadd.s32 $0x200, s1;
	[sflag:s26] =	ssyncadd.s32 $0xFFFFE000  }
0xcd: {  	[tilespmem:s16], [sflag:$0x1] =	stream.indirect.gather [hbm4b:s4+s15], $0x40, s3, s15, $0xb8;
	[tilespmem:$0x19800] =	vst v63  }
0xce: {  	_ =	swait.ge [sflag:s28], $0x2000  }
0xcf: {  	[sflag:s28] =	ssyncset.done $0x0  }
0xd0: {  	s3 =	sadd.s32 $0x280, s1;
	[sflag:s28] =	ssyncadd.s32 $0xFFFFE000  }
0xd1: {  	[tilespmem:s17], [sflag:$0x2] =	stream.indirect.gather [hbm4b:s4+s15], $0x40, s3, s15, $0xb8;
	[tilespmem:$0x19800] =	vst v63  }
0xd2: {  	_ =	swait.ge [sflag:s29], $0x2000  }
0xd3: {  	[sflag:s29] =	ssyncset.done $0x0  }
.Ltmp6:
0xd4: {  	s3 =	sadd.s32 $0x300, s1;
	[sflag:s29] =	ssyncadd.s32 $0xFFFFE000;
	(pc) =	sbr.rel @p1 .LBB2_6-.Ltmp6, $4  }
0xd5: {  	[tilespmem:s19], [sflag:$0x3] =	stream.indirect.gather [hbm4b:s4+s15], $0x40, s3, s15, $0xb8;
	[tilespmem:$0x19800] =	vst v63  }
0xd6: {  	_ =	swait.ge [sflag:s30], $0x2000  }
0xd7: {  	[sflag:s30] =	ssyncset.done $0x0  }
0xd8: {  	s1 =	sadd.s32 $0x380, s1;
	[sflag:s30] =	ssyncadd.s32 $0xFFFFE000  }
.Ltmp7:
0xd9: {  	(pc) =	sbr.rel .LBB2_8-.Ltmp7, $4  }
0xda: {  	_ = 	snop  }
0xdb: {  	[tilespmem:s21], [sflag:$0x4] =	stream.indirect.gather [hbm4b:s4+s15], $0x40, s1, s15, $0xb8;
	[tilespmem:$0x19800] =	vst v63  }
0xdc: {  	s0 =	simm.s32 $0x4F80  }
0xdd: {  	s1 =	simm.s32 $0x4F00;
	s3 =	simm.s32 $0x4E80;
	s18 =	simm.s32 $0x4E00  }
.LBB2_9:
0xde: {  	_ =	sfence.sel $0x180000  }
0xdf: {  	[bflag:$0x0] =	sbarrier.arrive $0xFFFF  }
0xe0: {  	_ =	strace $0x9000004D  }
0xe1: {  	s0 =	stileid.u32;
	[bflag:$0x2] =	sbarrier.arrive $0xFFFF  }
0xe2: {  	p0 =	sne.s32 s0, $0x0;
	s0 =	rddreg [dreg:$0x3]  }
0xe3: {  	s0 =	sadd.s32 @!p0 $0x100000, s0  }
0xe4: {  	[sflag:s0] =	ssyncadd.tile.s32 @!p0 $0x1;
	_ =	shalt  }
.Lfunc_end2:
_tile_overlayer_lowered:
.L_overlay_start_2:
0xe5: {  	(tag) =	ssettag $0x2  }
0xe6: {  	s0 =	rddreg [dreg:$0x0];
	s2 =	stileid.u32  }
0xe7: {  	s1 =	rddreg [dreg:$0x1];
	p0 =	sne.s32 s2, $0x0  }
0xe8: {  	s3 =	rddreg [dreg:$0x2];
	[bflag:$0x3] =	sbarrier.arrive $0xFFFF;
	s2 =	simm.s32 @!p0 $0x1C09  }
0xe9: {  	[timem:s3], [sflag:s2] =	dma.local @!p0 [hbm:s0], s1  }
0xea: {  	s0 =	simm.s32 @!p0 $0x9  }
0xeb: {  	_ =	swait.ge @!p0 [sflag:s0], s1  }
0xec: {  	s1 =	ssub.s32 @!p0 $0x0, s1;
	[sflag:s0] =	ssyncset.done @!p0 $0x0  }
0xed: {  	[sflag:s0] =	ssyncadd.s32 @!p0 s1  }
0xee: {  	[bflag:$0x3] =	sbarrier.arrive $0xFFFF  }
0xef: {  	_ =	shalt  }

// kernel: kernel.8.cloned.1.call-start
scs
__scs_entry_jumppad:
0x0: {  	(pc) =	sbr.rel $0x88, $3  }
0x1: {  	(tag) =	ssettag $0x0;
	lr =	simm.s32 $0x1  }
0x2: {  	[smem:$0x3F9B] =	sst lr;
	_ =	strace $0xD0000000  }
0x3: {  	_ = 	snop  }
0x4: {  	_ = 	snop  }
0x5: {  	_ = 	snop  }
0x6: {  	_ = 	snop  }
0x7: {  	_ = 	snop  }
__scs_overlays_trampoline_lowered:
0x8: {  	[smem:$0x3FAA] =	sst s0  }
0x9: {  	[smem:$0x3FAB] =	sst s1  }
0xa: {  	[smem:$0x3FAC] =	sst s2  }
0xb: {  	[smem:$0x3FAD] =	sst s3  }
0xc: {  	[smem:$0x3FAE] =	sst s4  }
0xd: {  	[smem:$0x3FAF] =	sst s5  }
0xe: {  	[smem:$0x3FB0] =	sst s6  }
0xf: {  	[smem:$0x3FB1] =	sst s7  }
0x10: {  	[smem:$0x3FB2] =	sst s8  }
0x11: {  	[smem:$0x3FB3] =	sst s9;
	s0 =	simm.s32 @!p0 $0x0  }
0x12: {  	s1 =	sld [smem:$0x3F99];
	s0 =	simm.s32 @p0 $0x1  }
0x13: {  	[smem:$0x3FB4] =	sst s0;
	s0 =	simm.s32 @!p1 $0x0  }
0x14: {  	s2 =	sld [smem:$0x3F98];
	s0 =	simm.s32 @p1 $0x1  }
0x15: {  	[smem:$0x3FB5] =	sst s0;
	s0 =	simm.s32 @!p2 $0x0  }
0x16: {  	s3 =	sld [smem:$0x3FDB];
	s0 =	simm.s32 @p2 $0x1  }
0x17: {  	s4 =	simm.s32 $0x1BF5;
	[smem:$0x3FB7] =	sst s0  }
0x18: {  	s0 =	sld [smem:$0x3F9A];
	_ =	swait.ge [sflag:s4], $0x0  }
0x19: {  	s7 =	sld [smem:$0x3F9B]  }
0x1a: {  	s8 =	sadd.s32 $0xFFFFE003, lr  }
0x1b: {  	s9 =	sadd.s32 $0xFFFFFEF7, lr;
	s5 =	simm.s32 $0xFFFFFFFF;
	p2 =	slt.u32 s8, $0xFFFFF086  }
0x1c: {  	p1 =	slt.u32 s9, $0xF7A;
	s5 =	simm.s32 @!p2 $0x0  }
0x1d: {  	s5 =	simm.s32 @p1 $0x1;
	p0 =	seq.s32 s7, s2  }
0x1e: {  	s7 =	smul.u32 @!p0 $0xF7A, s2;
	p2 =	seq.s32 @!p0 s5, $0x0  }
0x1f: {  	s9 =	smul.u32 $0xF7A, s1;
	s8 =	simm.s32 @!p0 $0x1BF5;
	p2 =	por !p2, p0  }
0x20: {  	[sflag:s8] =	ssyncset.s32 @!p0 $0xFFFFF086;
	s6 =	sadd.s32 @!p0 s3, s7;
	s7 =	simm.s32 @!p0 $0x108  }
0x21: {  	s3 =	sadd.s32 s3, s9;
	s6 =	sadd.s32 @!p0 $0x88, s6;
	s7 =	simm.s32 @p2 $0x1082  }
0x22: {  	[simem:s7], [sflag:s8] =	dma.local @!p0 [hbm:s6], $0xF7A  }
0x23: {  	s9 =	sor.u32 $0xD0000000, s2;
	s6 =	simm.s32 $0x108;
	_ =	swait.ge @!p0 [sflag:s8], $0x0  }
0x24: {  	s3 =	sadd.s32 $0x88, s3;
	s6 =	simm.s32 @!p1 $0x1082;
	[sflag:s4] =	ssyncset.s32 $0xFFFFF086  }
0x25: {  	[simem:s6], [sflag:s4] =	dma.local [hbm:s3], $0xF7A  }
0x26: {  	[smem:$0x3F9B] =	sst s1;
	(tag) =	ssettag s2;
	_ =	strace s9  }
0x27: {  	s1 =	sld [smem:$0x3FAB]  }
0x28: {  	s2 =	sld [smem:$0x3FAC]  }
0x29: {  	s4 =	sld [smem:$0x3FAE]  }
0x2a: {  	p0 =	seq.s32 s5, $0x0;
	s5 =	sld [smem:$0x3FAF]  }
0x2b: {  	s6 =	sld [smem:$0x3FB0]  }
0x2c: {  	s7 =	sld [smem:$0x3FB1]  }
0x2d: {  	s3 =	simm.s32 $0x108;
	s8 =	sld [smem:$0x3FB2]  }
0x2e: {  	s3 =	simm.s32 @!p0 $0x1082;
	s9 =	sld [smem:$0x3FB3]  }
0x2f: {  	lr =	sadd.s32 s0, s3;
	s0 =	sld [smem:$0x3FAA]  }
0x30: {  	s3 =	sld [smem:$0x3FAD]  }
0x31: {  	[smem:$0x3FB6] =	sst s10  }
0x32: {  	s10 =	sld [smem:$0x3FB4];
	_ =	sdelay $0x3  }
0x33: {  	p0 =	seq.s32 s10, $0x1;
	s10 =	sld [smem:$0x3FB6];
	_ =	sdelay $0x3  }
0x34: {  	[smem:$0x3FB6] =	sst s10  }
0x35: {  	s10 =	sld [smem:$0x3FB5];
	_ =	sdelay $0x3  }
0x36: {  	p1 =	seq.s32 s10, $0x1;
	s10 =	sld [smem:$0x3FB6];
	_ =	sdelay $0x3  }
0x37: {  	[smem:$0x3FB6] =	sst s10  }
0x38: {  	s10 =	sld [smem:$0x3FB7]  }
0x39: {  	_ = 	snop;
	(pc) =	sbr.ind lr, $3  }
0x3a: {  	_ = 	snop  }
0x3b: {  	_ = 	snop  }
0x3c: {  	p2 =	seq.s32 s10, $0x1;
	s10 =	sld [smem:$0x3FB6]  }
0x3d: {  	_ =	shalt  }
0x3e: {  	_ =	shalt  }
0x3f: {  	_ =	shalt  }
0x40: {  	_ =	shalt  }
0x41: {  	_ =	shalt  }
0x42: {  	_ =	shalt  }
0x43: {  	_ =	shalt  }
0x44: {  	_ =	shalt  }
0x45: {  	_ =	shalt  }
0x46: {  	_ =	shalt  }
0x47: {  	_ =	shalt  }
0x48: {  	_ =	shalt  }
0x49: {  	_ =	shalt  }
0x4a: {  	_ =	shalt  }
0x4b: {  	_ =	shalt  }
0x4c: {  	_ =	shalt  }
0x4d: {  	_ =	shalt  }
0x4e: {  	_ =	shalt  }
0x4f: {  	_ =	shalt  }
0x50: {  	_ =	shalt  }
0x51: {  	_ =	shalt  }
0x52: {  	_ =	shalt  }
0x53: {  	_ =	shalt  }
0x54: {  	_ =	shalt  }
0x55: {  	_ =	shalt  }
0x56: {  	_ =	shalt  }
0x57: {  	_ =	shalt  }
0x58: {  	_ =	shalt  }
0x59: {  	_ =	shalt  }
0x5a: {  	_ =	shalt  }
0x5b: {  	_ =	shalt  }
0x5c: {  	_ =	shalt  }
0x5d: {  	_ =	shalt  }
0x5e: {  	_ =	shalt  }
0x5f: {  	_ =	shalt  }
0x60: {  	_ =	shalt  }
0x61: {  	_ =	shalt  }
0x62: {  	_ =	shalt  }
0x63: {  	_ =	shalt  }
0x64: {  	_ =	shalt  }
0x65: {  	_ =	shalt  }
0x66: {  	_ =	shalt  }
0x67: {  	_ =	shalt  }
0x68: {  	_ =	shalt  }
0x69: {  	_ =	shalt  }
0x6a: {  	_ =	shalt  }
0x6b: {  	_ =	shalt  }
0x6c: {  	_ =	shalt  }
0x6d: {  	_ =	shalt  }
0x6e: {  	_ =	shalt  }
0x6f: {  	_ =	shalt  }
0x70: {  	_ =	shalt  }
0x71: {  	_ =	shalt  }
0x72: {  	_ =	shalt  }
0x73: {  	_ =	shalt  }
0x74: {  	_ =	shalt  }
0x75: {  	_ =	shalt  }
0x76: {  	_ =	shalt  }
0x77: {  	_ =	shalt  }
0x78: {  	_ =	shalt  }
0x79: {  	_ =	shalt  }
0x7a: {  	_ =	shalt  }
0x7b: {  	_ =	shalt  }
0x7c: {  	_ =	shalt  }
0x7d: {  	_ =	shalt  }
0x7e: {  	_ =	shalt  }
0x7f: {  	_ =	shalt  }
0x80: {  	_ =	shalt  }
0x81: {  	_ =	shalt  }
0x82: {  	_ =	shalt  }
0x83: {  	_ =	shalt  }
0x84: {  	_ =	shalt  }
0x85: {  	_ =	shalt  }
0x86: {  	_ =	shalt  }
0x87: {  	_ =	shalt  }
.Lfunc_end0:
.L_simem_size_0:
called_computation_lowered:
.L_overlay_start_0:
0x88: {  	s2 =	sld [smem:$0x3FD9]  }
0x89: {  	s3 =	sld [smem:$0x3FFE];
	_ =	sdelay $0x1  }
0x8a: {  	s1 =	srdreg.scid  }
0x8b: {  	s0 =	sand.u32 $0x1, s1  }
0x8c: {  	s16 =	sshll.u32 s0, $0xA;
	s2 =	sadd.s32 s3, s2  }
0x8d: {  	s2 =	sadd.s32 s2, s16  }
0x8e: {  	[smem:$0x3FC2] =	sst s2  }
0x8f: {  	_ = 	snop  }
0x90: {  	(tm) =	ssettm $0x1  }
0x91: {  	s17 =	sld [smem:$0x3FFB];
	_ =	sdelay $0x3  }
0x92: {  	_ =	strace s17  }
0x93: {  	s2 =	sld [smem:$0x3FFC];
	_ =	sdelay $0x3  }
0x94: {  	_ =	strace s2  }
0x95: {  	s2 =	sld [smem:$0x3FFD];
	_ =	sdelay $0x3  }
0x96: {  	_ =	strace s2  }
0x97: {  	_ =	strace $0x8FFFFFFF  }
0x98: {  	s18 =	sld [smem:$0x3FDB];
	_ =	sdelay $0x1  }
0x99: {  	s19 =	simm.s32 $_scs_section_size  }
0x9a: {  	s4 =	simm.s32 $_size__tile_overlayer_lowered;
	s5 =	simm.s32 $_tile_overlayer_lowered  }
0x9b: {  	s22 =	simm.s32 $0x1BFF;
	s21 =	sshll.u32 s5, $0x1;
	s2 =	sadd.s32 s19, s18  }
0x9c: {  	s6 =	simm.s32 $0x0;
	s20 =	sshll.u32 s4, $0x1;
	s4 =	sadd.s32 s21, s2  }
0x9d: {  	[timem:s6], [sflag:s22] =	dma.local [hbm:s4], s20  }
0x9e: {  	_ =	swait.ge [sflag:s22], s20  }
0x9f: {  	s3 =	ssub.s32 $0x0, s20;
	[sflag:s22] =	ssyncset.done $0x0  }
0xa0: {  	[sflag:s22] =	ssyncadd.s32 s3;
	_ =	sdelay $0x1  }
0xa1: {  	s23 =	simm.s32 $0x1B8B  }
0xa2: {  	_ =	swait.ge [sflag:s23], $0x1  }
0xa3: {  	[sflag:s23] =	ssyncset.done $0x0  }
0xa4: {  	s25 =	simm.s32 $0x1B8E;
	s24 =	sld [smem:$0x3FFE];
	[sflag:s23] =	ssyncadd.s32 $0xFFFFFFFF  }
0xa5: {  	s26 =	simm.s32 $execute0_lowered;
	[smem:$0x3FD2] =	sst s25  }
0xa6: {  	s4 =	sshll.u32 s26, $0x1;
	_ =	strace $0x80000046;
	[dreg:$0x1] =	wrdreg $0xFFFFFFFF  }
0xa7: {  	s28 =	simm.s32 $_size_execute0_lowered;
	s2 =	sadd.s32 s2, s4;
	[dreg:$0x0] =	wrdreg $0x0  }
0xa8: {  	s4 =	sshll.u32 s28, $0x1;
	[dreg:$0x2] =	wrdreg s2  }
0xa9: {  	[dreg:$0x3] =	wrdreg s4  }
0xaa: {  	[dreg:$0x4] =	wrdreg $0xC0  }
0xab: {  	_ =	task [dreg:s6], $0x5FFFF  }
0xac: {  	[dreg:$0x1] =	wrdreg $0xFFFFFFFF  }
0xad: {  	[dreg:$0x0] =	wrdreg $0x60  }
0xae: {  	[dreg:$0x2] =	wrdreg s24  }
0xaf: {  	[dreg:$0x3] =	wrdreg $0x9  }
0xb0: {  	_ =	task.clear_ibuf [dreg:s6], $0x4FFFF;
	_ =	strace $0x90000046  }
0xb1: {  	s29 =	simm.s32 $0x9;
	_ =	strace $0x80000048  }
0xb2: {  	_ =	swait.ge [sflag:s29], $0x1  }
0xb3: {  	[sflag:s29] =	ssyncadd.s32 $0xFFFFFFFF  }
0xb4: {  	_ =	strace $0x90000048  }
0xb5: {  	_ =	sfence  }
0xb6: {  	s30 =	sld [smem:$0x0];
	_ =	sdelay $0x2  }
0xb7: {  	s31 =	sshll.u32 s1, $0xD;
	s1 =	sshrl.u32 s1, $0x2  }
0xb8: {  	s3 =	sand.u32 $0x4000, s31;
	s1 =	sadd.s32 s1, s30  }
0xb9: {  	s0 =	sor.u32 s3, s0;
	s1 =	sshll.u32 s1, $0x11  }
0xba: {  	s0 =	sor.u32 s1, s0  }
0xbb: {  	s0 =	sadd.s32 $0x8F2B, s0  }
0xbc: {  	[sflag:s0] =	ssyncadd.remote.s32 $0x1  }
0xbd: {  	_ =	sfence.sel $0xFFFF  }
0xbe: {  	[dreg:$0x0] =	wrdreg $0xFFFFFFFF;
	(pc) =	sbr.abs _section_cstart, $3  }
0xbf: {  	[dreg:$0x1] =	wrdreg $0xFFFFFFFF  }
0xc0: {  	_ =	task.clear_ibuf [dreg:s6], $0x2FFFF;
	_ =	strace $0x9FFFFFFF  }
0xc1: {  	(tm) =	ssettm $0x7FFFFFFF  }
tec
execute0_lowered:
.L_overlay_start_1:
0x0: {  	(tag) =	ssettag $0x1  }
0x1: {  	s1 =	srdreg.scid;
	s0 =	stileid.u32  }
0x2: {  	s5 =	rddreg [dreg:$0x0];
	s2 =	simm.s32 $0x0;
	s3 =	sand.u32 $0x1, s1  }
0x3: {  	s8 =	simm.s32 $0x1;
	s28 =	sshrl.u32 s0, $0x3;
	s4 =	smul.u32 $0x28000, s3  }
0x4: {  	s9 =	simm.s32 $0x80;
	s10 =	simm.s32 $0x400;
	s6 =	smul.u32 $0x14000, s28  }
0x5: {  	s11 =	simm.s32 $0x0;
	s1 =	rddreg [dreg:$0x1];
	s7 =	sshll.u32 s0, $0x7  }
0x6: {  	[smem:$0x7FF] =	sst s2;
	s29 =	sand.u32 $0x380, s7;
	s4 =	sadd.s32 s4, s6  }
0x7: {  	_ =	strace $0x80000047;
	s30 =	ssub.s32 $0x2, s3;
	s4 =	sor.u32 s29, s4  }
0x8: {  	s3 =	sadd.s32 $0x15E00, s5;
	s31 =	sshrl.u32 s30, $0x1;
	s4 =	sshrl.u32 s4, $0x3  }
0x9: {  	s7 =	simm.s32 $0x2800;
	s6 =	ssub.s32 s30, s31;
	s5 =	sadd.s32 s4, s5  }
0xa: {  	v0 =	vimm.f32 $1.000000000e+00;
	s6 =	smax.u32 s6, $0x1;
	s4 =	sadd.s32 $0xBE00, s5;
	s5 =	sadd.s32 $0x16400, s5  }
.LBB2_1:
0xb: {  	[tilespmem:s7], [sflag:$0x1] =	stream.linear.gather [hbm4b:s3+s2], $0x2800, $0x38;
	[tilespmem:$0x5000] =	vst v63  }
0xc: {  	_ =	swait.ge [sflag:s8], $0x2800  }
0xd: {  	[sflag:s8] =	ssyncset.done $0x0  }
0xe: {  	[sflag:s8] =	ssyncadd.s32 $0xFFFFD800  }
0xf: {  	[tilespmem:s2], [sflag:$0x1] =	stream.strided.gather [hbm4b:s4+s9], $0x2800, s10, s9, $0x38;
	[tilespmem:$0x5000] =	vst v63  }
0x10: {  	_ =	swait.ge [sflag:s8], $0x2800  }
0x11: {  	[sflag:s8] =	ssyncset.done $0x0  }
0x12: {  	s12 =	simm.s32 $0xFFFFFFFC;
	s13 =	simm.s32 $0x20;
	[sflag:s8] =	ssyncadd.s32 $0xFFFFD800  }
.LBB2_2:
0x13: {  	v1 =	vld [tilespmem:s13+$0xFFFFFFE0];
	_ =	sdelay $0x7  }
0x14: {  	[tilespmem:v1+s7+$0x0] =	vst.idx.add.f32.msk $0xffff, v0  }
0x15: {  	v1 =	vld [tilespmem:s13+$0xFFFFFFF0];
	_ =	sdelay $0x7  }
0x16: {  	[tilespmem:v1+s7+$0x0] =	vst.idx.add.f32.msk $0xffff, v0  }
0x17: {  	v1 =	vld [tilespmem:s13+$0x0];
	_ =	sdelay $0x7  }
0x18: {  	[tilespmem:v1+s7+$0x0] =	vst.idx.add.f32.msk $0xffff, v0  }
0x19: {  	v1 =	vld [tilespmem:s13+$0x10];
	_ =	sdelay $0x1  }
0x1a: {  	s12 =	sadd.s32 $0x4, s12  }
0x1b: {  	p0 =	slt.u32 s12, $0x27C  }
.Ltmp0:
0x1c: {  	_ = 	snop;
	(pc) =	sbr.rel @p0 .LBB2_2-.Ltmp0, $2  }
0x1d: {  	_ =	sdelay $0x2  }
0x1e: {  	s13 =	sadd.s32 $0x40, s13;
	[tilespmem:v1+s7+$0x0] =	vst.idx.add.f32.msk $0xffff, v0  }
0x1f: {  	s11 =	sadd.s32 $0x1, s11  }
0x20: {  	p0 =	sne.s32 s11, s6  }
.Ltmp1:
0x21: {  	_ = 	snop;
	(pc) =	sbr.rel @p0 .LBB2_1-.Ltmp1, $4  }
0x22: {  	[hbm4b:s5+s9] =	stream.strided.scatter [tilespmem:s7], [sflag:$0x1], $0x2800, s10, s9, $0x38;
	[tilespmem:$0x5000] =	vst v63  }
0x23: {  	_ =	swait.ge [sflag:s8], $0x2800  }
0x24: {  	[sflag:s8] =	ssyncset.done $0x0  }
0x25: {  	[sflag:s8] =	ssyncadd.s32 $0xFFFFD800  }
0x26: {  	_ =	sfence.sel $0x180000  }
0x27: {  	[bflag:$0x0] =	sbarrier.arrive $0xFFFF  }
0x28: {  	p0 =	sne.s32 s0, $0x0;
	_ =	strace $0x90000047  }
0x29: {  	s0 =	sadd.s32 @!p0 $0x100000, s1;
	[bflag:$0x2] =	sbarrier.arrive $0xFFFF  }
0x2a: {  	[sflag:s0] =	ssyncadd.tile.s32 @!p0 $0x1;
	_ =	shalt  }
.Lfunc_end2:
_tile_overlayer_lowered:
.L_overlay_start_2:
0x2b: {  	(tag) =	ssettag $0x2  }
0x2c: {  	s0 =	rddreg [dreg:$0x0];
	s2 =	stileid.u32  }
0x2d: {  	s1 =	rddreg [dreg:$0x1];
	p0 =	sne.s32 s2, $0x0  }
0x2e: {  	s3 =	rddreg [dreg:$0x2];
	[bflag:$0x3] =	sbarrier.arrive $0xFFFF;
	s2 =	simm.s32 @!p0 $0x1C01  }
0x2f: {  	[timem:s3], [sflag:s2] =	dma.local @!p0 [hbm:s0], s1  }
0x30: {  	s0 =	simm.s32 @!p0 $0x1  }
0x31: {  	_ =	swait.ge @!p0 [sflag:s0], s1  }
0x32: {  	s1 =	ssub.s32 @!p0 $0x0, s1;
	[sflag:s0] =	ssyncset.done @!p0 $0x0  }
0x33: {  	[sflag:s0] =	ssyncadd.s32 @!p0 s1  }
0x34: {  	[bflag:$0x3] =	sbarrier.arrive $0xFFFF  }
0x35: {  	_ =	shalt  }

</sc_bundles>
